<compile_context>
chip_gen: v7x
topology: tpu7x:2x2x1
jax: 0.10.2.dev20260603
libtpu: 0.0.44.dev20260713+nightly
codegen_flags: <defaults>
</compile_context>

<pallas_src>
import functools

import jax
import jax.numpy as jnp
from jax import lax
from jax.experimental import pallas as pl
from jax.experimental.pallas import tpu as pltpu
from jax.experimental.pallas import tpu_sc as plsc

N = 10000
E = 320000
D = 128
G = 16

NC = 2
NS = 16
NW = NC * NS
NP = 10240
K = 80
EPT = E // NW
TPT = EPT // K
PAIRS = (TPT - 1) // 2
QUADS = (TPT - 5) // 4
ROWS_PER_TILE = NP // NS


def _deg_body(dst_hbm, ones_hbm, zeros_hbm, out_hbm,
              dst0, dst1, ones_v, hist, sd0, sd1):
    c = lax.axis_index("c")
    s = lax.axis_index("s")
    r0 = s * ROWS_PER_TILE
    pltpu.sync_copy(zeros_hbm.at[pl.ds(r0, ROWS_PER_TILE)],
                    hist.at[pl.ds(r0, ROWS_PER_TILE)])
    pltpu.sync_copy(ones_hbm, ones_v)
    plsc.subcore_barrier()
    base0 = (c * NS + s) * EPT

    def idx_start(t, v, si):
        pltpu.async_copy(dst_hbm.at[pl.ds(base0 + t * K, K)], v, si)

    idx_start(0, dst0, sd0)
    idx_start(1, dst1, sd1)

    def half(t, v, si):
        pltpu.make_async_copy(dst_hbm.at[pl.ds(base0 + t * K, K)], v, si).wait()
        pltpu.sync_copy(ones_v, hist.at[v], add=True)

        @pl.when(t + 2 < TPT)
        def _():
            idx_start(t + 2, v, si)

    def body(i, carry):
        half(2 * i, dst0, sd0)
        half(2 * i + 1, dst1, sd1)
        return carry

    lax.fori_loop(0, PAIRS, body, 0)
    half(TPT - 1, dst0, sd0)
    plsc.subcore_barrier()
    pltpu.sync_copy(hist.at[pl.ds(r0, ROWS_PER_TILE)],
                    out_hbm.at[c, pl.ds(r0, ROWS_PER_TILE)])


def _agg_body(g_hbm, src_hbm, dst_hbm, zeros_hbm, out_hbm,
              src0, src1, src2, src3, dst0, dst1, dst2, dst3,
              rows0, rows1, rows2, rows3,
              acc, si0, si1, si2, si3, sg0, sg1, sg2, sg3):
    c = lax.axis_index("c")
    s = lax.axis_index("s")
    r0 = s * ROWS_PER_TILE
    pltpu.sync_copy(zeros_hbm.at[pl.ds(r0, ROWS_PER_TILE)],
                    acc.at[pl.ds(r0, ROWS_PER_TILE)])
    plsc.subcore_barrier()
    base0 = (c * NS + s) * EPT

    def idx_start(t, srcv, dstv, si):
        base = base0 + t * K
        pltpu.async_copy(src_hbm.at[pl.ds(base, K)], srcv, si)
        pltpu.async_copy(dst_hbm.at[pl.ds(base, K)], dstv, si)

    def idx_wait(t, srcv, dstv, si):
        base = base0 + t * K
        pltpu.make_async_copy(src_hbm.at[pl.ds(base, K)], srcv, si).wait()
        pltpu.make_async_copy(dst_hbm.at[pl.ds(base, K)], dstv, si).wait()

    idx_start(0, src0, dst0, si0)
    idx_start(1, src1, dst1, si1)
    idx_start(2, src2, dst2, si2)
    idx_start(3, src3, dst3, si3)
    idx_wait(0, src0, dst0, si0)
    pltpu.async_copy(g_hbm.at[src0], rows0, sg0)
    idx_wait(1, src1, dst1, si1)
    pltpu.async_copy(g_hbm.at[src1], rows1, sg1)
    idx_wait(2, src2, dst2, si2)
    pltpu.async_copy(g_hbm.at[src2], rows2, sg2)

    def step(t, srcv, dstv, si, rows, sg, src3n, dst3n, si3n, rows3n, sg3n):
        pltpu.make_async_copy(g_hbm.at[srcv], rows, sg).wait()

        @pl.when(t + 3 < TPT)
        def _():
            idx_wait(t + 3, src3n, dst3n, si3n)
            pltpu.async_copy(g_hbm.at[src3n], rows3n, sg3n)

        pltpu.sync_copy(rows, acc.at[dstv], add=True)

        @pl.when(t + 4 < TPT)
        def _():
            idx_start(t + 4, srcv, dstv, si)

    def body(i, carry):
        t = 4 * i
        step(t, src0, dst0, si0, rows0, sg0, src3, dst3, si3, rows3, sg3)
        step(t + 1, src1, dst1, si1, rows1, sg1, src0, dst0, si0, rows0, sg0)
        step(t + 2, src2, dst2, si2, rows2, sg2, src1, dst1, si1, rows1, sg1)
        step(t + 3, src3, dst3, si3, rows3, sg3, src2, dst2, si2, rows2, sg2)
        return carry

    lax.fori_loop(0, QUADS, body, 0)
    step(TPT - 5, src0, dst0, si0, rows0, sg0, src3, dst3, si3, rows3, sg3)
    step(TPT - 4, src1, dst1, si1, rows1, sg1, src0, dst0, si0, rows0, sg0)
    step(TPT - 3, src2, dst2, si2, rows2, sg2, src1, dst1, si1, rows1, sg1)
    step(TPT - 2, src3, dst3, si3, rows3, sg3, src2, dst2, si2, rows2, sg2)
    step(TPT - 1, src0, dst0, si0, rows0, sg0, src3, dst3, si3, rows3, sg3)
    plsc.subcore_barrier()
    pltpu.sync_copy(acc.at[pl.ds(r0, ROWS_PER_TILE)],
                    out_hbm.at[c, pl.ds(r0, ROWS_PER_TILE)])


@functools.cache
def _sc_calls():
    mesh = plsc.VectorSubcoreMesh(core_axis_name="c", subcore_axis_name="s",
                                  num_cores=NC, num_subcores=NS)
    deg_call = pl.kernel(
        _deg_body,
        out_type=jax.ShapeDtypeStruct((NC, NP, D), jnp.float32),
        mesh=mesh,
        scratch_types=[
            pltpu.VMEM((K,), jnp.int32),
            pltpu.VMEM((K,), jnp.int32),
            pltpu.VMEM((K, D), jnp.float32),
            pltpu.VMEM_SHARED((NP, D), jnp.float32),
            pltpu.SemaphoreType.DMA,
            pltpu.SemaphoreType.DMA,
        ],
    )
    agg_call = pl.kernel(
        _agg_body,
        out_type=jax.ShapeDtypeStruct((NC, NP, D), jnp.float32),
        mesh=mesh,
        scratch_types=[
            pltpu.VMEM((K,), jnp.int32),
            pltpu.VMEM((K,), jnp.int32),
            pltpu.VMEM((K,), jnp.int32),
            pltpu.VMEM((K,), jnp.int32),
            pltpu.VMEM((K,), jnp.int32),
            pltpu.VMEM((K,), jnp.int32),
            pltpu.VMEM((K,), jnp.int32),
            pltpu.VMEM((K,), jnp.int32),
            pltpu.VMEM((K, D), jnp.float32),
            pltpu.VMEM((K, D), jnp.float32),
            pltpu.VMEM((K, D), jnp.float32),
            pltpu.VMEM((K, D), jnp.float32),
            pltpu.VMEM_SHARED((NP, D), jnp.float32),
            pltpu.SemaphoreType.DMA,
            pltpu.SemaphoreType.DMA,
            pltpu.SemaphoreType.DMA,
            pltpu.SemaphoreType.DMA,
            pltpu.SemaphoreType.DMA,
            pltpu.SemaphoreType.DMA,
            pltpu.SemaphoreType.DMA,
            pltpu.SemaphoreType.DMA,
        ],
    )
    return deg_call, agg_call


B = 512


def _dinv(h0_ref, h1_ref):
    deg = h0_ref[:, 0:1] + h1_ref[:, 0:1] + 1.0
    return lax.rsqrt(deg)


def _l1_body(x_ref, w_ref, h0_ref, h1_ref, g_ref):
    h = lax.dot_general(x_ref[...], w_ref[...], (((1,), (1,)), ((), ())),
                        preferred_element_type=jnp.float32)
    g_ref[...] = h * _dinv(h0_ref, h1_ref)


def _l2_body(s0_ref, s1_ref, g1_ref, h0_ref, h1_ref, w_ref, b_ref, g2_ref):
    dinv = _dinv(h0_ref, h1_ref)
    z = dinv * (s0_ref[...] + s1_ref[...] + g1_ref[...]) + b_ref[...]
    z = jnp.maximum(z, 0.0)
    h = lax.dot_general(z, w_ref[...], (((1,), (1,)), ((), ())),
                        preferred_element_type=jnp.float32)
    g2_ref[...] = h * dinv


def _fin_body(s0_ref, s1_ref, g2_ref, h0_ref, h1_ref, b_ref, bat_ref, out_ref):
    i = pl.program_id(0)
    dinv = _dinv(h0_ref, h1_ref)
    y = dinv * (s0_ref[...] + s1_ref[...] + g2_ref[...]) + b_ref[...]
    bat = bat_ref[...]
    neg = jnp.float32(-jnp.inf)

    @pl.when(i == 0)
    def _():
        out_ref[...] = jnp.full((G, D), neg, jnp.float32)

    rows = []
    for g in range(G):
        v = jnp.where(bat == jnp.float32(g), y, neg)
        rows.append(v.max(axis=0, keepdims=True))
    out_ref[...] = jnp.maximum(out_ref[...], jnp.concatenate(rows, axis=0))


_row_spec = pl.BlockSpec((B, D), lambda i: (i, 0))
_hist_spec = pl.BlockSpec((B, D), lambda i: (i, 0))
_w_spec = pl.BlockSpec((D, D), lambda i: (0, 0))
_b_spec = pl.BlockSpec((1, D), lambda i: (0, 0))

_l1_call = pl.pallas_call(
    _l1_body,
    grid=(NP // B,),
    in_specs=[_row_spec, _w_spec, _hist_spec, _hist_spec],
    out_specs=_row_spec,
    out_shape=jax.ShapeDtypeStruct((NP, D), jnp.float32),
)

_l2_call = pl.pallas_call(
    _l2_body,
    grid=(NP // B,),
    in_specs=[_row_spec, _row_spec, _row_spec, _hist_spec, _hist_spec,
              _w_spec, _b_spec],
    out_specs=_row_spec,
    out_shape=jax.ShapeDtypeStruct((NP, D), jnp.float32),
)

_fin_call = pl.pallas_call(
    _fin_body,
    grid=(NP // B,),
    in_specs=[_row_spec, _row_spec, _row_spec, _hist_spec, _hist_spec,
              _b_spec, _row_spec],
    out_specs=pl.BlockSpec((G, D), lambda i: (0, 0)),
    out_shape=jax.ShapeDtypeStruct((G, D), jnp.float32),
)


def kernel(x, edge_index, batch, W1, b1, W2, b2):
    src2 = edge_index[0]
    dst2 = edge_index[1]
    x_p = jnp.pad(x, ((0, NP - N), (0, 0)))
    batf = jnp.pad(batch.astype(jnp.float32), (0, NP - N),
                   constant_values=1e9)
    batf = jnp.broadcast_to(batf[:, None], (NP, D))
    zeros128 = jnp.zeros((NP, D), jnp.float32)
    ones = jnp.ones((K, D), jnp.float32)

    _deg_call, _agg_call = _sc_calls()
    hist = _deg_call(dst2, ones, zeros128)
    h0, h1 = hist[0], hist[1]
    g1 = _l1_call(x_p, W1, h0, h1)
    s1 = _agg_call(g1, src2, dst2, zeros128)
    g2 = _l2_call(s1[0], s1[1], g1, h0, h1, W2, b1.reshape(1, D))
    s2 = _agg_call(g2, src2, dst2, zeros128)
    return _fin_call(s2[0], s2[1], g2, h0, h1, b2.reshape(1, D), batf)

# --- scband reference (transcript-rebuilt; emitter-appended) ---
"""Pipeline reference for scband-gcnencoder-62062277427642 (READ-ONLY COPY).

The authoritative reference and input builder live on the scoring server;
editing this copy changes nothing except your own understanding.
"""

import jax, jax.numpy as jnp
import numpy as np

N = 10000
E = 320000
D = 128
G = 16


def setup_inputs(seed: int = 0) -> dict:
    key = jax.random.key(seed)
    k1, k2, k3, k4, k5 = jax.random.split(key, 5)
    x = jax.random.normal(k1, (N, D), dtype=jnp.float32)
    edge_index = jax.random.randint(k2, (2, E), 0, N)
    batch = jnp.sort(jax.random.randint(k3, (N,), 0, G))
    # GCNConv linear weights (glorot-like init) and zero biases, one per layer
    s = 1.0 / np.sqrt(D)
    W1 = jax.random.uniform(k4, (D, D), dtype=jnp.float32, minval=-s, maxval=s)
    b1 = jnp.zeros((D,), dtype=jnp.float32)
    W2 = jax.random.uniform(k5, (D, D), dtype=jnp.float32, minval=-s, maxval=s)
    b2 = jnp.zeros((D,), dtype=jnp.float32)
    return {"x": x, "edge_index": edge_index, "batch": batch,
            "W1": W1, "b1": b1, "W2": W2, "b2": b2}


def _gcn_norm(edge_index, num_nodes, dtype):
    # PyG gcn_norm with add_self_loops=True: A_hat = A + I,
    # deg computed on dst (col), norm = d^{-1/2}[src] * d^{-1/2}[dst]
    loop = jnp.arange(num_nodes)
    src = jnp.concatenate([edge_index[0], loop])
    dst = jnp.concatenate([edge_index[1], loop])
    deg = jnp.zeros((num_nodes,), dtype=dtype).at[dst].add(1.0)
    dinv = jnp.where(deg > 0, jax.lax.rsqrt(deg), 0.0)
    norm = dinv[src] * dinv[dst]
    return src, dst, norm


def _gcn_conv(x, src, dst, norm, W, b):
    h = x @ W.T                      # lin
    msg = h[src] * norm[:, None]     # gather + scale (message)
    out = jnp.zeros_like(h).at[dst].add(msg)  # scatter-add aggregate
    return out + b


def reference(x, edge_index, batch, W1, b1, W2, b2):
    n = x.shape[0]
    src, dst, norm = _gcn_norm(edge_index, n, x.dtype)
    # layer 1 (+ ReLU activation; dropout=0.0 / eval mode -> identity)
    h = _gcn_conv(x, src, dst, norm, W1, b1)
    h = jax.nn.relu(h)
    # final layer (no activation)
    h = _gcn_conv(h, src, dst, norm, W2, b2)
    # global max pool over graphs in the batch
    out = jax.ops.segment_max(h, batch, num_segments=G)
    return jnp.squeeze(out)

if __name__ == "__main__":
    import jax
    _d = setup_inputs()
    print(jax.jit(kernel)(*tuple(_d.values())))

</pallas_src>

<mosaic_0001>
#map = affine_map<(d0, d1) -> (0)>
#map1 = affine_map<(d0, d1) -> (0, 0)>
#map2 = affine_map<(d0, d1) -> (0, 0, 0)>
module attributes {stable_mosaic.version = 14 : i64} {
  func.func @_deg_body(%arg0: i32, %arg1: i32, %arg2: memref<320000xi32, #tpu.memory_space<hbm>>, %arg3: memref<80x128xf32, #tpu.memory_space<hbm>>, %arg4: memref<10240x128xf32, #tpu.memory_space<hbm>>, %arg5: memref<2x10240x128xf32, #tpu.memory_space<hbm>>, %arg6: memref<80xi32, #tpu.memory_space<vmem>>, %arg7: memref<80xi32, #tpu.memory_space<vmem>>, %arg8: memref<80x128xf32, #tpu.memory_space<vmem>>, %arg9: memref<10240x128xf32, #tpu.memory_space<vmem_shared>>, %arg10: memref<!tpu.dma_semaphore, #tpu.memory_space<semaphore_mem>>, %arg11: memref<!tpu.dma_semaphore, #tpu.memory_space<semaphore_mem>>) attributes {dimension_semantics = [#tpu.dimension_semantics<core_parallel>, #tpu.dimension_semantics<subcore_parallel>], iteration_bounds = array<i64: 2, 16>, scalar_prefetch = 0 : i64, scratch_operands = 6 : i64, tpu.core_type = #tpu.core_type<sc_vector_subcore>, window_params = [{transform_indices = #map}, {transform_indices = #map1}, {transform_indices = #map1}, {transform_indices = #map2}]} {
    %mul3A = arith.constant 640 : i32
    %mul3A_0 = arith.muli %arg1, %mul3A : i32
    "tpu.region"() ({
      %run_scoped3A = tpu.sem_alloc : memref<!tpu.dma_semaphore, #tpu.memory_space<semaphore_mem>>
      %dma_start3A_21 = arith.constant 0 : i32
      %dma_start3A_22 = tpu.memref_slice %arg9[%mul3A_0, %dma_start3A_21] : memref<10240x128xf32, #tpu.memory_space<vmem_shared>> -> memref<640x128xf32, #tpu.memory_space<vmem_shared>>
      %dma_start3A_23 = arith.constant 0 : i32
      %dma_start3A_24 = tpu.memref_slice %arg4[%mul3A_0, %dma_start3A_23] : memref<10240x128xf32, #tpu.memory_space<hbm>> -> memref<640x128xf32, #tpu.memory_space<hbm>>
      tpu.enqueue_dma source(%dma_start3A_24 : memref<640x128xf32, #tpu.memory_space<hbm>>) target(%dma_start3A_22 : memref<640x128xf32, #tpu.memory_space<vmem_shared>>) target_semaphore(%run_scoped3A : memref<!tpu.dma_semaphore, #tpu.memory_space<semaphore_mem>>)
      %dma_wait3A_25 = arith.constant 0 : i32
      %dma_wait3A_26 = tpu.memref_slice %arg9[%mul3A_0, %dma_wait3A_25] : memref<10240x128xf32, #tpu.memory_space<vmem_shared>> -> memref<640x128xf32, #tpu.memory_space<vmem_shared>>
      %dma_wait3A_27 = arith.constant 0 : i32
      %dma_wait3A_28 = tpu.memref_slice %arg4[%mul3A_0, %dma_wait3A_27] : memref<10240x128xf32, #tpu.memory_space<hbm>> -> memref<640x128xf32, #tpu.memory_space<hbm>>
      tpu.wait_dma2 semaphore(%run_scoped3A : memref<!tpu.dma_semaphore, #tpu.memory_space<semaphore_mem>>) src(%dma_wait3A_28 : memref<640x128xf32, #tpu.memory_space<hbm>>) dst(%dma_wait3A_26 : memref<640x128xf32, #tpu.memory_space<vmem_shared>>)
      tpu.yield
    }) : () -> ()
    "tpu.region"() ({
      %run_scoped3A = tpu.sem_alloc : memref<!tpu.dma_semaphore, #tpu.memory_space<semaphore_mem>>
      tpu.enqueue_dma source(%arg3 : memref<80x128xf32, #tpu.memory_space<hbm>>) target(%arg8 : memref<80x128xf32, #tpu.memory_space<vmem>>) target_semaphore(%run_scoped3A : memref<!tpu.dma_semaphore, #tpu.memory_space<semaphore_mem>>)
      tpu.wait_dma2 semaphore(%run_scoped3A : memref<!tpu.dma_semaphore, #tpu.memory_space<semaphore_mem>>) src(%arg3 : memref<80x128xf32, #tpu.memory_space<hbm>>) dst(%arg8 : memref<80x128xf32, #tpu.memory_space<vmem>>)
      tpu.yield
    }) : () -> ()
    %barrier3A = arith.constant 0 : index
    tpu.barrier barrier_id(%barrier3A)
    %mul3A_1 = arith.constant 16 : i32
    %mul3A_2 = arith.muli %arg0, %mul3A_1 : i32
    %add3A = arith.addi %mul3A_2, %arg1 : i32
    %mul3A_3 = arith.constant 10000 : i32
    %mul3A_4 = arith.muli %add3A, %mul3A_3 : i32
    %add3A_5 = arith.constant 0 : i32
    %add3A_6 = arith.addi %mul3A_4, %add3A_5 : i32
    %dma_start3A = tpu.memref_slice %arg2[%add3A_6] : memref<320000xi32, #tpu.memory_space<hbm>> -> memref<80xi32, #tpu.memory_space<hbm>>
    %dma_start3A_7 = tpu.memref_slice %arg2[%add3A_6] : memref<320000xi32, #tpu.memory_space<hbm>> -> memref<80xi32, #tpu.memory_space<hbm>>
    tpu.enqueue_dma source(%dma_start3A_7 : memref<80xi32, #tpu.memory_space<hbm>>) target(%arg6 : memref<80xi32, #tpu.memory_space<vmem>>) target_semaphore(%arg10 : memref<!tpu.dma_semaphore, #tpu.memory_space<semaphore_mem>>)
    %add3A_8 = arith.constant 80 : i32
    %add3A_9 = arith.addi %mul3A_4, %add3A_8 : i32
    %dma_start3A_10 = tpu.memref_slice %arg2[%add3A_9] : memref<320000xi32, #tpu.memory_space<hbm>> -> memref<80xi32, #tpu.memory_space<hbm>>
    %dma_start3A_11 = tpu.memref_slice %arg2[%add3A_9] : memref<320000xi32, #tpu.memory_space<hbm>> -> memref<80xi32, #tpu.memory_space<hbm>>
    tpu.enqueue_dma source(%dma_start3A_11 : memref<80xi32, #tpu.memory_space<hbm>>) target(%arg7 : memref<80xi32, #tpu.memory_space<vmem>>) target_semaphore(%arg11 : memref<!tpu.dma_semaphore, #tpu.memory_space<semaphore_mem>>)
    %scan3A = arith.constant 0 : i32
    %scan3A_12 = arith.constant 0 : i32
    %scan3A_13 = arith.constant 62 : i32
    %scan3A_14 = arith.addi %scan3A_12, %scan3A_13 : i32
    %scan3A_15 = arith.constant 1 : i32
    scf.for %scan3A_21 = %scan3A_12 to %scan3A_14 step %scan3A_15  : i32 {
      %mul3A_22 = arith.constant 2 : i32
      %mul3A_23 = arith.muli %mul3A_22, %scan3A_21 : i32
      %mul3A_24 = arith.constant 80 : i32
      %mul3A_25 = arith.muli %mul3A_23, %mul3A_24 : i32
      %add3A_26 = arith.addi %mul3A_4, %mul3A_25 : i32
      %dma_wait3A_27 = tpu.memref_slice %arg2[%add3A_26] : memref<320000xi32, #tpu.memory_space<hbm>> -> memref<80xi32, #tpu.memory_space<hbm>>
      %dma_wait3A_28 = tpu.memref_slice %arg2[%add3A_26] : memref<320000xi32, #tpu.memory_space<hbm>> -> memref<80xi32, #tpu.memory_space<hbm>>
      tpu.wait_dma2 semaphore(%arg10 : memref<!tpu.dma_semaphore, #tpu.memory_space<semaphore_mem>>) src(%dma_wait3A_28 : memref<80xi32, #tpu.memory_space<hbm>>) dst(%arg6 : memref<80xi32, #tpu.memory_space<vmem>>)
      "tpu.region"() ({
        %run_scoped3A = tpu.sem_alloc : memref<!tpu.dma_semaphore, #tpu.memory_space<semaphore_mem>>
        %dma_start3A_49 = arith.constant 0 : i32
        %dma_start3A_50 = arith.constant 0 : i32
        %dma_start3A_51 = tpu.memref_slice %arg9[%dma_start3A_49, %dma_start3A_50] : memref<10240x128xf32, #tpu.memory_space<vmem_shared>> -> memref<10240x128xf32, #tpu.memory_space<vmem_shared>>
        tpu.enqueue_indirect_dma source(%arg8 : memref<80x128xf32, #tpu.memory_space<vmem>>) target(%dma_start3A_51 : memref<10240x128xf32, #tpu.memory_space<vmem_shared>>) offsets(%arg6 : memref<80xi32, #tpu.memory_space<vmem>>) semaphore(%run_scoped3A : memref<!tpu.dma_semaphore, #tpu.memory_space<semaphore_mem>>) {add = true}
        %dma_wait3A_52 = arith.constant 0 : i32
        %dma_wait3A_53 = arith.constant 0 : i32
        %dma_wait3A_54 = tpu.memref_slice %arg9[%dma_wait3A_52, %dma_wait3A_53] : memref<10240x128xf32, #tpu.memory_space<vmem_shared>> -> memref<10240x128xf32, #tpu.memory_space<vmem_shared>>
        tpu.wait_indirect_dma semaphore(%run_scoped3A : memref<!tpu.dma_semaphore, #tpu.memory_space<semaphore_mem>>) src(%arg8 : memref<80x128xf32, #tpu.memory_space<vmem>>) dst(%dma_wait3A_54 : memref<10240x128xf32, #tpu.memory_space<vmem_shared>>)
        tpu.yield
      }) : () -> ()
      %add3A_29 = arith.constant 2 : i32
      %add3A_30 = arith.addi %mul3A_23, %add3A_29 : i32
      %lt3A = arith.constant 125 : i32
      %lt3A_31 = arith.cmpi slt, %add3A_30, %lt3A : i32
      %convert_element_type3A = arith.extui %lt3A_31 : i1 to i32
      %cond3A = arith.constant 0 : i32
      %cond3A_32 = arith.cmpi ne, %convert_element_type3A, %cond3A : i32
      scf.if %cond3A_32 {
        %add3A_49 = arith.constant 2 : i32
        %add3A_50 = arith.addi %mul3A_23, %add3A_49 : i32
        %mul3A_51 = arith.constant 80 : i32
        %mul3A_52 = arith.muli %add3A_50, %mul3A_51 : i32
        %add3A_53 = arith.addi %mul3A_4, %mul3A_52 : i32
        %dma_start3A_54 = tpu.memref_slice %arg2[%add3A_53] : memref<320000xi32, #tpu.memory_space<hbm>> -> memref<80xi32, #tpu.memory_space<hbm>>
        %dma_start3A_55 = tpu.memref_slice %arg2[%add3A_53] : memref<320000xi32, #tpu.memory_space<hbm>> -> memref<80xi32, #tpu.memory_space<hbm>>
        tpu.enqueue_dma source(%dma_start3A_55 : memref<80xi32, #tpu.memory_space<hbm>>) target(%arg6 : memref<80xi32, #tpu.memory_space<vmem>>) target_semaphore(%arg10 : memref<!tpu.dma_semaphore, #tpu.memory_space<semaphore_mem>>)
      } else {
      }
      %mul3A_33 = arith.constant 2 : i32
      %mul3A_34 = arith.muli %mul3A_33, %scan3A_21 : i32
      %add3A_35 = arith.constant 1 : i32
      %add3A_36 = arith.addi %mul3A_34, %add3A_35 : i32
      %mul3A_37 = arith.constant 80 : i32
      %mul3A_38 = arith.muli %add3A_36, %mul3A_37 : i32
      %add3A_39 = arith.addi %mul3A_4, %mul3A_38 : i32
      %dma_wait3A_40 = tpu.memref_slice %arg2[%add3A_39] : memref<320000xi32, #tpu.memory_space<hbm>> -> memref<80xi32, #tpu.memory_space<hbm>>
      %dma_wait3A_41 = tpu.memref_slice %arg2[%add3A_39] : memref<320000xi32, #tpu.memory_space<hbm>> -> memref<80xi32, #tpu.memory_space<hbm>>
      tpu.wait_dma2 semaphore(%arg11 : memref<!tpu.dma_semaphore, #tpu.memory_space<semaphore_mem>>) src(%dma_wait3A_41 : memref<80xi32, #tpu.memory_space<hbm>>) dst(%arg7 : memref<80xi32, #tpu.memory_space<vmem>>)
      "tpu.region"() ({
        %run_scoped3A = tpu.sem_alloc : memref<!tpu.dma_semaphore, #tpu.memory_space<semaphore_mem>>
        %dma_start3A_49 = arith.constant 0 : i32
        %dma_start3A_50 = arith.constant 0 : i32
        %dma_start3A_51 = tpu.memref_slice %arg9[%dma_start3A_49, %dma_start3A_50] : memref<10240x128xf32, #tpu.memory_space<vmem_shared>> -> memref<10240x128xf32, #tpu.memory_space<vmem_shared>>
        tpu.enqueue_indirect_dma source(%arg8 : memref<80x128xf32, #tpu.memory_space<vmem>>) target(%dma_start3A_51 : memref<10240x128xf32, #tpu.memory_space<vmem_shared>>) offsets(%arg7 : memref<80xi32, #tpu.memory_space<vmem>>) semaphore(%run_scoped3A : memref<!tpu.dma_semaphore, #tpu.memory_space<semaphore_mem>>) {add = true}
        %dma_wait3A_52 = arith.constant 0 : i32
        %dma_wait3A_53 = arith.constant 0 : i32
        %dma_wait3A_54 = tpu.memref_slice %arg9[%dma_wait3A_52, %dma_wait3A_53] : memref<10240x128xf32, #tpu.memory_space<vmem_shared>> -> memref<10240x128xf32, #tpu.memory_space<vmem_shared>>
        tpu.wait_indirect_dma semaphore(%run_scoped3A : memref<!tpu.dma_semaphore, #tpu.memory_space<semaphore_mem>>) src(%arg8 : memref<80x128xf32, #tpu.memory_space<vmem>>) dst(%dma_wait3A_54 : memref<10240x128xf32, #tpu.memory_space<vmem_shared>>)
        tpu.yield
      }) : () -> ()
      %add3A_42 = arith.constant 2 : i32
      %add3A_43 = arith.addi %add3A_36, %add3A_42 : i32
      %lt3A_44 = arith.constant 125 : i32
      %lt3A_45 = arith.cmpi slt, %add3A_43, %lt3A_44 : i32
      %convert_element_type3A_46 = arith.extui %lt3A_45 : i1 to i32
      %cond3A_47 = arith.constant 0 : i32
      %cond3A_48 = arith.cmpi ne, %convert_element_type3A_46, %cond3A_47 : i32
      scf.if %cond3A_48 {
        %add3A_49 = arith.constant 2 : i32
        %add3A_50 = arith.addi %add3A_36, %add3A_49 : i32
        %mul3A_51 = arith.constant 80 : i32
        %mul3A_52 = arith.muli %add3A_50, %mul3A_51 : i32
        %add3A_53 = arith.addi %mul3A_4, %mul3A_52 : i32
        %dma_start3A_54 = tpu.memref_slice %arg2[%add3A_53] : memref<320000xi32, #tpu.memory_space<hbm>> -> memref<80xi32, #tpu.memory_space<hbm>>
        %dma_start3A_55 = tpu.memref_slice %arg2[%add3A_53] : memref<320000xi32, #tpu.memory_space<hbm>> -> memref<80xi32, #tpu.memory_space<hbm>>
        tpu.enqueue_dma source(%dma_start3A_55 : memref<80xi32, #tpu.memory_space<hbm>>) target(%arg7 : memref<80xi32, #tpu.memory_space<vmem>>) target_semaphore(%arg11 : memref<!tpu.dma_semaphore, #tpu.memory_space<semaphore_mem>>)
      } else {
      }
    }
    %scan3A_16 = arith.constant 62 : i32
    %add3A_17 = arith.constant 9920 : i32
    %add3A_18 = arith.addi %mul3A_4, %add3A_17 : i32
    %dma_wait3A = tpu.memref_slice %arg2[%add3A_18] : memref<320000xi32, #tpu.memory_space<hbm>> -> memref<80xi32, #tpu.memory_space<hbm>>
    %dma_wait3A_19 = tpu.memref_slice %arg2[%add3A_18] : memref<320000xi32, #tpu.memory_space<hbm>> -> memref<80xi32, #tpu.memory_space<hbm>>
    tpu.wait_dma2 semaphore(%arg10 : memref<!tpu.dma_semaphore, #tpu.memory_space<semaphore_mem>>) src(%dma_wait3A_19 : memref<80xi32, #tpu.memory_space<hbm>>) dst(%arg6 : memref<80xi32, #tpu.memory_space<vmem>>)
    "tpu.region"() ({
      %run_scoped3A = tpu.sem_alloc : memref<!tpu.dma_semaphore, #tpu.memory_space<semaphore_mem>>
      %dma_start3A_21 = arith.constant 0 : i32
      %dma_start3A_22 = arith.constant 0 : i32
      %dma_start3A_23 = tpu.memref_slice %arg9[%dma_start3A_21, %dma_start3A_22] : memref<10240x128xf32, #tpu.memory_space<vmem_shared>> -> memref<10240x128xf32, #tpu.memory_space<vmem_shared>>
      tpu.enqueue_indirect_dma source(%arg8 : memref<80x128xf32, #tpu.memory_space<vmem>>) target(%dma_start3A_23 : memref<10240x128xf32, #tpu.memory_space<vmem_shared>>) offsets(%arg6 : memref<80xi32, #tpu.memory_space<vmem>>) semaphore(%run_scoped3A : memref<!tpu.dma_semaphore, #tpu.memory_space<semaphore_mem>>) {add = true}
      %dma_wait3A_24 = arith.constant 0 : i32
      %dma_wait3A_25 = arith.constant 0 : i32
      %dma_wait3A_26 = tpu.memref_slice %arg9[%dma_wait3A_24, %dma_wait3A_25] : memref<10240x128xf32, #tpu.memory_space<vmem_shared>> -> memref<10240x128xf32, #tpu.memory_space<vmem_shared>>
      tpu.wait_indirect_dma semaphore(%run_scoped3A : memref<!tpu.dma_semaphore, #tpu.memory_space<semaphore_mem>>) src(%arg8 : memref<80x128xf32, #tpu.memory_space<vmem>>) dst(%dma_wait3A_26 : memref<10240x128xf32, #tpu.memory_space<vmem_shared>>)
      tpu.yield
    }) : () -> ()
    %barrier3A_20 = arith.constant 0 : index
    tpu.barrier barrier_id(%barrier3A_20)
    "tpu.region"() ({
      %run_scoped3A = tpu.sem_alloc : memref<!tpu.dma_semaphore, #tpu.memory_space<semaphore_mem>>
      %dma_start3A_21 = arith.constant 0 : i32
      %dma_start3A_22 = tpu.memref_slice %arg5[%arg0, %mul3A_0, %dma_start3A_21] : memref<2x10240x128xf32, #tpu.memory_space<hbm>> -> memref<1x640x128xf32, #tpu.memory_space<hbm>>
      %dma_start3A_23 = tpu.memref_squeeze %dma_start3A_22 : memref<1x640x128xf32, #tpu.memory_space<hbm>> -> memref<640x128xf32, #tpu.memory_space<hbm>>
      %dma_start3A_24 = arith.constant 0 : i32
      %dma_start3A_25 = tpu.memref_slice %arg9[%mul3A_0, %dma_start3A_24] : memref<10240x128xf32, #tpu.memory_space<vmem_shared>> -> memref<640x128xf32, #tpu.memory_space<vmem_shared>>
      tpu.enqueue_dma source(%dma_start3A_25 : memref<640x128xf32, #tpu.memory_space<vmem_shared>>) target(%dma_start3A_23 : memref<640x128xf32, #tpu.memory_space<hbm>>) target_semaphore(%run_scoped3A : memref<!tpu.dma_semaphore, #tpu.memory_space<semaphore_mem>>)
      %dma_wait3A_26 = arith.constant 0 : i32
      %dma_wait3A_27 = tpu.memref_slice %arg5[%arg0, %mul3A_0, %dma_wait3A_26] : memref<2x10240x128xf32, #tpu.memory_space<hbm>> -> memref<1x640x128xf32, #tpu.memory_space<hbm>>
      %dma_wait3A_28 = tpu.memref_squeeze %dma_wait3A_27 : memref<1x640x128xf32, #tpu.memory_space<hbm>> -> memref<640x128xf32, #tpu.memory_space<hbm>>
      %dma_wait3A_29 = arith.constant 0 : i32
      %dma_wait3A_30 = tpu.memref_slice %arg9[%mul3A_0, %dma_wait3A_29] : memref<10240x128xf32, #tpu.memory_space<vmem_shared>> -> memref<640x128xf32, #tpu.memory_space<vmem_shared>>
      tpu.wait_dma2 semaphore(%run_scoped3A : memref<!tpu.dma_semaphore, #tpu.memory_space<semaphore_mem>>) src(%dma_wait3A_30 : memref<640x128xf32, #tpu.memory_space<vmem_shared>>) dst(%dma_wait3A_28 : memref<640x128xf32, #tpu.memory_space<hbm>>)
      tpu.yield
    }) : () -> ()
    return
  }
}

#map = affine_map<(d0, d1) -> (0, 0)>
#map1 = affine_map<(d0, d1) -> (0)>
#map2 = affine_map<(d0, d1) -> (0, 0, 0)>
module attributes {stable_mosaic.version = 14 : i64} {
  func.func @_agg_body(%arg0: i32, %arg1: i32, %arg2: memref<10240x128xf32, #tpu.memory_space<hbm>>, %arg3: memref<320000xi32, #tpu.memory_space<hbm>>, %arg4: memref<320000xi32, #tpu.memory_space<hbm>>, %arg5: memref<10240x128xf32, #tpu.memory_space<hbm>>, %arg6: memref<2x10240x128xf32, #tpu.memory_space<hbm>>, %arg7: memref<80xi32, #tpu.memory_space<vmem>>, %arg8: memref<80xi32, #tpu.memory_space<vmem>>, %arg9: memref<80xi32, #tpu.memory_space<vmem>>, %arg10: memref<80xi32, #tpu.memory_space<vmem>>, %arg11: memref<80xi32, #tpu.memory_space<vmem>>, %arg12: memref<80xi32, #tpu.memory_space<vmem>>, %arg13: memref<80xi32, #tpu.memory_space<vmem>>, %arg14: memref<80xi32, #tpu.memory_space<vmem>>, %arg15: memref<80x128xf32, #tpu.memory_space<vmem>>, %arg16: memref<80x128xf32, #tpu.memory_space<vmem>>, %arg17: memref<80x128xf32, #tpu.memory_space<vmem>>, %arg18: memref<80x128xf32, #tpu.memory_space<vmem>>, %arg19: memref<10240x128xf32, #tpu.memory_space<vmem_shared>>, %arg20: memref<!tpu.dma_semaphore, #tpu.memory_space<semaphore_mem>>, %arg21: memref<!tpu.dma_semaphore, #tpu.memory_space<semaphore_mem>>, %arg22: memref<!tpu.dma_semaphore, #tpu.memory_space<semaphore_mem>>, %arg23: memref<!tpu.dma_semaphore, #tpu.memory_space<semaphore_mem>>, %arg24: memref<!tpu.dma_semaphore, #tpu.memory_space<semaphore_mem>>, %arg25: memref<!tpu.dma_semaphore, #tpu.memory_space<semaphore_mem>>, %arg26: memref<!tpu.dma_semaphore, #tpu.memory_space<semaphore_mem>>, %arg27: memref<!tpu.dma_semaphore, #tpu.memory_space<semaphore_mem>>) attributes {dimension_semantics = [#tpu.dimension_semantics<core_parallel>, #tpu.dimension_semantics<subcore_parallel>], iteration_bounds = array<i64: 2, 16>, scalar_prefetch = 0 : i64, scratch_operands = 21 : i64, tpu.core_type = #tpu.core_type<sc_vector_subcore>, window_params = [{transform_indices = #map}, {transform_indices = #map1}, {transform_indices = #map1}, {transform_indices = #map}, {transform_indices = #map2}]} {
    %mul3A = arith.constant 640 : i32
    %mul3A_0 = arith.muli %arg1, %mul3A : i32
    "tpu.region"() ({
      %run_scoped3A = tpu.sem_alloc : memref<!tpu.dma_semaphore, #tpu.memory_space<semaphore_mem>>
      %dma_start3A_99 = arith.constant 0 : i32
      %dma_start3A_100 = tpu.memref_slice %arg19[%mul3A_0, %dma_start3A_99] : memref<10240x128xf32, #tpu.memory_space<vmem_shared>> -> memref<640x128xf32, #tpu.memory_space<vmem_shared>>
      %dma_start3A_101 = arith.constant 0 : i32
      %dma_start3A_102 = tpu.memref_slice %arg5[%mul3A_0, %dma_start3A_101] : memref<10240x128xf32, #tpu.memory_space<hbm>> -> memref<640x128xf32, #tpu.memory_space<hbm>>
      tpu.enqueue_dma source(%dma_start3A_102 : memref<640x128xf32, #tpu.memory_space<hbm>>) target(%dma_start3A_100 : memref<640x128xf32, #tpu.memory_space<vmem_shared>>) target_semaphore(%run_scoped3A : memref<!tpu.dma_semaphore, #tpu.memory_space<semaphore_mem>>)
      %dma_wait3A_103 = arith.constant 0 : i32
      %dma_wait3A_104 = tpu.memref_slice %arg19[%mul3A_0, %dma_wait3A_103] : memref<10240x128xf32, #tpu.memory_space<vmem_shared>> -> memref<640x128xf32, #tpu.memory_space<vmem_shared>>
      %dma_wait3A_105 = arith.constant 0 : i32
      %dma_wait3A_106 = tpu.memref_slice %arg5[%mul3A_0, %dma_wait3A_105] : memref<10240x128xf32, #tpu.memory_space<hbm>> -> memref<640x128xf32, #tpu.memory_space<hbm>>
      tpu.wait_dma2 semaphore(%run_scoped3A : memref<!tpu.dma_semaphore, #tpu.memory_space<semaphore_mem>>) src(%dma_wait3A_106 : memref<640x128xf32, #tpu.memory_space<hbm>>) dst(%dma_wait3A_104 : memref<640x128xf32, #tpu.memory_space<vmem_shared>>)
      tpu.yield
    }) : () -> ()
    %barrier3A = arith.constant 0 : index
    tpu.barrier barrier_id(%barrier3A)
    %mul3A_1 = arith.constant 16 : i32
    %mul3A_2 = arith.muli %arg0, %mul3A_1 : i32
    %add3A = arith.addi %mul3A_2, %arg1 : i32
    %mul3A_3 = arith.constant 10000 : i32
    %mul3A_4 = arith.muli %add3A, %mul3A_3 : i32
    %add3A_5 = arith.constant 0 : i32
    %add3A_6 = arith.addi %mul3A_4, %add3A_5 : i32
    %dma_start3A = tpu.memref_slice %arg3[%add3A_6] : memref<320000xi32, #tpu.memory_space<hbm>> -> memref<80xi32, #tpu.memory_space<hbm>>
    %dma_start3A_7 = tpu.memref_slice %arg3[%add3A_6] : memref<320000xi32, #tpu.memory_space<hbm>> -> memref<80xi32, #tpu.memory_space<hbm>>
    tpu.enqueue_dma source(%dma_start3A_7 : memref<80xi32, #tpu.memory_space<hbm>>) target(%arg7 : memref<80xi32, #tpu.memory_space<vmem>>) target_semaphore(%arg20 : memref<!tpu.dma_semaphore, #tpu.memory_space<semaphore_mem>>)
    %dma_start3A_8 = tpu.memref_slice %arg4[%add3A_6] : memref<320000xi32, #tpu.memory_space<hbm>> -> memref<80xi32, #tpu.memory_space<hbm>>
    %dma_start3A_9 = tpu.memref_slice %arg4[%add3A_6] : memref<320000xi32, #tpu.memory_space<hbm>> -> memref<80xi32, #tpu.memory_space<hbm>>
    tpu.enqueue_dma source(%dma_start3A_9 : memref<80xi32, #tpu.memory_space<hbm>>) target(%arg11 : memref<80xi32, #tpu.memory_space<vmem>>) target_semaphore(%arg20 : memref<!tpu.dma_semaphore, #tpu.memory_space<semaphore_mem>>)
    %add3A_10 = arith.constant 80 : i32
    %add3A_11 = arith.addi %mul3A_4, %add3A_10 : i32
    %dma_start3A_12 = tpu.memref_slice %arg3[%add3A_11] : memref<320000xi32, #tpu.memory_space<hbm>> -> memref<80xi32, #tpu.memory_space<hbm>>
    %dma_start3A_13 = tpu.memref_slice %arg3[%add3A_11] : memref<320000xi32, #tpu.memory_space<hbm>> -> memref<80xi32, #tpu.memory_space<hbm>>
    tpu.enqueue_dma source(%dma_start3A_13 : memref<80xi32, #tpu.memory_space<hbm>>) target(%arg8 : memref<80xi32, #tpu.memory_space<vmem>>) target_semaphore(%arg21 : memref<!tpu.dma_semaphore, #tpu.memory_space<semaphore_mem>>)
    %dma_start3A_14 = tpu.memref_slice %arg4[%add3A_11] : memref<320000xi32, #tpu.memory_space<hbm>> -> memref<80xi32, #tpu.memory_space<hbm>>
    %dma_start3A_15 = tpu.memref_slice %arg4[%add3A_11] : memref<320000xi32, #tpu.memory_space<hbm>> -> memref<80xi32, #tpu.memory_space<hbm>>
    tpu.enqueue_dma source(%dma_start3A_15 : memref<80xi32, #tpu.memory_space<hbm>>) target(%arg12 : memref<80xi32, #tpu.memory_space<vmem>>) target_semaphore(%arg21 : memref<!tpu.dma_semaphore, #tpu.memory_space<semaphore_mem>>)
    %add3A_16 = arith.constant 160 : i32
    %add3A_17 = arith.addi %mul3A_4, %add3A_16 : i32
    %dma_start3A_18 = tpu.memref_slice %arg3[%add3A_17] : memref<320000xi32, #tpu.memory_space<hbm>> -> memref<80xi32, #tpu.memory_space<hbm>>
    %dma_start3A_19 = tpu.memref_slice %arg3[%add3A_17] : memref<320000xi32, #tpu.memory_space<hbm>> -> memref<80xi32, #tpu.memory_space<hbm>>
    tpu.enqueue_dma source(%dma_start3A_19 : memref<80xi32, #tpu.memory_space<hbm>>) target(%arg9 : memref<80xi32, #tpu.memory_space<vmem>>) target_semaphore(%arg22 : memref<!tpu.dma_semaphore, #tpu.memory_space<semaphore_mem>>)
    %dma_start3A_20 = tpu.memref_slice %arg4[%add3A_17] : memref<320000xi32, #tpu.memory_space<hbm>> -> memref<80xi32, #tpu.memory_space<hbm>>
    %dma_start3A_21 = tpu.memref_slice %arg4[%add3A_17] : memref<320000xi32, #tpu.memory_space<hbm>> -> memref<80xi32, #tpu.memory_space<hbm>>
    tpu.enqueue_dma source(%dma_start3A_21 : memref<80xi32, #tpu.memory_space<hbm>>) target(%arg13 : memref<80xi32, #tpu.memory_space<vmem>>) target_semaphore(%arg22 : memref<!tpu.dma_semaphore, #tpu.memory_space<semaphore_mem>>)
    %add3A_22 = arith.constant 240 : i32
    %add3A_23 = arith.addi %mul3A_4, %add3A_22 : i32
    %dma_start3A_24 = tpu.memref_slice %arg3[%add3A_23] : memref<320000xi32, #tpu.memory_space<hbm>> -> memref<80xi32, #tpu.memory_space<hbm>>
    %dma_start3A_25 = tpu.memref_slice %arg3[%add3A_23] : memref<320000xi32, #tpu.memory_space<hbm>> -> memref<80xi32, #tpu.memory_space<hbm>>
    tpu.enqueue_dma source(%dma_start3A_25 : memref<80xi32, #tpu.memory_space<hbm>>) target(%arg10 : memref<80xi32, #tpu.memory_space<vmem>>) target_semaphore(%arg23 : memref<!tpu.dma_semaphore, #tpu.memory_space<semaphore_mem>>)
    %dma_start3A_26 = tpu.memref_slice %arg4[%add3A_23] : memref<320000xi32, #tpu.memory_space<hbm>> -> memref<80xi32, #tpu.memory_space<hbm>>
    %dma_start3A_27 = tpu.memref_slice %arg4[%add3A_23] : memref<320000xi32, #tpu.memory_space<hbm>> -> memref<80xi32, #tpu.memory_space<hbm>>
    tpu.enqueue_dma source(%dma_start3A_27 : memref<80xi32, #tpu.memory_space<hbm>>) target(%arg14 : memref<80xi32, #tpu.memory_space<vmem>>) target_semaphore(%arg23 : memref<!tpu.dma_semaphore, #tpu.memory_space<semaphore_mem>>)
    %add3A_28 = arith.constant 0 : i32
    %add3A_29 = arith.addi %mul3A_4, %add3A_28 : i32
    %dma_wait3A = tpu.memref_slice %arg3[%add3A_29] : memref<320000xi32, #tpu.memory_space<hbm>> -> memref<80xi32, #tpu.memory_space<hbm>>
    %dma_wait3A_30 = tpu.memref_slice %arg3[%add3A_29] : memref<320000xi32, #tpu.memory_space<hbm>> -> memref<80xi32, #tpu.memory_space<hbm>>
    tpu.wait_dma2 semaphore(%arg20 : memref<!tpu.dma_semaphore, #tpu.memory_space<semaphore_mem>>) src(%dma_wait3A_30 : memref<80xi32, #tpu.memory_space<hbm>>) dst(%arg7 : memref<80xi32, #tpu.memory_space<vmem>>)
    %dma_wait3A_31 = tpu.memref_slice %arg4[%add3A_29] : memref<320000xi32, #tpu.memory_space<hbm>> -> memref<80xi32, #tpu.memory_space<hbm>>
    %dma_wait3A_32 = tpu.memref_slice %arg4[%add3A_29] : memref<320000xi32, #tpu.memory_space<hbm>> -> memref<80xi32, #tpu.memory_space<hbm>>
    tpu.wait_dma2 semaphore(%arg20 : memref<!tpu.dma_semaphore, #tpu.memory_space<semaphore_mem>>) src(%dma_wait3A_32 : memref<80xi32, #tpu.memory_space<hbm>>) dst(%arg11 : memref<80xi32, #tpu.memory_space<vmem>>)
    %dma_start3A_33 = arith.constant 0 : i32
    %dma_start3A_34 = arith.constant 0 : i32
    %dma_start3A_35 = tpu.memref_slice %arg2[%dma_start3A_33, %dma_start3A_34] : memref<10240x128xf32, #tpu.memory_space<hbm>> -> memref<10240x128xf32, #tpu.memory_space<hbm>>
    tpu.enqueue_indirect_dma source(%dma_start3A_35 : memref<10240x128xf32, #tpu.memory_space<hbm>>) target(%arg15 : memref<80x128xf32, #tpu.memory_space<vmem>>) offsets(%arg7 : memref<80xi32, #tpu.memory_space<vmem>>) semaphore(%arg24 : memref<!tpu.dma_semaphore, #tpu.memory_space<semaphore_mem>>)
    %add3A_36 = arith.constant 80 : i32
    %add3A_37 = arith.addi %mul3A_4, %add3A_36 : i32
    %dma_wait3A_38 = tpu.memref_slice %arg3[%add3A_37] : memref<320000xi32, #tpu.memory_space<hbm>> -> memref<80xi32, #tpu.memory_space<hbm>>
    %dma_wait3A_39 = tpu.memref_slice %arg3[%add3A_37] : memref<320000xi32, #tpu.memory_space<hbm>> -> memref<80xi32, #tpu.memory_space<hbm>>
    tpu.wait_dma2 semaphore(%arg21 : memref<!tpu.dma_semaphore, #tpu.memory_space<semaphore_mem>>) src(%dma_wait3A_39 : memref<80xi32, #tpu.memory_space<hbm>>) dst(%arg8 : memref<80xi32, #tpu.memory_space<vmem>>)
    %dma_wait3A_40 = tpu.memref_slice %arg4[%add3A_37] : memref<320000xi32, #tpu.memory_space<hbm>> -> memref<80xi32, #tpu.memory_space<hbm>>
    %dma_wait3A_41 = tpu.memref_slice %arg4[%add3A_37] : memref<320000xi32, #tpu.memory_space<hbm>> -> memref<80xi32, #tpu.memory_space<hbm>>
    tpu.wait_dma2 semaphore(%arg21 : memref<!tpu.dma_semaphore, #tpu.memory_space<semaphore_mem>>) src(%dma_wait3A_41 : memref<80xi32, #tpu.memory_space<hbm>>) dst(%arg12 : memref<80xi32, #tpu.memory_space<vmem>>)
    %dma_start3A_42 = arith.constant 0 : i32
    %dma_start3A_43 = arith.constant 0 : i32
    %dma_start3A_44 = tpu.memref_slice %arg2[%dma_start3A_42, %dma_start3A_43] : memref<10240x128xf32, #tpu.memory_space<hbm>> -> memref<10240x128xf32, #tpu.memory_space<hbm>>
    tpu.enqueue_indirect_dma source(%dma_start3A_44 : memref<10240x128xf32, #tpu.memory_space<hbm>>) target(%arg16 : memref<80x128xf32, #tpu.memory_space<vmem>>) offsets(%arg8 : memref<80xi32, #tpu.memory_space<vmem>>) semaphore(%arg25 : memref<!tpu.dma_semaphore, #tpu.memory_space<semaphore_mem>>)
    %add3A_45 = arith.constant 160 : i32
    %add3A_46 = arith.addi %mul3A_4, %add3A_45 : i32
    %dma_wait3A_47 = tpu.memref_slice %arg3[%add3A_46] : memref<320000xi32, #tpu.memory_space<hbm>> -> memref<80xi32, #tpu.memory_space<hbm>>
    %dma_wait3A_48 = tpu.memref_slice %arg3[%add3A_46] : memref<320000xi32, #tpu.memory_space<hbm>> -> memref<80xi32, #tpu.memory_space<hbm>>
    tpu.wait_dma2 semaphore(%arg22 : memref<!tpu.dma_semaphore, #tpu.memory_space<semaphore_mem>>) src(%dma_wait3A_48 : memref<80xi32, #tpu.memory_space<hbm>>) dst(%arg9 : memref<80xi32, #tpu.memory_space<vmem>>)
    %dma_wait3A_49 = tpu.memref_slice %arg4[%add3A_46] : memref<320000xi32, #tpu.memory_space<hbm>> -> memref<80xi32, #tpu.memory_space<hbm>>
    %dma_wait3A_50 = tpu.memref_slice %arg4[%add3A_46] : memref<320000xi32, #tpu.memory_space<hbm>> -> memref<80xi32, #tpu.memory_space<hbm>>
    tpu.wait_dma2 semaphore(%arg22 : memref<!tpu.dma_semaphore, #tpu.memory_space<semaphore_mem>>) src(%dma_wait3A_50 : memref<80xi32, #tpu.memory_space<hbm>>) dst(%arg13 : memref<80xi32, #tpu.memory_space<vmem>>)
    %dma_start3A_51 = arith.constant 0 : i32
    %dma_start3A_52 = arith.constant 0 : i32
    %dma_start3A_53 = tpu.memref_slice %arg2[%dma_start3A_51, %dma_start3A_52] : memref<10240x128xf32, #tpu.memory_space<hbm>> -> memref<10240x128xf32, #tpu.memory_space<hbm>>
    tpu.enqueue_indirect_dma source(%dma_start3A_53 : memref<10240x128xf32, #tpu.memory_space<hbm>>) target(%arg17 : memref<80x128xf32, #tpu.memory_space<vmem>>) offsets(%arg9 : memref<80xi32, #tpu.memory_space<vmem>>) semaphore(%arg26 : memref<!tpu.dma_semaphore, #tpu.memory_space<semaphore_mem>>)
    %scan3A = arith.constant 0 : i32
    %scan3A_54 = arith.constant 0 : i32
    %scan3A_55 = arith.constant 30 : i32
    %scan3A_56 = arith.addi %scan3A_54, %scan3A_55 : i32
    %scan3A_57 = arith.constant 1 : i32
    scf.for %scan3A_99 = %scan3A_54 to %scan3A_56 step %scan3A_57  : i32 {
      %mul3A_100 = arith.constant 4 : i32
      %mul3A_101 = arith.muli %mul3A_100, %scan3A_99 : i32
      %dma_wait3A_102 = arith.constant 0 : i32
      %dma_wait3A_103 = arith.constant 0 : i32
      %dma_wait3A_104 = tpu.memref_slice %arg2[%dma_wait3A_102, %dma_wait3A_103] : memref<10240x128xf32, #tpu.memory_space<hbm>> -> memref<10240x128xf32, #tpu.memory_space<hbm>>
      tpu.wait_indirect_dma semaphore(%arg24 : memref<!tpu.dma_semaphore, #tpu.memory_space<semaphore_mem>>) src(%dma_wait3A_104 : memref<10240x128xf32, #tpu.memory_space<hbm>>) dst(%arg15 : memref<80x128xf32, #tpu.memory_space<vmem>>)
      %add3A_105 = arith.constant 3 : i32
      %add3A_106 = arith.addi %mul3A_101, %add3A_105 : i32
      %lt3A = arith.constant 125 : i32
      %lt3A_107 = arith.cmpi slt, %add3A_106, %lt3A : i32
      %convert_element_type3A = arith.extui %lt3A_107 : i1 to i32
      %cond3A = arith.constant 0 : i32
      %cond3A_108 = arith.cmpi ne, %convert_element_type3A, %cond3A : i32
      scf.if %cond3A_108 {
        %add3A_173 = arith.constant 3 : i32
        %add3A_174 = arith.addi %mul3A_101, %add3A_173 : i32
        %mul3A_175 = arith.constant 80 : i32
        %mul3A_176 = arith.muli %add3A_174, %mul3A_175 : i32
        %add3A_177 = arith.addi %mul3A_4, %mul3A_176 : i32
        %dma_wait3A_178 = tpu.memref_slice %arg3[%add3A_177] : memref<320000xi32, #tpu.memory_space<hbm>> -> memref<80xi32, #tpu.memory_space<hbm>>
        %dma_wait3A_179 = tpu.memref_slice %arg3[%add3A_177] : memref<320000xi32, #tpu.memory_space<hbm>> -> memref<80xi32, #tpu.memory_space<hbm>>
        tpu.wait_dma2 semaphore(%arg23 : memref<!tpu.dma_semaphore, #tpu.memory_space<semaphore_mem>>) src(%dma_wait3A_179 : memref<80xi32, #tpu.memory_space<hbm>>) dst(%arg10 : memref<80xi32, #tpu.memory_space<vmem>>)
        %dma_wait3A_180 = tpu.memref_slice %arg4[%add3A_177] : memref<320000xi32, #tpu.memory_space<hbm>> -> memref<80xi32, #tpu.memory_space<hbm>>
        %dma_wait3A_181 = tpu.memref_slice %arg4[%add3A_177] : memref<320000xi32, #tpu.memory_space<hbm>> -> memref<80xi32, #tpu.memory_space<hbm>>
        tpu.wait_dma2 semaphore(%arg23 : memref<!tpu.dma_semaphore, #tpu.memory_space<semaphore_mem>>) src(%dma_wait3A_181 : memref<80xi32, #tpu.memory_space<hbm>>) dst(%arg14 : memref<80xi32, #tpu.memory_space<vmem>>)
        %dma_start3A_182 = arith.constant 0 : i32
        %dma_start3A_183 = arith.constant 0 : i32
        %dma_start3A_184 = tpu.memref_slice %arg2[%dma_start3A_182, %dma_start3A_183] : memref<10240x128xf32, #tpu.memory_space<hbm>> -> memref<10240x128xf32, #tpu.memory_space<hbm>>
        tpu.enqueue_indirect_dma source(%dma_start3A_184 : memref<10240x128xf32, #tpu.memory_space<hbm>>) target(%arg18 : memref<80x128xf32, #tpu.memory_space<vmem>>) offsets(%arg10 : memref<80xi32, #tpu.memory_space<vmem>>) semaphore(%arg27 : memref<!tpu.dma_semaphore, #tpu.memory_space<semaphore_mem>>)
      } else {
      }
      "tpu.region"() ({
        %run_scoped3A = tpu.sem_alloc : memref<!tpu.dma_semaphore, #tpu.memory_space<semaphore_mem>>
        %dma_start3A_173 = arith.constant 0 : i32
        %dma_start3A_174 = arith.constant 0 : i32
        %dma_start3A_175 = tpu.memref_slice %arg19[%dma_start3A_173, %dma_start3A_174] : memref<10240x128xf32, #tpu.memory_space<vmem_shared>> -> memref<10240x128xf32, #tpu.memory_space<vmem_shared>>
        tpu.enqueue_indirect_dma source(%arg15 : memref<80x128xf32, #tpu.memory_space<vmem>>) target(%dma_start3A_175 : memref<10240x128xf32, #tpu.memory_space<vmem_shared>>) offsets(%arg11 : memref<80xi32, #tpu.memory_space<vmem>>) semaphore(%run_scoped3A : memref<!tpu.dma_semaphore, #tpu.memory_space<semaphore_mem>>) {add = true}
        %dma_wait3A_176 = arith.constant 0 : i32
        %dma_wait3A_177 = arith.constant 0 : i32
        %dma_wait3A_178 = tpu.memref_slice %arg19[%dma_wait3A_176, %dma_wait3A_177] : memref<10240x128xf32, #tpu.memory_space<vmem_shared>> -> memref<10240x128xf32, #tpu.memory_space<vmem_shared>>
        tpu.wait_indirect_dma semaphore(%run_scoped3A : memref<!tpu.dma_semaphore, #tpu.memory_space<semaphore_mem>>) src(%arg15 : memref<80x128xf32, #tpu.memory_space<vmem>>) dst(%dma_wait3A_178 : memref<10240x128xf32, #tpu.memory_space<vmem_shared>>)
        tpu.yield
      }) : () -> ()
      %add3A_109 = arith.constant 4 : i32
      %add3A_110 = arith.addi %mul3A_101, %add3A_109 : i32
      %lt3A_111 = arith.constant 125 : i32
      %lt3A_112 = arith.cmpi slt, %add3A_110, %lt3A_111 : i32
      %convert_element_type3A_113 = arith.extui %lt3A_112 : i1 to i32
      %cond3A_114 = arith.constant 0 : i32
      %cond3A_115 = arith.cmpi ne, %convert_element_type3A_113, %cond3A_114 : i32
      scf.if %cond3A_115 {
        %add3A_173 = arith.constant 4 : i32
        %add3A_174 = arith.addi %mul3A_101, %add3A_173 : i32
        %mul3A_175 = arith.constant 80 : i32
        %mul3A_176 = arith.muli %add3A_174, %mul3A_175 : i32
        %add3A_177 = arith.addi %mul3A_4, %mul3A_176 : i32
        %dma_start3A_178 = tpu.memref_slice %arg3[%add3A_177] : memref<320000xi32, #tpu.memory_space<hbm>> -> memref<80xi32, #tpu.memory_space<hbm>>
        %dma_start3A_179 = tpu.memref_slice %arg3[%add3A_177] : memref<320000xi32, #tpu.memory_space<hbm>> -> memref<80xi32, #tpu.memory_space<hbm>>
        tpu.enqueue_dma source(%dma_start3A_179 : memref<80xi32, #tpu.memory_space<hbm>>) target(%arg7 : memref<80xi32, #tpu.memory_space<vmem>>) target_semaphore(%arg20 : memref<!tpu.dma_semaphore, #tpu.memory_space<semaphore_mem>>)
        %dma_start3A_180 = tpu.memref_slice %arg4[%add3A_177] : memref<320000xi32, #tpu.memory_space<hbm>> -> memref<80xi32, #tpu.memory_space<hbm>>
        %dma_start3A_181 = tpu.memref_slice %arg4[%add3A_177] : memref<320000xi32, #tpu.memory_space<hbm>> -> memref<80xi32, #tpu.memory_space<hbm>>
        tpu.enqueue_dma source(%dma_start3A_181 : memref<80xi32, #tpu.memory_space<hbm>>) target(%arg11 : memref<80xi32, #tpu.memory_space<vmem>>) target_semaphore(%arg20 : memref<!tpu.dma_semaphore, #tpu.memory_space<semaphore_mem>>)
      } else {
      }
      %add3A_116 = arith.constant 1 : i32
      %add3A_117 = arith.addi %mul3A_101, %add3A_116 : i32
      %dma_wait3A_118 = arith.constant 0 : i32
      %dma_wait3A_119 = arith.constant 0 : i32
      %dma_wait3A_120 = tpu.memref_slice %arg2[%dma_wait3A_118, %dma_wait3A_119] : memref<10240x128xf32, #tpu.memory_space<hbm>> -> memref<10240x128xf32, #tpu.memory_space<hbm>>
      tpu.wait_indirect_dma semaphore(%arg25 : memref<!tpu.dma_semaphore, #tpu.memory_space<semaphore_mem>>) src(%dma_wait3A_120 : memref<10240x128xf32, #tpu.memory_space<hbm>>) dst(%arg16 : memref<80x128xf32, #tpu.memory_space<vmem>>)
      %add3A_121 = arith.constant 3 : i32
      %add3A_122 = arith.addi %add3A_117, %add3A_121 : i32
      %lt3A_123 = arith.constant 125 : i32
      %lt3A_124 = arith.cmpi slt, %add3A_122, %lt3A_123 : i32
      %convert_element_type3A_125 = arith.extui %lt3A_124 : i1 to i32
      %cond3A_126 = arith.constant 0 : i32
      %cond3A_127 = arith.cmpi ne, %convert_element_type3A_125, %cond3A_126 : i32
      scf.if %cond3A_127 {
        %add3A_173 = arith.constant 3 : i32
        %add3A_174 = arith.addi %add3A_117, %add3A_173 : i32
        %mul3A_175 = arith.constant 80 : i32
        %mul3A_176 = arith.muli %add3A_174, %mul3A_175 : i32
        %add3A_177 = arith.addi %mul3A_4, %mul3A_176 : i32
        %dma_wait3A_178 = tpu.memref_slice %arg3[%add3A_177] : memref<320000xi32, #tpu.memory_space<hbm>> -> memref<80xi32, #tpu.memory_space<hbm>>
        %dma_wait3A_179 = tpu.memref_slice %arg3[%add3A_177] : memref<320000xi32, #tpu.memory_space<hbm>> -> memref<80xi32, #tpu.memory_space<hbm>>
        tpu.wait_dma2 semaphore(%arg20 : memref<!tpu.dma_semaphore, #tpu.memory_space<semaphore_mem>>) src(%dma_wait3A_179 : memref<80xi32, #tpu.memory_space<hbm>>) dst(%arg7 : memref<80xi32, #tpu.memory_space<vmem>>)
        %dma_wait3A_180 = tpu.memref_slice %arg4[%add3A_177] : memref<320000xi32, #tpu.memory_space<hbm>> -> memref<80xi32, #tpu.memory_space<hbm>>
        %dma_wait3A_181 = tpu.memref_slice %arg4[%add3A_177] : memref<320000xi32, #tpu.memory_space<hbm>> -> memref<80xi32, #tpu.memory_space<hbm>>
        tpu.wait_dma2 semaphore(%arg20 : memref<!tpu.dma_semaphore, #tpu.memory_space<semaphore_mem>>) src(%dma_wait3A_181 : memref<80xi32, #tpu.memory_space<hbm>>) dst(%arg11 : memref<80xi32, #tpu.memory_space<vmem>>)
        %dma_start3A_182 = arith.constant 0 : i32
        %dma_start3A_183 = arith.constant 0 : i32
        %dma_start3A_184 = tpu.memref_slice %arg2[%dma_start3A_182, %dma_start3A_183] : memref<10240x128xf32, #tpu.memory_space<hbm>> -> memref<10240x128xf32, #tpu.memory_space<hbm>>
        tpu.enqueue_indirect_dma source(%dma_start3A_184 : memref<10240x128xf32, #tpu.memory_space<hbm>>) target(%arg15 : memref<80x128xf32, #tpu.memory_space<vmem>>) offsets(%arg7 : memref<80xi32, #tpu.memory_space<vmem>>) semaphore(%arg24 : memref<!tpu.dma_semaphore, #tpu.memory_space<semaphore_mem>>)
      } else {
      }
      "tpu.region"() ({
        %run_scoped3A = tpu.sem_alloc : memref<!tpu.dma_semaphore, #tpu.memory_space<semaphore_mem>>
        %dma_start3A_173 = arith.constant 0 : i32
        %dma_start3A_174 = arith.constant 0 : i32
        %dma_start3A_175 = tpu.memref_slice %arg19[%dma_start3A_173, %dma_start3A_174] : memref<10240x128xf32, #tpu.memory_space<vmem_shared>> -> memref<10240x128xf32, #tpu.memory_space<vmem_shared>>
        tpu.enqueue_indirect_dma source(%arg16 : memref<80x128xf32, #tpu.memory_space<vmem>>) target(%dma_start3A_175 : memref<10240x128xf32, #tpu.memory_space<vmem_shared>>) offsets(%arg12 : memref<80xi32, #tpu.memory_space<vmem>>) semaphore(%run_scoped3A : memref<!tpu.dma_semaphore, #tpu.memory_space<semaphore_mem>>) {add = true}
        %dma_wait3A_176 = arith.constant 0 : i32
        %dma_wait3A_177 = arith.constant 0 : i32
        %dma_wait3A_178 = tpu.memref_slice %arg19[%dma_wait3A_176, %dma_wait3A_177] : memref<10240x128xf32, #tpu.memory_space<vmem_shared>> -> memref<10240x128xf32, #tpu.memory_space<vmem_shared>>
        tpu.wait_indirect_dma semaphore(%run_scoped3A : memref<!tpu.dma_semaphore, #tpu.memory_space<semaphore_mem>>) src(%arg16 : memref<80x128xf32, #tpu.memory_space<vmem>>) dst(%dma_wait3A_178 : memref<10240x128xf32, #tpu.memory_space<vmem_shared>>)
        tpu.yield
      }) : () -> ()
      %add3A_128 = arith.constant 4 : i32
      %add3A_129 = arith.addi %add3A_117, %add3A_128 : i32
      %lt3A_130 = arith.constant 125 : i32
      %lt3A_131 = arith.cmpi slt, %add3A_129, %lt3A_130 : i32
      %convert_element_type3A_132 = arith.extui %lt3A_131 : i1 to i32
      %cond3A_133 = arith.constant 0 : i32
      %cond3A_134 = arith.cmpi ne, %convert_element_type3A_132, %cond3A_133 : i32
      scf.if %cond3A_134 {
        %add3A_173 = arith.constant 4 : i32
        %add3A_174 = arith.addi %add3A_117, %add3A_173 : i32
        %mul3A_175 = arith.constant 80 : i32
        %mul3A_176 = arith.muli %add3A_174, %mul3A_175 : i32
        %add3A_177 = arith.addi %mul3A_4, %mul3A_176 : i32
        %dma_start3A_178 = tpu.memref_slice %arg3[%add3A_177] : memref<320000xi32, #tpu.memory_space<hbm>> -> memref<80xi32, #tpu.memory_space<hbm>>
        %dma_start3A_179 = tpu.memref_slice %arg3[%add3A_177] : memref<320000xi32, #tpu.memory_space<hbm>> -> memref<80xi32, #tpu.memory_space<hbm>>
        tpu.enqueue_dma source(%dma_start3A_179 : memref<80xi32, #tpu.memory_space<hbm>>) target(%arg8 : memref<80xi32, #tpu.memory_space<vmem>>) target_semaphore(%arg21 : memref<!tpu.dma_semaphore, #tpu.memory_space<semaphore_mem>>)
        %dma_start3A_180 = tpu.memref_slice %arg4[%add3A_177] : memref<320000xi32, #tpu.memory_space<hbm>> -> memref<80xi32, #tpu.memory_space<hbm>>
        %dma_start3A_181 = tpu.memref_slice %arg4[%add3A_177] : memref<320000xi32, #tpu.memory_space<hbm>> -> memref<80xi32, #tpu.memory_space<hbm>>
        tpu.enqueue_dma source(%dma_start3A_181 : memref<80xi32, #tpu.memory_space<hbm>>) target(%arg12 : memref<80xi32, #tpu.memory_space<vmem>>) target_semaphore(%arg21 : memref<!tpu.dma_semaphore, #tpu.memory_space<semaphore_mem>>)
      } else {
      }
      %add3A_135 = arith.constant 2 : i32
      %add3A_136 = arith.addi %mul3A_101, %add3A_135 : i32
      %dma_wait3A_137 = arith.constant 0 : i32
      %dma_wait3A_138 = arith.constant 0 : i32
      %dma_wait3A_139 = tpu.memref_slice %arg2[%dma_wait3A_137, %dma_wait3A_138] : memref<10240x128xf32, #tpu.memory_space<hbm>> -> memref<10240x128xf32, #tpu.memory_space<hbm>>
      tpu.wait_indirect_dma semaphore(%arg26 : memref<!tpu.dma_semaphore, #tpu.memory_space<semaphore_mem>>) src(%dma_wait3A_139 : memref<10240x128xf32, #tpu.memory_space<hbm>>) dst(%arg17 : memref<80x128xf32, #tpu.memory_space<vmem>>)
      %add3A_140 = arith.constant 3 : i32
      %add3A_141 = arith.addi %add3A_136, %add3A_140 : i32
      %lt3A_142 = arith.constant 125 : i32
      %lt3A_143 = arith.cmpi slt, %add3A_141, %lt3A_142 : i32
      %convert_element_type3A_144 = arith.extui %lt3A_143 : i1 to i32
      %cond3A_145 = arith.constant 0 : i32
      %cond3A_146 = arith.cmpi ne, %convert_element_type3A_144, %cond3A_145 : i32
      scf.if %cond3A_146 {
        %add3A_173 = arith.constant 3 : i32
        %add3A_174 = arith.addi %add3A_136, %add3A_173 : i32
        %mul3A_175 = arith.constant 80 : i32
        %mul3A_176 = arith.muli %add3A_174, %mul3A_175 : i32
        %add3A_177 = arith.addi %mul3A_4, %mul3A_176 : i32
        %dma_wait3A_178 = tpu.memref_slice %arg3[%add3A_177] : memref<320000xi32, #tpu.memory_space<hbm>> -> memref<80xi32, #tpu.memory_space<hbm>>
        %dma_wait3A_179 = tpu.memref_slice %arg3[%add3A_177] : memref<320000xi32, #tpu.memory_space<hbm>> -> memref<80xi32, #tpu.memory_space<hbm>>
        tpu.wait_dma2 semaphore(%arg21 : memref<!tpu.dma_semaphore, #tpu.memory_space<semaphore_mem>>) src(%dma_wait3A_179 : memref<80xi32, #tpu.memory_space<hbm>>) dst(%arg8 : memref<80xi32, #tpu.memory_space<vmem>>)
        %dma_wait3A_180 = tpu.memref_slice %arg4[%add3A_177] : memref<320000xi32, #tpu.memory_space<hbm>> -> memref<80xi32, #tpu.memory_space<hbm>>
        %dma_wait3A_181 = tpu.memref_slice %arg4[%add3A_177] : memref<320000xi32, #tpu.memory_space<hbm>> -> memref<80xi32, #tpu.memory_space<hbm>>
        tpu.wait_dma2 semaphore(%arg21 : memref<!tpu.dma_semaphore, #tpu.memory_space<semaphore_mem>>) src(%dma_wait3A_181 : memref<80xi32, #tpu.memory_space<hbm>>) dst(%arg12 : memref<80xi32, #tpu.memory_space<vmem>>)
        %dma_start3A_182 = arith.constant 0 : i32
        %dma_start3A_183 = arith.constant 0 : i32
        %dma_start3A_184 = tpu.memref_slice %arg2[%dma_start3A_182, %dma_start3A_183] : memref<10240x128xf32, #tpu.memory_space<hbm>> -> memref<10240x128xf32, #tpu.memory_space<hbm>>
        tpu.enqueue_indirect_dma source(%dma_start3A_184 : memref<10240x128xf32, #tpu.memory_space<hbm>>) target(%arg16 : memref<80x128xf32, #tpu.memory_space<vmem>>) offsets(%arg8 : memref<80xi32, #tpu.memory_space<vmem>>) semaphore(%arg25 : memref<!tpu.dma_semaphore, #tpu.memory_space<semaphore_mem>>)
      } else {
      }
      "tpu.region"() ({
        %run_scoped3A = tpu.sem_alloc : memref<!tpu.dma_semaphore, #tpu.memory_space<semaphore_mem>>
        %dma_start3A_173 = arith.constant 0 : i32
        %dma_start3A_174 = arith.constant 0 : i32
        %dma_start3A_175 = tpu.memref_slice %arg19[%dma_start3A_173, %dma_start3A_174] : memref<10240x128xf32, #tpu.memory_space<vmem_shared>> -> memref<10240x128xf32, #tpu.memory_space<vmem_shared>>
        tpu.enqueue_indirect_dma source(%arg17 : memref<80x128xf32, #tpu.memory_space<vmem>>) target(%dma_start3A_175 : memref<10240x128xf32, #tpu.memory_space<vmem_shared>>) offsets(%arg13 : memref<80xi32, #tpu.memory_space<vmem>>) semaphore(%run_scoped3A : memref<!tpu.dma_semaphore, #tpu.memory_space<semaphore_mem>>) {add = true}
        %dma_wait3A_176 = arith.constant 0 : i32
        %dma_wait3A_177 = arith.constant 0 : i32
        %dma_wait3A_178 = tpu.memref_slice %arg19[%dma_wait3A_176, %dma_wait3A_177] : memref<10240x128xf32, #tpu.memory_space<vmem_shared>> -> memref<10240x128xf32, #tpu.memory_space<vmem_shared>>
        tpu.wait_indirect_dma semaphore(%run_scoped3A : memref<!tpu.dma_semaphore, #tpu.memory_space<semaphore_mem>>) src(%arg17 : memref<80x128xf32, #tpu.memory_space<vmem>>) dst(%dma_wait3A_178 : memref<10240x128xf32, #tpu.memory_space<vmem_shared>>)
        tpu.yield
      }) : () -> ()
      %add3A_147 = arith.constant 4 : i32
      %add3A_148 = arith.addi %add3A_136, %add3A_147 : i32
      %lt3A_149 = arith.constant 125 : i32
      %lt3A_150 = arith.cmpi slt, %add3A_148, %lt3A_149 : i32
      %convert_element_type3A_151 = arith.extui %lt3A_150 : i1 to i32
      %cond3A_152 = arith.constant 0 : i32
      %cond3A_153 = arith.cmpi ne, %convert_element_type3A_151, %cond3A_152 : i32
      scf.if %cond3A_153 {
        %add3A_173 = arith.constant 4 : i32
        %add3A_174 = arith.addi %add3A_136, %add3A_173 : i32
        %mul3A_175 = arith.constant 80 : i32
        %mul3A_176 = arith.muli %add3A_174, %mul3A_175 : i32
        %add3A_177 = arith.addi %mul3A_4, %mul3A_176 : i32
        %dma_start3A_178 = tpu.memref_slice %arg3[%add3A_177] : memref<320000xi32, #tpu.memory_space<hbm>> -> memref<80xi32, #tpu.memory_space<hbm>>
        %dma_start3A_179 = tpu.memref_slice %arg3[%add3A_177] : memref<320000xi32, #tpu.memory_space<hbm>> -> memref<80xi32, #tpu.memory_space<hbm>>
        tpu.enqueue_dma source(%dma_start3A_179 : memref<80xi32, #tpu.memory_space<hbm>>) target(%arg9 : memref<80xi32, #tpu.memory_space<vmem>>) target_semaphore(%arg22 : memref<!tpu.dma_semaphore, #tpu.memory_space<semaphore_mem>>)
        %dma_start3A_180 = tpu.memref_slice %arg4[%add3A_177] : memref<320000xi32, #tpu.memory_space<hbm>> -> memref<80xi32, #tpu.memory_space<hbm>>
        %dma_start3A_181 = tpu.memref_slice %arg4[%add3A_177] : memref<320000xi32, #tpu.memory_space<hbm>> -> memref<80xi32, #tpu.memory_space<hbm>>
        tpu.enqueue_dma source(%dma_start3A_181 : memref<80xi32, #tpu.memory_space<hbm>>) target(%arg13 : memref<80xi32, #tpu.memory_space<vmem>>) target_semaphore(%arg22 : memref<!tpu.dma_semaphore, #tpu.memory_space<semaphore_mem>>)
      } else {
      }
      %add3A_154 = arith.constant 3 : i32
      %add3A_155 = arith.addi %mul3A_101, %add3A_154 : i32
      %dma_wait3A_156 = arith.constant 0 : i32
      %dma_wait3A_157 = arith.constant 0 : i32
      %dma_wait3A_158 = tpu.memref_slice %arg2[%dma_wait3A_156, %dma_wait3A_157] : memref<10240x128xf32, #tpu.memory_space<hbm>> -> memref<10240x128xf32, #tpu.memory_space<hbm>>
      tpu.wait_indirect_dma semaphore(%arg27 : memref<!tpu.dma_semaphore, #tpu.memory_space<semaphore_mem>>) src(%dma_wait3A_158 : memref<10240x128xf32, #tpu.memory_space<hbm>>) dst(%arg18 : memref<80x128xf32, #tpu.memory_space<vmem>>)
      %add3A_159 = arith.constant 3 : i32
      %add3A_160 = arith.addi %add3A_155, %add3A_159 : i32
      %lt3A_161 = arith.constant 125 : i32
      %lt3A_162 = arith.cmpi slt, %add3A_160, %lt3A_161 : i32
      %convert_element_type3A_163 = arith.extui %lt3A_162 : i1 to i32
      %cond3A_164 = arith.constant 0 : i32
      %cond3A_165 = arith.cmpi ne, %convert_element_type3A_163, %cond3A_164 : i32
      scf.if %cond3A_165 {
        %add3A_173 = arith.constant 3 : i32
        %add3A_174 = arith.addi %add3A_155, %add3A_173 : i32
        %mul3A_175 = arith.constant 80 : i32
        %mul3A_176 = arith.muli %add3A_174, %mul3A_175 : i32
        %add3A_177 = arith.addi %mul3A_4, %mul3A_176 : i32
        %dma_wait3A_178 = tpu.memref_slice %arg3[%add3A_177] : memref<320000xi32, #tpu.memory_space<hbm>> -> memref<80xi32, #tpu.memory_space<hbm>>
        %dma_wait3A_179 = tpu.memref_slice %arg3[%add3A_177] : memref<320000xi32, #tpu.memory_space<hbm>> -> memref<80xi32, #tpu.memory_space<hbm>>
        tpu.wait_dma2 semaphore(%arg22 : memref<!tpu.dma_semaphore, #tpu.memory_space<semaphore_mem>>) src(%dma_wait3A_179 : memref<80xi32, #tpu.memory_space<hbm>>) dst(%arg9 : memref<80xi32, #tpu.memory_space<vmem>>)
        %dma_wait3A_180 = tpu.memref_slice %arg4[%add3A_177] : memref<320000xi32, #tpu.memory_space<hbm>> -> memref<80xi32, #tpu.memory_space<hbm>>
        %dma_wait3A_181 = tpu.memref_slice %arg4[%add3A_177] : memref<320000xi32, #tpu.memory_space<hbm>> -> memref<80xi32, #tpu.memory_space<hbm>>
        tpu.wait_dma2 semaphore(%arg22 : memref<!tpu.dma_semaphore, #tpu.memory_space<semaphore_mem>>) src(%dma_wait3A_181 : memref<80xi32, #tpu.memory_space<hbm>>) dst(%arg13 : memref<80xi32, #tpu.memory_space<vmem>>)
        %dma_start3A_182 = arith.constant 0 : i32
        %dma_start3A_183 = arith.constant 0 : i32
        %dma_start3A_184 = tpu.memref_slice %arg2[%dma_start3A_182, %dma_start3A_183] : memref<10240x128xf32, #tpu.memory_space<hbm>> -> memref<10240x128xf32, #tpu.memory_space<hbm>>
        tpu.enqueue_indirect_dma source(%dma_start3A_184 : memref<10240x128xf32, #tpu.memory_space<hbm>>) target(%arg17 : memref<80x128xf32, #tpu.memory_space<vmem>>) offsets(%arg9 : memref<80xi32, #tpu.memory_space<vmem>>) semaphore(%arg26 : memref<!tpu.dma_semaphore, #tpu.memory_space<semaphore_mem>>)
      } else {
      }
      "tpu.region"() ({
        %run_scoped3A = tpu.sem_alloc : memref<!tpu.dma_semaphore, #tpu.memory_space<semaphore_mem>>
        %dma_start3A_173 = arith.constant 0 : i32
        %dma_start3A_174 = arith.constant 0 : i32
        %dma_start3A_175 = tpu.memref_slice %arg19[%dma_start3A_173, %dma_start3A_174] : memref<10240x128xf32, #tpu.memory_space<vmem_shared>> -> memref<10240x128xf32, #tpu.memory_space<vmem_shared>>
        tpu.enqueue_indirect_dma source(%arg18 : memref<80x128xf32, #tpu.memory_space<vmem>>) target(%dma_start3A_175 : memref<10240x128xf32, #tpu.memory_space<vmem_shared>>) offsets(%arg14 : memref<80xi32, #tpu.memory_space<vmem>>) semaphore(%run_scoped3A : memref<!tpu.dma_semaphore, #tpu.memory_space<semaphore_mem>>) {add = true}
        %dma_wait3A_176 = arith.constant 0 : i32
        %dma_wait3A_177 = arith.constant 0 : i32
        %dma_wait3A_178 = tpu.memref_slice %arg19[%dma_wait3A_176, %dma_wait3A_177] : memref<10240x128xf32, #tpu.memory_space<vmem_shared>> -> memref<10240x128xf32, #tpu.memory_space<vmem_shared>>
        tpu.wait_indirect_dma semaphore(%run_scoped3A : memref<!tpu.dma_semaphore, #tpu.memory_space<semaphore_mem>>) src(%arg18 : memref<80x128xf32, #tpu.memory_space<vmem>>) dst(%dma_wait3A_178 : memref<10240x128xf32, #tpu.memory_space<vmem_shared>>)
        tpu.yield
      }) : () -> ()
      %add3A_166 = arith.constant 4 : i32
      %add3A_167 = arith.addi %add3A_155, %add3A_166 : i32
      %lt3A_168 = arith.constant 125 : i32
      %lt3A_169 = arith.cmpi slt, %add3A_167, %lt3A_168 : i32
      %convert_element_type3A_170 = arith.extui %lt3A_169 : i1 to i32
      %cond3A_171 = arith.constant 0 : i32
      %cond3A_172 = arith.cmpi ne, %convert_element_type3A_170, %cond3A_171 : i32
      scf.if %cond3A_172 {
        %add3A_173 = arith.constant 4 : i32
        %add3A_174 = arith.addi %add3A_155, %add3A_173 : i32
        %mul3A_175 = arith.constant 80 : i32
        %mul3A_176 = arith.muli %add3A_174, %mul3A_175 : i32
        %add3A_177 = arith.addi %mul3A_4, %mul3A_176 : i32
        %dma_start3A_178 = tpu.memref_slice %arg3[%add3A_177] : memref<320000xi32, #tpu.memory_space<hbm>> -> memref<80xi32, #tpu.memory_space<hbm>>
        %dma_start3A_179 = tpu.memref_slice %arg3[%add3A_177] : memref<320000xi32, #tpu.memory_space<hbm>> -> memref<80xi32, #tpu.memory_space<hbm>>
        tpu.enqueue_dma source(%dma_start3A_179 : memref<80xi32, #tpu.memory_space<hbm>>) target(%arg10 : memref<80xi32, #tpu.memory_space<vmem>>) target_semaphore(%arg23 : memref<!tpu.dma_semaphore, #tpu.memory_space<semaphore_mem>>)
        %dma_start3A_180 = tpu.memref_slice %arg4[%add3A_177] : memref<320000xi32, #tpu.memory_space<hbm>> -> memref<80xi32, #tpu.memory_space<hbm>>
        %dma_start3A_181 = tpu.memref_slice %arg4[%add3A_177] : memref<320000xi32, #tpu.memory_space<hbm>> -> memref<80xi32, #tpu.memory_space<hbm>>
        tpu.enqueue_dma source(%dma_start3A_181 : memref<80xi32, #tpu.memory_space<hbm>>) target(%arg14 : memref<80xi32, #tpu.memory_space<vmem>>) target_semaphore(%arg23 : memref<!tpu.dma_semaphore, #tpu.memory_space<semaphore_mem>>)
      } else {
      }
    }
    %scan3A_58 = arith.constant 30 : i32
    %dma_wait3A_59 = arith.constant 0 : i32
    %dma_wait3A_60 = arith.constant 0 : i32
    %dma_wait3A_61 = tpu.memref_slice %arg2[%dma_wait3A_59, %dma_wait3A_60] : memref<10240x128xf32, #tpu.memory_space<hbm>> -> memref<10240x128xf32, #tpu.memory_space<hbm>>
    tpu.wait_indirect_dma semaphore(%arg24 : memref<!tpu.dma_semaphore, #tpu.memory_space<semaphore_mem>>) src(%dma_wait3A_61 : memref<10240x128xf32, #tpu.memory_space<hbm>>) dst(%arg15 : memref<80x128xf32, #tpu.memory_space<vmem>>)
    %add3A_62 = arith.constant 9840 : i32
    %add3A_63 = arith.addi %mul3A_4, %add3A_62 : i32
    %dma_wait3A_64 = tpu.memref_slice %arg3[%add3A_63] : memref<320000xi32, #tpu.memory_space<hbm>> -> memref<80xi32, #tpu.memory_space<hbm>>
    %dma_wait3A_65 = tpu.memref_slice %arg3[%add3A_63] : memref<320000xi32, #tpu.memory_space<hbm>> -> memref<80xi32, #tpu.memory_space<hbm>>
    tpu.wait_dma2 semaphore(%arg23 : memref<!tpu.dma_semaphore, #tpu.memory_space<semaphore_mem>>) src(%dma_wait3A_65 : memref<80xi32, #tpu.memory_space<hbm>>) dst(%arg10 : memref<80xi32, #tpu.memory_space<vmem>>)
    %dma_wait3A_66 = tpu.memref_slice %arg4[%add3A_63] : memref<320000xi32, #tpu.memory_space<hbm>> -> memref<80xi32, #tpu.memory_space<hbm>>
    %dma_wait3A_67 = tpu.memref_slice %arg4[%add3A_63] : memref<320000xi32, #tpu.memory_space<hbm>> -> memref<80xi32, #tpu.memory_space<hbm>>
    tpu.wait_dma2 semaphore(%arg23 : memref<!tpu.dma_semaphore, #tpu.memory_space<semaphore_mem>>) src(%dma_wait3A_67 : memref<80xi32, #tpu.memory_space<hbm>>) dst(%arg14 : memref<80xi32, #tpu.memory_space<vmem>>)
    %dma_start3A_68 = arith.constant 0 : i32
    %dma_start3A_69 = arith.constant 0 : i32
    %dma_start3A_70 = tpu.memref_slice %arg2[%dma_start3A_68, %dma_start3A_69] : memref<10240x128xf32, #tpu.memory_space<hbm>> -> memref<10240x128xf32, #tpu.memory_space<hbm>>
    tpu.enqueue_indirect_dma source(%dma_start3A_70 : memref<10240x128xf32, #tpu.memory_space<hbm>>) target(%arg18 : memref<80x128xf32, #tpu.memory_space<vmem>>) offsets(%arg10 : memref<80xi32, #tpu.memory_space<vmem>>) semaphore(%arg27 : memref<!tpu.dma_semaphore, #tpu.memory_space<semaphore_mem>>)
    "tpu.region"() ({
      %run_scoped3A = tpu.sem_alloc : memref<!tpu.dma_semaphore, #tpu.memory_space<semaphore_mem>>
      %dma_start3A_99 = arith.constant 0 : i32
      %dma_start3A_100 = arith.constant 0 : i32
      %dma_start3A_101 = tpu.memref_slice %arg19[%dma_start3A_99, %dma_start3A_100] : memref<10240x128xf32, #tpu.memory_space<vmem_shared>> -> memref<10240x128xf32, #tpu.memory_space<vmem_shared>>
      tpu.enqueue_indirect_dma source(%arg15 : memref<80x128xf32, #tpu.memory_space<vmem>>) target(%dma_start3A_101 : memref<10240x128xf32, #tpu.memory_space<vmem_shared>>) offsets(%arg11 : memref<80xi32, #tpu.memory_space<vmem>>) semaphore(%run_scoped3A : memref<!tpu.dma_semaphore, #tpu.memory_space<semaphore_mem>>) {add = true}
      %dma_wait3A_102 = arith.constant 0 : i32
      %dma_wait3A_103 = arith.constant 0 : i32
      %dma_wait3A_104 = tpu.memref_slice %arg19[%dma_wait3A_102, %dma_wait3A_103] : memref<10240x128xf32, #tpu.memory_space<vmem_shared>> -> memref<10240x128xf32, #tpu.memory_space<vmem_shared>>
      tpu.wait_indirect_dma semaphore(%run_scoped3A : memref<!tpu.dma_semaphore, #tpu.memory_space<semaphore_mem>>) src(%arg15 : memref<80x128xf32, #tpu.memory_space<vmem>>) dst(%dma_wait3A_104 : memref<10240x128xf32, #tpu.memory_space<vmem_shared>>)
      tpu.yield
    }) : () -> ()
    %add3A_71 = arith.constant 9920 : i32
    %add3A_72 = arith.addi %mul3A_4, %add3A_71 : i32
    %dma_start3A_73 = tpu.memref_slice %arg3[%add3A_72] : memref<320000xi32, #tpu.memory_space<hbm>> -> memref<80xi32, #tpu.memory_space<hbm>>
    %dma_start3A_74 = tpu.memref_slice %arg3[%add3A_72] : memref<320000xi32, #tpu.memory_space<hbm>> -> memref<80xi32, #tpu.memory_space<hbm>>
    tpu.enqueue_dma source(%dma_start3A_74 : memref<80xi32, #tpu.memory_space<hbm>>) target(%arg7 : memref<80xi32, #tpu.memory_space<vmem>>) target_semaphore(%arg20 : memref<!tpu.dma_semaphore, #tpu.memory_space<semaphore_mem>>)
    %dma_start3A_75 = tpu.memref_slice %arg4[%add3A_72] : memref<320000xi32, #tpu.memory_space<hbm>> -> memref<80xi32, #tpu.memory_space<hbm>>
    %dma_start3A_76 = tpu.memref_slice %arg4[%add3A_72] : memref<320000xi32, #tpu.memory_space<hbm>> -> memref<80xi32, #tpu.memory_space<hbm>>
    tpu.enqueue_dma source(%dma_start3A_76 : memref<80xi32, #tpu.memory_space<hbm>>) target(%arg11 : memref<80xi32, #tpu.memory_space<vmem>>) target_semaphore(%arg20 : memref<!tpu.dma_semaphore, #tpu.memory_space<semaphore_mem>>)
    %dma_wait3A_77 = arith.constant 0 : i32
    %dma_wait3A_78 = arith.constant 0 : i32
    %dma_wait3A_79 = tpu.memref_slice %arg2[%dma_wait3A_77, %dma_wait3A_78] : memref<10240x128xf32, #tpu.memory_space<hbm>> -> memref<10240x128xf32, #tpu.memory_space<hbm>>
    tpu.wait_indirect_dma semaphore(%arg25 : memref<!tpu.dma_semaphore, #tpu.memory_space<semaphore_mem>>) src(%dma_wait3A_79 : memref<10240x128xf32, #tpu.memory_space<hbm>>) dst(%arg16 : memref<80x128xf32, #tpu.memory_space<vmem>>)
    %add3A_80 = arith.constant 9920 : i32
    %add3A_81 = arith.addi %mul3A_4, %add3A_80 : i32
    %dma_wait3A_82 = tpu.memref_slice %arg3[%add3A_81] : memref<320000xi32, #tpu.memory_space<hbm>> -> memref<80xi32, #tpu.memory_space<hbm>>
    %dma_wait3A_83 = tpu.memref_slice %arg3[%add3A_81] : memref<320000xi32, #tpu.memory_space<hbm>> -> memref<80xi32, #tpu.memory_space<hbm>>
    tpu.wait_dma2 semaphore(%arg20 : memref<!tpu.dma_semaphore, #tpu.memory_space<semaphore_mem>>) src(%dma_wait3A_83 : memref<80xi32, #tpu.memory_space<hbm>>) dst(%arg7 : memref<80xi32, #tpu.memory_space<vmem>>)
    %dma_wait3A_84 = tpu.memref_slice %arg4[%add3A_81] : memref<320000xi32, #tpu.memory_space<hbm>> -> memref<80xi32, #tpu.memory_space<hbm>>
    %dma_wait3A_85 = tpu.memref_slice %arg4[%add3A_81] : memref<320000xi32, #tpu.memory_space<hbm>> -> memref<80xi32, #tpu.memory_space<hbm>>
    tpu.wait_dma2 semaphore(%arg20 : memref<!tpu.dma_semaphore, #tpu.memory_space<semaphore_mem>>) src(%dma_wait3A_85 : memref<80xi32, #tpu.memory_space<hbm>>) dst(%arg11 : memref<80xi32, #tpu.memory_space<vmem>>)
    %dma_start3A_86 = arith.constant 0 : i32
    %dma_start3A_87 = arith.constant 0 : i32
    %dma_start3A_88 = tpu.memref_slice %arg2[%dma_start3A_86, %dma_start3A_87] : memref<10240x128xf32, #tpu.memory_space<hbm>> -> memref<10240x128xf32, #tpu.memory_space<hbm>>
    tpu.enqueue_indirect_dma source(%dma_start3A_88 : memref<10240x128xf32, #tpu.memory_space<hbm>>) target(%arg15 : memref<80x128xf32, #tpu.memory_space<vmem>>) offsets(%arg7 : memref<80xi32, #tpu.memory_space<vmem>>) semaphore(%arg24 : memref<!tpu.dma_semaphore, #tpu.memory_space<semaphore_mem>>)
    "tpu.region"() ({
      %run_scoped3A = tpu.sem_alloc : memref<!tpu.dma_semaphore, #tpu.memory_space<semaphore_mem>>
      %dma_start3A_99 = arith.constant 0 : i32
      %dma_start3A_100 = arith.constant 0 : i32
      %dma_start3A_101 = tpu.memref_slice %arg19[%dma_start3A_99, %dma_start3A_100] : memref<10240x128xf32, #tpu.memory_space<vmem_shared>> -> memref<10240x128xf32, #tpu.memory_space<vmem_shared>>
      tpu.enqueue_indirect_dma source(%arg16 : memref<80x128xf32, #tpu.memory_space<vmem>>) target(%dma_start3A_101 : memref<10240x128xf32, #tpu.memory_space<vmem_shared>>) offsets(%arg12 : memref<80xi32, #tpu.memory_space<vmem>>) semaphore(%run_scoped3A : memref<!tpu.dma_semaphore, #tpu.memory_space<semaphore_mem>>) {add = true}
      %dma_wait3A_102 = arith.constant 0 : i32
      %dma_wait3A_103 = arith.constant 0 : i32
      %dma_wait3A_104 = tpu.memref_slice %arg19[%dma_wait3A_102, %dma_wait3A_103] : memref<10240x128xf32, #tpu.memory_space<vmem_shared>> -> memref<10240x128xf32, #tpu.memory_space<vmem_shared>>
      tpu.wait_indirect_dma semaphore(%run_scoped3A : memref<!tpu.dma_semaphore, #tpu.memory_space<semaphore_mem>>) src(%arg16 : memref<80x128xf32, #tpu.memory_space<vmem>>) dst(%dma_wait3A_104 : memref<10240x128xf32, #tpu.memory_space<vmem_shared>>)
      tpu.yield
    }) : () -> ()
    %dma_wait3A_89 = arith.constant 0 : i32
    %dma_wait3A_90 = arith.constant 0 : i32
    %dma_wait3A_91 = tpu.memref_slice %arg2[%dma_wait3A_89, %dma_wait3A_90] : memref<10240x128xf32, #tpu.memory_space<hbm>> -> memref<10240x128xf32, #tpu.memory_space<hbm>>
    tpu.wait_indirect_dma semaphore(%arg26 : memref<!tpu.dma_semaphore, #tpu.memory_space<semaphore_mem>>) src(%dma_wait3A_91 : memref<10240x128xf32, #tpu.memory_space<hbm>>) dst(%arg17 : memref<80x128xf32, #tpu.memory_space<vmem>>)
    "tpu.region"() ({
      %run_scoped3A = tpu.sem_alloc : memref<!tpu.dma_semaphore, #tpu.memory_space<semaphore_mem>>
      %dma_start3A_99 = arith.constant 0 : i32
      %dma_start3A_100 = arith.constant 0 : i32
      %dma_start3A_101 = tpu.memref_slice %arg19[%dma_start3A_99, %dma_start3A_100] : memref<10240x128xf32, #tpu.memory_space<vmem_shared>> -> memref<10240x128xf32, #tpu.memory_space<vmem_shared>>
      tpu.enqueue_indirect_dma source(%arg17 : memref<80x128xf32, #tpu.memory_space<vmem>>) target(%dma_start3A_101 : memref<10240x128xf32, #tpu.memory_space<vmem_shared>>) offsets(%arg13 : memref<80xi32, #tpu.memory_space<vmem>>) semaphore(%run_scoped3A : memref<!tpu.dma_semaphore, #tpu.memory_space<semaphore_mem>>) {add = true}
      %dma_wait3A_102 = arith.constant 0 : i32
      %dma_wait3A_103 = arith.constant 0 : i32
      %dma_wait3A_104 = tpu.memref_slice %arg19[%dma_wait3A_102, %dma_wait3A_103] : memref<10240x128xf32, #tpu.memory_space<vmem_shared>> -> memref<10240x128xf32, #tpu.memory_space<vmem_shared>>
      tpu.wait_indirect_dma semaphore(%run_scoped3A : memref<!tpu.dma_semaphore, #tpu.memory_space<semaphore_mem>>) src(%arg17 : memref<80x128xf32, #tpu.memory_space<vmem>>) dst(%dma_wait3A_104 : memref<10240x128xf32, #tpu.memory_space<vmem_shared>>)
      tpu.yield
    }) : () -> ()
    %dma_wait3A_92 = arith.constant 0 : i32
    %dma_wait3A_93 = arith.constant 0 : i32
    %dma_wait3A_94 = tpu.memref_slice %arg2[%dma_wait3A_92, %dma_wait3A_93] : memref<10240x128xf32, #tpu.memory_space<hbm>> -> memref<10240x128xf32, #tpu.memory_space<hbm>>
    tpu.wait_indirect_dma semaphore(%arg27 : memref<!tpu.dma_semaphore, #tpu.memory_space<semaphore_mem>>) src(%dma_wait3A_94 : memref<10240x128xf32, #tpu.memory_space<hbm>>) dst(%arg18 : memref<80x128xf32, #tpu.memory_space<vmem>>)
    "tpu.region"() ({
      %run_scoped3A = tpu.sem_alloc : memref<!tpu.dma_semaphore, #tpu.memory_space<semaphore_mem>>
      %dma_start3A_99 = arith.constant 0 : i32
      %dma_start3A_100 = arith.constant 0 : i32
      %dma_start3A_101 = tpu.memref_slice %arg19[%dma_start3A_99, %dma_start3A_100] : memref<10240x128xf32, #tpu.memory_space<vmem_shared>> -> memref<10240x128xf32, #tpu.memory_space<vmem_shared>>
      tpu.enqueue_indirect_dma source(%arg18 : memref<80x128xf32, #tpu.memory_space<vmem>>) target(%dma_start3A_101 : memref<10240x128xf32, #tpu.memory_space<vmem_shared>>) offsets(%arg14 : memref<80xi32, #tpu.memory_space<vmem>>) semaphore(%run_scoped3A : memref<!tpu.dma_semaphore, #tpu.memory_space<semaphore_mem>>) {add = true}
      %dma_wait3A_102 = arith.constant 0 : i32
      %dma_wait3A_103 = arith.constant 0 : i32
      %dma_wait3A_104 = tpu.memref_slice %arg19[%dma_wait3A_102, %dma_wait3A_103] : memref<10240x128xf32, #tpu.memory_space<vmem_shared>> -> memref<10240x128xf32, #tpu.memory_space<vmem_shared>>
      tpu.wait_indirect_dma semaphore(%run_scoped3A : memref<!tpu.dma_semaphore, #tpu.memory_space<semaphore_mem>>) src(%arg18 : memref<80x128xf32, #tpu.memory_space<vmem>>) dst(%dma_wait3A_104 : memref<10240x128xf32, #tpu.memory_space<vmem_shared>>)
      tpu.yield
    }) : () -> ()
    %dma_wait3A_95 = arith.constant 0 : i32
    %dma_wait3A_96 = arith.constant 0 : i32
    %dma_wait3A_97 = tpu.memref_slice %arg2[%dma_wait3A_95, %dma_wait3A_96] : memref<10240x128xf32, #tpu.memory_space<hbm>> -> memref<10240x128xf32, #tpu.memory_space<hbm>>
    tpu.wait_indirect_dma semaphore(%arg24 : memref<!tpu.dma_semaphore, #tpu.memory_space<semaphore_mem>>) src(%dma_wait3A_97 : memref<10240x128xf32, #tpu.memory_space<hbm>>) dst(%arg15 : memref<80x128xf32, #tpu.memory_space<vmem>>)
    "tpu.region"() ({
      %run_scoped3A = tpu.sem_alloc : memref<!tpu.dma_semaphore, #tpu.memory_space<semaphore_mem>>
      %dma_start3A_99 = arith.constant 0 : i32
      %dma_start3A_100 = arith.constant 0 : i32
      %dma_start3A_101 = tpu.memref_slice %arg19[%dma_start3A_99, %dma_start3A_100] : memref<10240x128xf32, #tpu.memory_space<vmem_shared>> -> memref<10240x128xf32, #tpu.memory_space<vmem_shared>>
      tpu.enqueue_indirect_dma source(%arg15 : memref<80x128xf32, #tpu.memory_space<vmem>>) target(%dma_start3A_101 : memref<10240x128xf32, #tpu.memory_space<vmem_shared>>) offsets(%arg11 : memref<80xi32, #tpu.memory_space<vmem>>) semaphore(%run_scoped3A : memref<!tpu.dma_semaphore, #tpu.memory_space<semaphore_mem>>) {add = true}
      %dma_wait3A_102 = arith.constant 0 : i32
      %dma_wait3A_103 = arith.constant 0 : i32
      %dma_wait3A_104 = tpu.memref_slice %arg19[%dma_wait3A_102, %dma_wait3A_103] : memref<10240x128xf32, #tpu.memory_space<vmem_shared>> -> memref<10240x128xf32, #tpu.memory_space<vmem_shared>>
      tpu.wait_indirect_dma semaphore(%run_scoped3A : memref<!tpu.dma_semaphore, #tpu.memory_space<semaphore_mem>>) src(%arg15 : memref<80x128xf32, #tpu.memory_space<vmem>>) dst(%dma_wait3A_104 : memref<10240x128xf32, #tpu.memory_space<vmem_shared>>)
      tpu.yield
    }) : () -> ()
    %barrier3A_98 = arith.constant 0 : index
    tpu.barrier barrier_id(%barrier3A_98)
    "tpu.region"() ({
      %run_scoped3A = tpu.sem_alloc : memref<!tpu.dma_semaphore, #tpu.memory_space<semaphore_mem>>
      %dma_start3A_99 = arith.constant 0 : i32
      %dma_start3A_100 = tpu.memref_slice %arg6[%arg0, %mul3A_0, %dma_start3A_99] : memref<2x10240x128xf32, #tpu.memory_space<hbm>> -> memref<1x640x128xf32, #tpu.memory_space<hbm>>
      %dma_start3A_101 = tpu.memref_squeeze %dma_start3A_100 : memref<1x640x128xf32, #tpu.memory_space<hbm>> -> memref<640x128xf32, #tpu.memory_space<hbm>>
      %dma_start3A_102 = arith.constant 0 : i32
      %dma_start3A_103 = tpu.memref_slice %arg19[%mul3A_0, %dma_start3A_102] : memref<10240x128xf32, #tpu.memory_space<vmem_shared>> -> memref<640x128xf32, #tpu.memory_space<vmem_shared>>
      tpu.enqueue_dma source(%dma_start3A_103 : memref<640x128xf32, #tpu.memory_space<vmem_shared>>) target(%dma_start3A_101 : memref<640x128xf32, #tpu.memory_space<hbm>>) target_semaphore(%run_scoped3A : memref<!tpu.dma_semaphore, #tpu.memory_space<semaphore_mem>>)
      %dma_wait3A_104 = arith.constant 0 : i32
      %dma_wait3A_105 = tpu.memref_slice %arg6[%arg0, %mul3A_0, %dma_wait3A_104] : memref<2x10240x128xf32, #tpu.memory_space<hbm>> -> memref<1x640x128xf32, #tpu.memory_space<hbm>>
      %dma_wait3A_106 = tpu.memref_squeeze %dma_wait3A_105 : memref<1x640x128xf32, #tpu.memory_space<hbm>> -> memref<640x128xf32, #tpu.memory_space<hbm>>
      %dma_wait3A_107 = arith.constant 0 : i32
      %dma_wait3A_108 = tpu.memref_slice %arg19[%mul3A_0, %dma_wait3A_107] : memref<10240x128xf32, #tpu.memory_space<vmem_shared>> -> memref<640x128xf32, #tpu.memory_space<vmem_shared>>
      tpu.wait_dma2 semaphore(%run_scoped3A : memref<!tpu.dma_semaphore, #tpu.memory_space<semaphore_mem>>) src(%dma_wait3A_108 : memref<640x128xf32, #tpu.memory_space<vmem_shared>>) dst(%dma_wait3A_106 : memref<640x128xf32, #tpu.memory_space<hbm>>)
      tpu.yield
    }) : () -> ()
    return
  }
}

#map = affine_map<(d0, d1) -> (0, 0)>
#map1 = affine_map<(d0, d1) -> (0)>
#map2 = affine_map<(d0, d1) -> (0, 0, 0)>
module attributes {stable_mosaic.version = 14 : i64} {
  func.func @_agg_body(%arg0: i32, %arg1: i32, %arg2: memref<10240x128xf32, #tpu.memory_space<hbm>>, %arg3: memref<320000xi32, #tpu.memory_space<hbm>>, %arg4: memref<320000xi32, #tpu.memory_space<hbm>>, %arg5: memref<10240x128xf32, #tpu.memory_space<hbm>>, %arg6: memref<2x10240x128xf32, #tpu.memory_space<hbm>>, %arg7: memref<80xi32, #tpu.memory_space<vmem>>, %arg8: memref<80xi32, #tpu.memory_space<vmem>>, %arg9: memref<80xi32, #tpu.memory_space<vmem>>, %arg10: memref<80xi32, #tpu.memory_space<vmem>>, %arg11: memref<80xi32, #tpu.memory_space<vmem>>, %arg12: memref<80xi32, #tpu.memory_space<vmem>>, %arg13: memref<80xi32, #tpu.memory_space<vmem>>, %arg14: memref<80xi32, #tpu.memory_space<vmem>>, %arg15: memref<80x128xf32, #tpu.memory_space<vmem>>, %arg16: memref<80x128xf32, #tpu.memory_space<vmem>>, %arg17: memref<80x128xf32, #tpu.memory_space<vmem>>, %arg18: memref<80x128xf32, #tpu.memory_space<vmem>>, %arg19: memref<10240x128xf32, #tpu.memory_space<vmem_shared>>, %arg20: memref<!tpu.dma_semaphore, #tpu.memory_space<semaphore_mem>>, %arg21: memref<!tpu.dma_semaphore, #tpu.memory_space<semaphore_mem>>, %arg22: memref<!tpu.dma_semaphore, #tpu.memory_space<semaphore_mem>>, %arg23: memref<!tpu.dma_semaphore, #tpu.memory_space<semaphore_mem>>, %arg24: memref<!tpu.dma_semaphore, #tpu.memory_space<semaphore_mem>>, %arg25: memref<!tpu.dma_semaphore, #tpu.memory_space<semaphore_mem>>, %arg26: memref<!tpu.dma_semaphore, #tpu.memory_space<semaphore_mem>>, %arg27: memref<!tpu.dma_semaphore, #tpu.memory_space<semaphore_mem>>) attributes {dimension_semantics = [#tpu.dimension_semantics<core_parallel>, #tpu.dimension_semantics<subcore_parallel>], iteration_bounds = array<i64: 2, 16>, scalar_prefetch = 0 : i64, scratch_operands = 21 : i64, tpu.core_type = #tpu.core_type<sc_vector_subcore>, window_params = [{transform_indices = #map}, {transform_indices = #map1}, {transform_indices = #map1}, {transform_indices = #map}, {transform_indices = #map2}]} {
    %mul3A = arith.constant 640 : i32
    %mul3A_0 = arith.muli %arg1, %mul3A : i32
    "tpu.region"() ({
      %run_scoped3A = tpu.sem_alloc : memref<!tpu.dma_semaphore, #tpu.memory_space<semaphore_mem>>
      %dma_start3A_99 = arith.constant 0 : i32
      %dma_start3A_100 = tpu.memref_slice %arg19[%mul3A_0, %dma_start3A_99] : memref<10240x128xf32, #tpu.memory_space<vmem_shared>> -> memref<640x128xf32, #tpu.memory_space<vmem_shared>>
      %dma_start3A_101 = arith.constant 0 : i32
      %dma_start3A_102 = tpu.memref_slice %arg5[%mul3A_0, %dma_start3A_101] : memref<10240x128xf32, #tpu.memory_space<hbm>> -> memref<640x128xf32, #tpu.memory_space<hbm>>
      tpu.enqueue_dma source(%dma_start3A_102 : memref<640x128xf32, #tpu.memory_space<hbm>>) target(%dma_start3A_100 : memref<640x128xf32, #tpu.memory_space<vmem_shared>>) target_semaphore(%run_scoped3A : memref<!tpu.dma_semaphore, #tpu.memory_space<semaphore_mem>>)
      %dma_wait3A_103 = arith.constant 0 : i32
      %dma_wait3A_104 = tpu.memref_slice %arg19[%mul3A_0, %dma_wait3A_103] : memref<10240x128xf32, #tpu.memory_space<vmem_shared>> -> memref<640x128xf32, #tpu.memory_space<vmem_shared>>
      %dma_wait3A_105 = arith.constant 0 : i32
      %dma_wait3A_106 = tpu.memref_slice %arg5[%mul3A_0, %dma_wait3A_105] : memref<10240x128xf32, #tpu.memory_space<hbm>> -> memref<640x128xf32, #tpu.memory_space<hbm>>
      tpu.wait_dma2 semaphore(%run_scoped3A : memref<!tpu.dma_semaphore, #tpu.memory_space<semaphore_mem>>) src(%dma_wait3A_106 : memref<640x128xf32, #tpu.memory_space<hbm>>) dst(%dma_wait3A_104 : memref<640x128xf32, #tpu.memory_space<vmem_shared>>)
      tpu.yield
    }) : () -> ()
    %barrier3A = arith.constant 0 : index
    tpu.barrier barrier_id(%barrier3A)
    %mul3A_1 = arith.constant 16 : i32
    %mul3A_2 = arith.muli %arg0, %mul3A_1 : i32
    %add3A = arith.addi %mul3A_2, %arg1 : i32
    %mul3A_3 = arith.constant 10000 : i32
    %mul3A_4 = arith.muli %add3A, %mul3A_3 : i32
    %add3A_5 = arith.constant 0 : i32
    %add3A_6 = arith.addi %mul3A_4, %add3A_5 : i32
    %dma_start3A = tpu.memref_slice %arg3[%add3A_6] : memref<320000xi32, #tpu.memory_space<hbm>> -> memref<80xi32, #tpu.memory_space<hbm>>
    %dma_start3A_7 = tpu.memref_slice %arg3[%add3A_6] : memref<320000xi32, #tpu.memory_space<hbm>> -> memref<80xi32, #tpu.memory_space<hbm>>
    tpu.enqueue_dma source(%dma_start3A_7 : memref<80xi32, #tpu.memory_space<hbm>>) target(%arg7 : memref<80xi32, #tpu.memory_space<vmem>>) target_semaphore(%arg20 : memref<!tpu.dma_semaphore, #tpu.memory_space<semaphore_mem>>)
    %dma_start3A_8 = tpu.memref_slice %arg4[%add3A_6] : memref<320000xi32, #tpu.memory_space<hbm>> -> memref<80xi32, #tpu.memory_space<hbm>>
    %dma_start3A_9 = tpu.memref_slice %arg4[%add3A_6] : memref<320000xi32, #tpu.memory_space<hbm>> -> memref<80xi32, #tpu.memory_space<hbm>>
    tpu.enqueue_dma source(%dma_start3A_9 : memref<80xi32, #tpu.memory_space<hbm>>) target(%arg11 : memref<80xi32, #tpu.memory_space<vmem>>) target_semaphore(%arg20 : memref<!tpu.dma_semaphore, #tpu.memory_space<semaphore_mem>>)
    %add3A_10 = arith.constant 80 : i32
    %add3A_11 = arith.addi %mul3A_4, %add3A_10 : i32
    %dma_start3A_12 = tpu.memref_slice %arg3[%add3A_11] : memref<320000xi32, #tpu.memory_space<hbm>> -> memref<80xi32, #tpu.memory_space<hbm>>
    %dma_start3A_13 = tpu.memref_slice %arg3[%add3A_11] : memref<320000xi32, #tpu.memory_space<hbm>> -> memref<80xi32, #tpu.memory_space<hbm>>
    tpu.enqueue_dma source(%dma_start3A_13 : memref<80xi32, #tpu.memory_space<hbm>>) target(%arg8 : memref<80xi32, #tpu.memory_space<vmem>>) target_semaphore(%arg21 : memref<!tpu.dma_semaphore, #tpu.memory_space<semaphore_mem>>)
    %dma_start3A_14 = tpu.memref_slice %arg4[%add3A_11] : memref<320000xi32, #tpu.memory_space<hbm>> -> memref<80xi32, #tpu.memory_space<hbm>>
    %dma_start3A_15 = tpu.memref_slice %arg4[%add3A_11] : memref<320000xi32, #tpu.memory_space<hbm>> -> memref<80xi32, #tpu.memory_space<hbm>>
    tpu.enqueue_dma source(%dma_start3A_15 : memref<80xi32, #tpu.memory_space<hbm>>) target(%arg12 : memref<80xi32, #tpu.memory_space<vmem>>) target_semaphore(%arg21 : memref<!tpu.dma_semaphore, #tpu.memory_space<semaphore_mem>>)
    %add3A_16 = arith.constant 160 : i32
    %add3A_17 = arith.addi %mul3A_4, %add3A_16 : i32
    %dma_start3A_18 = tpu.memref_slice %arg3[%add3A_17] : memref<320000xi32, #tpu.memory_space<hbm>> -> memref<80xi32, #tpu.memory_space<hbm>>
    %dma_start3A_19 = tpu.memref_slice %arg3[%add3A_17] : memref<320000xi32, #tpu.memory_space<hbm>> -> memref<80xi32, #tpu.memory_space<hbm>>
    tpu.enqueue_dma source(%dma_start3A_19 : memref<80xi32, #tpu.memory_space<hbm>>) target(%arg9 : memref<80xi32, #tpu.memory_space<vmem>>) target_semaphore(%arg22 : memref<!tpu.dma_semaphore, #tpu.memory_space<semaphore_mem>>)
    %dma_start3A_20 = tpu.memref_slice %arg4[%add3A_17] : memref<320000xi32, #tpu.memory_space<hbm>> -> memref<80xi32, #tpu.memory_space<hbm>>
    %dma_start3A_21 = tpu.memref_slice %arg4[%add3A_17] : memref<320000xi32, #tpu.memory_space<hbm>> -> memref<80xi32, #tpu.memory_space<hbm>>
    tpu.enqueue_dma source(%dma_start3A_21 : memref<80xi32, #tpu.memory_space<hbm>>) target(%arg13 : memref<80xi32, #tpu.memory_space<vmem>>) target_semaphore(%arg22 : memref<!tpu.dma_semaphore, #tpu.memory_space<semaphore_mem>>)
    %add3A_22 = arith.constant 240 : i32
    %add3A_23 = arith.addi %mul3A_4, %add3A_22 : i32
    %dma_start3A_24 = tpu.memref_slice %arg3[%add3A_23] : memref<320000xi32, #tpu.memory_space<hbm>> -> memref<80xi32, #tpu.memory_space<hbm>>
    %dma_start3A_25 = tpu.memref_slice %arg3[%add3A_23] : memref<320000xi32, #tpu.memory_space<hbm>> -> memref<80xi32, #tpu.memory_space<hbm>>
    tpu.enqueue_dma source(%dma_start3A_25 : memref<80xi32, #tpu.memory_space<hbm>>) target(%arg10 : memref<80xi32, #tpu.memory_space<vmem>>) target_semaphore(%arg23 : memref<!tpu.dma_semaphore, #tpu.memory_space<semaphore_mem>>)
    %dma_start3A_26 = tpu.memref_slice %arg4[%add3A_23] : memref<320000xi32, #tpu.memory_space<hbm>> -> memref<80xi32, #tpu.memory_space<hbm>>
    %dma_start3A_27 = tpu.memref_slice %arg4[%add3A_23] : memref<320000xi32, #tpu.memory_space<hbm>> -> memref<80xi32, #tpu.memory_space<hbm>>
    tpu.enqueue_dma source(%dma_start3A_27 : memref<80xi32, #tpu.memory_space<hbm>>) target(%arg14 : memref<80xi32, #tpu.memory_space<vmem>>) target_semaphore(%arg23 : memref<!tpu.dma_semaphore, #tpu.memory_space<semaphore_mem>>)
    %add3A_28 = arith.constant 0 : i32
    %add3A_29 = arith.addi %mul3A_4, %add3A_28 : i32
    %dma_wait3A = tpu.memref_slice %arg3[%add3A_29] : memref<320000xi32, #tpu.memory_space<hbm>> -> memref<80xi32, #tpu.memory_space<hbm>>
    %dma_wait3A_30 = tpu.memref_slice %arg3[%add3A_29] : memref<320000xi32, #tpu.memory_space<hbm>> -> memref<80xi32, #tpu.memory_space<hbm>>
    tpu.wait_dma2 semaphore(%arg20 : memref<!tpu.dma_semaphore, #tpu.memory_space<semaphore_mem>>) src(%dma_wait3A_30 : memref<80xi32, #tpu.memory_space<hbm>>) dst(%arg7 : memref<80xi32, #tpu.memory_space<vmem>>)
    %dma_wait3A_31 = tpu.memref_slice %arg4[%add3A_29] : memref<320000xi32, #tpu.memory_space<hbm>> -> memref<80xi32, #tpu.memory_space<hbm>>
    %dma_wait3A_32 = tpu.memref_slice %arg4[%add3A_29] : memref<320000xi32, #tpu.memory_space<hbm>> -> memref<80xi32, #tpu.memory_space<hbm>>
    tpu.wait_dma2 semaphore(%arg20 : memref<!tpu.dma_semaphore, #tpu.memory_space<semaphore_mem>>) src(%dma_wait3A_32 : memref<80xi32, #tpu.memory_space<hbm>>) dst(%arg11 : memref<80xi32, #tpu.memory_space<vmem>>)
    %dma_start3A_33 = arith.constant 0 : i32
    %dma_start3A_34 = arith.constant 0 : i32
    %dma_start3A_35 = tpu.memref_slice %arg2[%dma_start3A_33, %dma_start3A_34] : memref<10240x128xf32, #tpu.memory_space<hbm>> -> memref<10240x128xf32, #tpu.memory_space<hbm>>
    tpu.enqueue_indirect_dma source(%dma_start3A_35 : memref<10240x128xf32, #tpu.memory_space<hbm>>) target(%arg15 : memref<80x128xf32, #tpu.memory_space<vmem>>) offsets(%arg7 : memref<80xi32, #tpu.memory_space<vmem>>) semaphore(%arg24 : memref<!tpu.dma_semaphore, #tpu.memory_space<semaphore_mem>>)
    %add3A_36 = arith.constant 80 : i32
    %add3A_37 = arith.addi %mul3A_4, %add3A_36 : i32
    %dma_wait3A_38 = tpu.memref_slice %arg3[%add3A_37] : memref<320000xi32, #tpu.memory_space<hbm>> -> memref<80xi32, #tpu.memory_space<hbm>>
    %dma_wait3A_39 = tpu.memref_slice %arg3[%add3A_37] : memref<320000xi32, #tpu.memory_space<hbm>> -> memref<80xi32, #tpu.memory_space<hbm>>
    tpu.wait_dma2 semaphore(%arg21 : memref<!tpu.dma_semaphore, #tpu.memory_space<semaphore_mem>>) src(%dma_wait3A_39 : memref<80xi32, #tpu.memory_space<hbm>>) dst(%arg8 : memref<80xi32, #tpu.memory_space<vmem>>)
    %dma_wait3A_40 = tpu.memref_slice %arg4[%add3A_37] : memref<320000xi32, #tpu.memory_space<hbm>> -> memref<80xi32, #tpu.memory_space<hbm>>
    %dma_wait3A_41 = tpu.memref_slice %arg4[%add3A_37] : memref<320000xi32, #tpu.memory_space<hbm>> -> memref<80xi32, #tpu.memory_space<hbm>>
    tpu.wait_dma2 semaphore(%arg21 : memref<!tpu.dma_semaphore, #tpu.memory_space<semaphore_mem>>) src(%dma_wait3A_41 : memref<80xi32, #tpu.memory_space<hbm>>) dst(%arg12 : memref<80xi32, #tpu.memory_space<vmem>>)
    %dma_start3A_42 = arith.constant 0 : i32
    %dma_start3A_43 = arith.constant 0 : i32
    %dma_start3A_44 = tpu.memref_slice %arg2[%dma_start3A_42, %dma_start3A_43] : memref<10240x128xf32, #tpu.memory_space<hbm>> -> memref<10240x128xf32, #tpu.memory_space<hbm>>
    tpu.enqueue_indirect_dma source(%dma_start3A_44 : memref<10240x128xf32, #tpu.memory_space<hbm>>) target(%arg16 : memref<80x128xf32, #tpu.memory_space<vmem>>) offsets(%arg8 : memref<80xi32, #tpu.memory_space<vmem>>) semaphore(%arg25 : memref<!tpu.dma_semaphore, #tpu.memory_space<semaphore_mem>>)
    %add3A_45 = arith.constant 160 : i32
    %add3A_46 = arith.addi %mul3A_4, %add3A_45 : i32
    %dma_wait3A_47 = tpu.memref_slice %arg3[%add3A_46] : memref<320000xi32, #tpu.memory_space<hbm>> -> memref<80xi32, #tpu.memory_space<hbm>>
    %dma_wait3A_48 = tpu.memref_slice %arg3[%add3A_46] : memref<320000xi32, #tpu.memory_space<hbm>> -> memref<80xi32, #tpu.memory_space<hbm>>
    tpu.wait_dma2 semaphore(%arg22 : memref<!tpu.dma_semaphore, #tpu.memory_space<semaphore_mem>>) src(%dma_wait3A_48 : memref<80xi32, #tpu.memory_space<hbm>>) dst(%arg9 : memref<80xi32, #tpu.memory_space<vmem>>)
    %dma_wait3A_49 = tpu.memref_slice %arg4[%add3A_46] : memref<320000xi32, #tpu.memory_space<hbm>> -> memref<80xi32, #tpu.memory_space<hbm>>
    %dma_wait3A_50 = tpu.memref_slice %arg4[%add3A_46] : memref<320000xi32, #tpu.memory_space<hbm>> -> memref<80xi32, #tpu.memory_space<hbm>>
    tpu.wait_dma2 semaphore(%arg22 : memref<!tpu.dma_semaphore, #tpu.memory_space<semaphore_mem>>) src(%dma_wait3A_50 : memref<80xi32, #tpu.memory_space<hbm>>) dst(%arg13 : memref<80xi32, #tpu.memory_space<vmem>>)
    %dma_start3A_51 = arith.constant 0 : i32
    %dma_start3A_52 = arith.constant 0 : i32
    %dma_start3A_53 = tpu.memref_slice %arg2[%dma_start3A_51, %dma_start3A_52] : memref<10240x128xf32, #tpu.memory_space<hbm>> -> memref<10240x128xf32, #tpu.memory_space<hbm>>
    tpu.enqueue_indirect_dma source(%dma_start3A_53 : memref<10240x128xf32, #tpu.memory_space<hbm>>) target(%arg17 : memref<80x128xf32, #tpu.memory_space<vmem>>) offsets(%arg9 : memref<80xi32, #tpu.memory_space<vmem>>) semaphore(%arg26 : memref<!tpu.dma_semaphore, #tpu.memory_space<semaphore_mem>>)
    %scan3A = arith.constant 0 : i32
    %scan3A_54 = arith.constant 0 : i32
    %scan3A_55 = arith.constant 30 : i32
    %scan3A_56 = arith.addi %scan3A_54, %scan3A_55 : i32
    %scan3A_57 = arith.constant 1 : i32
    scf.for %scan3A_99 = %scan3A_54 to %scan3A_56 step %scan3A_57  : i32 {
      %mul3A_100 = arith.constant 4 : i32
      %mul3A_101 = arith.muli %mul3A_100, %scan3A_99 : i32
      %dma_wait3A_102 = arith.constant 0 : i32
      %dma_wait3A_103 = arith.constant 0 : i32
      %dma_wait3A_104 = tpu.memref_slice %arg2[%dma_wait3A_102, %dma_wait3A_103] : memref<10240x128xf32, #tpu.memory_space<hbm>> -> memref<10240x128xf32, #tpu.memory_space<hbm>>
      tpu.wait_indirect_dma semaphore(%arg24 : memref<!tpu.dma_semaphore, #tpu.memory_space<semaphore_mem>>) src(%dma_wait3A_104 : memref<10240x128xf32, #tpu.memory_space<hbm>>) dst(%arg15 : memref<80x128xf32, #tpu.memory_space<vmem>>)
      %add3A_105 = arith.constant 3 : i32
      %add3A_106 = arith.addi %mul3A_101, %add3A_105 : i32
      %lt3A = arith.constant 125 : i32
      %lt3A_107 = arith.cmpi slt, %add3A_106, %lt3A : i32
      %convert_element_type3A = arith.extui %lt3A_107 : i1 to i32
      %cond3A = arith.constant 0 : i32
      %cond3A_108 = arith.cmpi ne, %convert_element_type3A, %cond3A : i32
      scf.if %cond3A_108 {
        %add3A_173 = arith.constant 3 : i32
        %add3A_174 = arith.addi %mul3A_101, %add3A_173 : i32
        %mul3A_175 = arith.constant 80 : i32
        %mul3A_176 = arith.muli %add3A_174, %mul3A_175 : i32
        %add3A_177 = arith.addi %mul3A_4, %mul3A_176 : i32
        %dma_wait3A_178 = tpu.memref_slice %arg3[%add3A_177] : memref<320000xi32, #tpu.memory_space<hbm>> -> memref<80xi32, #tpu.memory_space<hbm>>
        %dma_wait3A_179 = tpu.memref_slice %arg3[%add3A_177] : memref<320000xi32, #tpu.memory_space<hbm>> -> memref<80xi32, #tpu.memory_space<hbm>>
        tpu.wait_dma2 semaphore(%arg23 : memref<!tpu.dma_semaphore, #tpu.memory_space<semaphore_mem>>) src(%dma_wait3A_179 : memref<80xi32, #tpu.memory_space<hbm>>) dst(%arg10 : memref<80xi32, #tpu.memory_space<vmem>>)
        %dma_wait3A_180 = tpu.memref_slice %arg4[%add3A_177] : memref<320000xi32, #tpu.memory_space<hbm>> -> memref<80xi32, #tpu.memory_space<hbm>>
        %dma_wait3A_181 = tpu.memref_slice %arg4[%add3A_177] : memref<320000xi32, #tpu.memory_space<hbm>> -> memref<80xi32, #tpu.memory_space<hbm>>
        tpu.wait_dma2 semaphore(%arg23 : memref<!tpu.dma_semaphore, #tpu.memory_space<semaphore_mem>>) src(%dma_wait3A_181 : memref<80xi32, #tpu.memory_space<hbm>>) dst(%arg14 : memref<80xi32, #tpu.memory_space<vmem>>)
        %dma_start3A_182 = arith.constant 0 : i32
        %dma_start3A_183 = arith.constant 0 : i32
        %dma_start3A_184 = tpu.memref_slice %arg2[%dma_start3A_182, %dma_start3A_183] : memref<10240x128xf32, #tpu.memory_space<hbm>> -> memref<10240x128xf32, #tpu.memory_space<hbm>>
        tpu.enqueue_indirect_dma source(%dma_start3A_184 : memref<10240x128xf32, #tpu.memory_space<hbm>>) target(%arg18 : memref<80x128xf32, #tpu.memory_space<vmem>>) offsets(%arg10 : memref<80xi32, #tpu.memory_space<vmem>>) semaphore(%arg27 : memref<!tpu.dma_semaphore, #tpu.memory_space<semaphore_mem>>)
      } else {
      }
      "tpu.region"() ({
        %run_scoped3A = tpu.sem_alloc : memref<!tpu.dma_semaphore, #tpu.memory_space<semaphore_mem>>
        %dma_start3A_173 = arith.constant 0 : i32
        %dma_start3A_174 = arith.constant 0 : i32
        %dma_start3A_175 = tpu.memref_slice %arg19[%dma_start3A_173, %dma_start3A_174] : memref<10240x128xf32, #tpu.memory_space<vmem_shared>> -> memref<10240x128xf32, #tpu.memory_space<vmem_shared>>
        tpu.enqueue_indirect_dma source(%arg15 : memref<80x128xf32, #tpu.memory_space<vmem>>) target(%dma_start3A_175 : memref<10240x128xf32, #tpu.memory_space<vmem_shared>>) offsets(%arg11 : memref<80xi32, #tpu.memory_space<vmem>>) semaphore(%run_scoped3A : memref<!tpu.dma_semaphore, #tpu.memory_space<semaphore_mem>>) {add = true}
        %dma_wait3A_176 = arith.constant 0 : i32
        %dma_wait3A_177 = arith.constant 0 : i32
        %dma_wait3A_178 = tpu.memref_slice %arg19[%dma_wait3A_176, %dma_wait3A_177] : memref<10240x128xf32, #tpu.memory_space<vmem_shared>> -> memref<10240x128xf32, #tpu.memory_space<vmem_shared>>
        tpu.wait_indirect_dma semaphore(%run_scoped3A : memref<!tpu.dma_semaphore, #tpu.memory_space<semaphore_mem>>) src(%arg15 : memref<80x128xf32, #tpu.memory_space<vmem>>) dst(%dma_wait3A_178 : memref<10240x128xf32, #tpu.memory_space<vmem_shared>>)
        tpu.yield
      }) : () -> ()
      %add3A_109 = arith.constant 4 : i32
      %add3A_110 = arith.addi %mul3A_101, %add3A_109 : i32
      %lt3A_111 = arith.constant 125 : i32
      %lt3A_112 = arith.cmpi slt, %add3A_110, %lt3A_111 : i32
      %convert_element_type3A_113 = arith.extui %lt3A_112 : i1 to i32
      %cond3A_114 = arith.constant 0 : i32
      %cond3A_115 = arith.cmpi ne, %convert_element_type3A_113, %cond3A_114 : i32
      scf.if %cond3A_115 {
        %add3A_173 = arith.constant 4 : i32
        %add3A_174 = arith.addi %mul3A_101, %add3A_173 : i32
        %mul3A_175 = arith.constant 80 : i32
        %mul3A_176 = arith.muli %add3A_174, %mul3A_175 : i32
        %add3A_177 = arith.addi %mul3A_4, %mul3A_176 : i32
        %dma_start3A_178 = tpu.memref_slice %arg3[%add3A_177] : memref<320000xi32, #tpu.memory_space<hbm>> -> memref<80xi32, #tpu.memory_space<hbm>>
        %dma_start3A_179 = tpu.memref_slice %arg3[%add3A_177] : memref<320000xi32, #tpu.memory_space<hbm>> -> memref<80xi32, #tpu.memory_space<hbm>>
        tpu.enqueue_dma source(%dma_start3A_179 : memref<80xi32, #tpu.memory_space<hbm>>) target(%arg7 : memref<80xi32, #tpu.memory_space<vmem>>) target_semaphore(%arg20 : memref<!tpu.dma_semaphore, #tpu.memory_space<semaphore_mem>>)
        %dma_start3A_180 = tpu.memref_slice %arg4[%add3A_177] : memref<320000xi32, #tpu.memory_space<hbm>> -> memref<80xi32, #tpu.memory_space<hbm>>
        %dma_start3A_181 = tpu.memref_slice %arg4[%add3A_177] : memref<320000xi32, #tpu.memory_space<hbm>> -> memref<80xi32, #tpu.memory_space<hbm>>
        tpu.enqueue_dma source(%dma_start3A_181 : memref<80xi32, #tpu.memory_space<hbm>>) target(%arg11 : memref<80xi32, #tpu.memory_space<vmem>>) target_semaphore(%arg20 : memref<!tpu.dma_semaphore, #tpu.memory_space<semaphore_mem>>)
      } else {
      }
      %add3A_116 = arith.constant 1 : i32
      %add3A_117 = arith.addi %mul3A_101, %add3A_116 : i32
      %dma_wait3A_118 = arith.constant 0 : i32
      %dma_wait3A_119 = arith.constant 0 : i32
      %dma_wait3A_120 = tpu.memref_slice %arg2[%dma_wait3A_118, %dma_wait3A_119] : memref<10240x128xf32, #tpu.memory_space<hbm>> -> memref<10240x128xf32, #tpu.memory_space<hbm>>
      tpu.wait_indirect_dma semaphore(%arg25 : memref<!tpu.dma_semaphore, #tpu.memory_space<semaphore_mem>>) src(%dma_wait3A_120 : memref<10240x128xf32, #tpu.memory_space<hbm>>) dst(%arg16 : memref<80x128xf32, #tpu.memory_space<vmem>>)
      %add3A_121 = arith.constant 3 : i32
      %add3A_122 = arith.addi %add3A_117, %add3A_121 : i32
      %lt3A_123 = arith.constant 125 : i32
      %lt3A_124 = arith.cmpi slt, %add3A_122, %lt3A_123 : i32
      %convert_element_type3A_125 = arith.extui %lt3A_124 : i1 to i32
      %cond3A_126 = arith.constant 0 : i32
      %cond3A_127 = arith.cmpi ne, %convert_element_type3A_125, %cond3A_126 : i32
      scf.if %cond3A_127 {
        %add3A_173 = arith.constant 3 : i32
        %add3A_174 = arith.addi %add3A_117, %add3A_173 : i32
        %mul3A_175 = arith.constant 80 : i32
        %mul3A_176 = arith.muli %add3A_174, %mul3A_175 : i32
        %add3A_177 = arith.addi %mul3A_4, %mul3A_176 : i32
        %dma_wait3A_178 = tpu.memref_slice %arg3[%add3A_177] : memref<320000xi32, #tpu.memory_space<hbm>> -> memref<80xi32, #tpu.memory_space<hbm>>
        %dma_wait3A_179 = tpu.memref_slice %arg3[%add3A_177] : memref<320000xi32, #tpu.memory_space<hbm>> -> memref<80xi32, #tpu.memory_space<hbm>>
        tpu.wait_dma2 semaphore(%arg20 : memref<!tpu.dma_semaphore, #tpu.memory_space<semaphore_mem>>) src(%dma_wait3A_179 : memref<80xi32, #tpu.memory_space<hbm>>) dst(%arg7 : memref<80xi32, #tpu.memory_space<vmem>>)
        %dma_wait3A_180 = tpu.memref_slice %arg4[%add3A_177] : memref<320000xi32, #tpu.memory_space<hbm>> -> memref<80xi32, #tpu.memory_space<hbm>>
        %dma_wait3A_181 = tpu.memref_slice %arg4[%add3A_177] : memref<320000xi32, #tpu.memory_space<hbm>> -> memref<80xi32, #tpu.memory_space<hbm>>
        tpu.wait_dma2 semaphore(%arg20 : memref<!tpu.dma_semaphore, #tpu.memory_space<semaphore_mem>>) src(%dma_wait3A_181 : memref<80xi32, #tpu.memory_space<hbm>>) dst(%arg11 : memref<80xi32, #tpu.memory_space<vmem>>)
        %dma_start3A_182 = arith.constant 0 : i32
        %dma_start3A_183 = arith.constant 0 : i32
        %dma_start3A_184 = tpu.memref_slice %arg2[%dma_start3A_182, %dma_start3A_183] : memref<10240x128xf32, #tpu.memory_space<hbm>> -> memref<10240x128xf32, #tpu.memory_space<hbm>>
        tpu.enqueue_indirect_dma source(%dma_start3A_184 : memref<10240x128xf32, #tpu.memory_space<hbm>>) target(%arg15 : memref<80x128xf32, #tpu.memory_space<vmem>>) offsets(%arg7 : memref<80xi32, #tpu.memory_space<vmem>>) semaphore(%arg24 : memref<!tpu.dma_semaphore, #tpu.memory_space<semaphore_mem>>)
      } else {
      }
      "tpu.region"() ({
        %run_scoped3A = tpu.sem_alloc : memref<!tpu.dma_semaphore, #tpu.memory_space<semaphore_mem>>
        %dma_start3A_173 = arith.constant 0 : i32
        %dma_start3A_174 = arith.constant 0 : i32
        %dma_start3A_175 = tpu.memref_slice %arg19[%dma_start3A_173, %dma_start3A_174] : memref<10240x128xf32, #tpu.memory_space<vmem_shared>> -> memref<10240x128xf32, #tpu.memory_space<vmem_shared>>
        tpu.enqueue_indirect_dma source(%arg16 : memref<80x128xf32, #tpu.memory_space<vmem>>) target(%dma_start3A_175 : memref<10240x128xf32, #tpu.memory_space<vmem_shared>>) offsets(%arg12 : memref<80xi32, #tpu.memory_space<vmem>>) semaphore(%run_scoped3A : memref<!tpu.dma_semaphore, #tpu.memory_space<semaphore_mem>>) {add = true}
        %dma_wait3A_176 = arith.constant 0 : i32
        %dma_wait3A_177 = arith.constant 0 : i32
        %dma_wait3A_178 = tpu.memref_slice %arg19[%dma_wait3A_176, %dma_wait3A_177] : memref<10240x128xf32, #tpu.memory_space<vmem_shared>> -> memref<10240x128xf32, #tpu.memory_space<vmem_shared>>
        tpu.wait_indirect_dma semaphore(%run_scoped3A : memref<!tpu.dma_semaphore, #tpu.memory_space<semaphore_mem>>) src(%arg16 : memref<80x128xf32, #tpu.memory_space<vmem>>) dst(%dma_wait3A_178 : memref<10240x128xf32, #tpu.memory_space<vmem_shared>>)
        tpu.yield
      }) : () -> ()
      %add3A_128 = arith.constant 4 : i32
      %add3A_129 = arith.addi %add3A_117, %add3A_128 : i32
      %lt3A_130 = arith.constant 125 : i32
      %lt3A_131 = arith.cmpi slt, %add3A_129, %lt3A_130 : i32
      %convert_element_type3A_132 = arith.extui %lt3A_131 : i1 to i32
      %cond3A_133 = arith.constant 0 : i32
      %cond3A_134 = arith.cmpi ne, %convert_element_type3A_132, %cond3A_133 : i32
      scf.if %cond3A_134 {
        %add3A_173 = arith.constant 4 : i32
        %add3A_174 = arith.addi %add3A_117, %add3A_173 : i32
        %mul3A_175 = arith.constant 80 : i32
        %mul3A_176 = arith.muli %add3A_174, %mul3A_175 : i32
        %add3A_177 = arith.addi %mul3A_4, %mul3A_176 : i32
        %dma_start3A_178 = tpu.memref_slice %arg3[%add3A_177] : memref<320000xi32, #tpu.memory_space<hbm>> -> memref<80xi32, #tpu.memory_space<hbm>>
        %dma_start3A_179 = tpu.memref_slice %arg3[%add3A_177] : memref<320000xi32, #tpu.memory_space<hbm>> -> memref<80xi32, #tpu.memory_space<hbm>>
        tpu.enqueue_dma source(%dma_start3A_179 : memref<80xi32, #tpu.memory_space<hbm>>) target(%arg8 : memref<80xi32, #tpu.memory_space<vmem>>) target_semaphore(%arg21 : memref<!tpu.dma_semaphore, #tpu.memory_space<semaphore_mem>>)
        %dma_start3A_180 = tpu.memref_slice %arg4[%add3A_177] : memref<320000xi32, #tpu.memory_space<hbm>> -> memref<80xi32, #tpu.memory_space<hbm>>
        %dma_start3A_181 = tpu.memref_slice %arg4[%add3A_177] : memref<320000xi32, #tpu.memory_space<hbm>> -> memref<80xi32, #tpu.memory_space<hbm>>
        tpu.enqueue_dma source(%dma_start3A_181 : memref<80xi32, #tpu.memory_space<hbm>>) target(%arg12 : memref<80xi32, #tpu.memory_space<vmem>>) target_semaphore(%arg21 : memref<!tpu.dma_semaphore, #tpu.memory_space<semaphore_mem>>)
      } else {
      }
      %add3A_135 = arith.constant 2 : i32
      %add3A_136 = arith.addi %mul3A_101, %add3A_135 : i32
      %dma_wait3A_137 = arith.constant 0 : i32
      %dma_wait3A_138 = arith.constant 0 : i32
      %dma_wait3A_139 = tpu.memref_slice %arg2[%dma_wait3A_137, %dma_wait3A_138] : memref<10240x128xf32, #tpu.memory_space<hbm>> -> memref<10240x128xf32, #tpu.memory_space<hbm>>
      tpu.wait_indirect_dma semaphore(%arg26 : memref<!tpu.dma_semaphore, #tpu.memory_space<semaphore_mem>>) src(%dma_wait3A_139 : memref<10240x128xf32, #tpu.memory_space<hbm>>) dst(%arg17 : memref<80x128xf32, #tpu.memory_space<vmem>>)
      %add3A_140 = arith.constant 3 : i32
      %add3A_141 = arith.addi %add3A_136, %add3A_140 : i32
      %lt3A_142 = arith.constant 125 : i32
      %lt3A_143 = arith.cmpi slt, %add3A_141, %lt3A_142 : i32
      %convert_element_type3A_144 = arith.extui %lt3A_143 : i1 to i32
      %cond3A_145 = arith.constant 0 : i32
      %cond3A_146 = arith.cmpi ne, %convert_element_type3A_144, %cond3A_145 : i32
      scf.if %cond3A_146 {
        %add3A_173 = arith.constant 3 : i32
        %add3A_174 = arith.addi %add3A_136, %add3A_173 : i32
        %mul3A_175 = arith.constant 80 : i32
        %mul3A_176 = arith.muli %add3A_174, %mul3A_175 : i32
        %add3A_177 = arith.addi %mul3A_4, %mul3A_176 : i32
        %dma_wait3A_178 = tpu.memref_slice %arg3[%add3A_177] : memref<320000xi32, #tpu.memory_space<hbm>> -> memref<80xi32, #tpu.memory_space<hbm>>
        %dma_wait3A_179 = tpu.memref_slice %arg3[%add3A_177] : memref<320000xi32, #tpu.memory_space<hbm>> -> memref<80xi32, #tpu.memory_space<hbm>>
        tpu.wait_dma2 semaphore(%arg21 : memref<!tpu.dma_semaphore, #tpu.memory_space<semaphore_mem>>) src(%dma_wait3A_179 : memref<80xi32, #tpu.memory_space<hbm>>) dst(%arg8 : memref<80xi32, #tpu.memory_space<vmem>>)
        %dma_wait3A_180 = tpu.memref_slice %arg4[%add3A_177] : memref<320000xi32, #tpu.memory_space<hbm>> -> memref<80xi32, #tpu.memory_space<hbm>>
        %dma_wait3A_181 = tpu.memref_slice %arg4[%add3A_177] : memref<320000xi32, #tpu.memory_space<hbm>> -> memref<80xi32, #tpu.memory_space<hbm>>
        tpu.wait_dma2 semaphore(%arg21 : memref<!tpu.dma_semaphore, #tpu.memory_space<semaphore_mem>>) src(%dma_wait3A_181 : memref<80xi32, #tpu.memory_space<hbm>>) dst(%arg12 : memref<80xi32, #tpu.memory_space<vmem>>)
        %dma_start3A_182 = arith.constant 0 : i32
        %dma_start3A_183 = arith.constant 0 : i32
        %dma_start3A_184 = tpu.memref_slice %arg2[%dma_start3A_182, %dma_start3A_183] : memref<10240x128xf32, #tpu.memory_space<hbm>> -> memref<10240x128xf32, #tpu.memory_space<hbm>>
        tpu.enqueue_indirect_dma source(%dma_start3A_184 : memref<10240x128xf32, #tpu.memory_space<hbm>>) target(%arg16 : memref<80x128xf32, #tpu.memory_space<vmem>>) offsets(%arg8 : memref<80xi32, #tpu.memory_space<vmem>>) semaphore(%arg25 : memref<!tpu.dma_semaphore, #tpu.memory_space<semaphore_mem>>)
      } else {
      }
      "tpu.region"() ({
        %run_scoped3A = tpu.sem_alloc : memref<!tpu.dma_semaphore, #tpu.memory_space<semaphore_mem>>
        %dma_start3A_173 = arith.constant 0 : i32
        %dma_start3A_174 = arith.constant 0 : i32
        %dma_start3A_175 = tpu.memref_slice %arg19[%dma_start3A_173, %dma_start3A_174] : memref<10240x128xf32, #tpu.memory_space<vmem_shared>> -> memref<10240x128xf32, #tpu.memory_space<vmem_shared>>
        tpu.enqueue_indirect_dma source(%arg17 : memref<80x128xf32, #tpu.memory_space<vmem>>) target(%dma_start3A_175 : memref<10240x128xf32, #tpu.memory_space<vmem_shared>>) offsets(%arg13 : memref<80xi32, #tpu.memory_space<vmem>>) semaphore(%run_scoped3A : memref<!tpu.dma_semaphore, #tpu.memory_space<semaphore_mem>>) {add = true}
        %dma_wait3A_176 = arith.constant 0 : i32
        %dma_wait3A_177 = arith.constant 0 : i32
        %dma_wait3A_178 = tpu.memref_slice %arg19[%dma_wait3A_176, %dma_wait3A_177] : memref<10240x128xf32, #tpu.memory_space<vmem_shared>> -> memref<10240x128xf32, #tpu.memory_space<vmem_shared>>
        tpu.wait_indirect_dma semaphore(%run_scoped3A : memref<!tpu.dma_semaphore, #tpu.memory_space<semaphore_mem>>) src(%arg17 : memref<80x128xf32, #tpu.memory_space<vmem>>) dst(%dma_wait3A_178 : memref<10240x128xf32, #tpu.memory_space<vmem_shared>>)
        tpu.yield
      }) : () -> ()
      %add3A_147 = arith.constant 4 : i32
      %add3A_148 = arith.addi %add3A_136, %add3A_147 : i32
      %lt3A_149 = arith.constant 125 : i32
      %lt3A_150 = arith.cmpi slt, %add3A_148, %lt3A_149 : i32
      %convert_element_type3A_151 = arith.extui %lt3A_150 : i1 to i32
      %cond3A_152 = arith.constant 0 : i32
      %cond3A_153 = arith.cmpi ne, %convert_element_type3A_151, %cond3A_152 : i32
      scf.if %cond3A_153 {
        %add3A_173 = arith.constant 4 : i32
        %add3A_174 = arith.addi %add3A_136, %add3A_173 : i32
        %mul3A_175 = arith.constant 80 : i32
        %mul3A_176 = arith.muli %add3A_174, %mul3A_175 : i32
        %add3A_177 = arith.addi %mul3A_4, %mul3A_176 : i32
        %dma_start3A_178 = tpu.memref_slice %arg3[%add3A_177] : memref<320000xi32, #tpu.memory_space<hbm>> -> memref<80xi32, #tpu.memory_space<hbm>>
        %dma_start3A_179 = tpu.memref_slice %arg3[%add3A_177] : memref<320000xi32, #tpu.memory_space<hbm>> -> memref<80xi32, #tpu.memory_space<hbm>>
        tpu.enqueue_dma source(%dma_start3A_179 : memref<80xi32, #tpu.memory_space<hbm>>) target(%arg9 : memref<80xi32, #tpu.memory_space<vmem>>) target_semaphore(%arg22 : memref<!tpu.dma_semaphore, #tpu.memory_space<semaphore_mem>>)
        %dma_start3A_180 = tpu.memref_slice %arg4[%add3A_177] : memref<320000xi32, #tpu.memory_space<hbm>> -> memref<80xi32, #tpu.memory_space<hbm>>
        %dma_start3A_181 = tpu.memref_slice %arg4[%add3A_177] : memref<320000xi32, #tpu.memory_space<hbm>> -> memref<80xi32, #tpu.memory_space<hbm>>
        tpu.enqueue_dma source(%dma_start3A_181 : memref<80xi32, #tpu.memory_space<hbm>>) target(%arg13 : memref<80xi32, #tpu.memory_space<vmem>>) target_semaphore(%arg22 : memref<!tpu.dma_semaphore, #tpu.memory_space<semaphore_mem>>)
      } else {
      }
      %add3A_154 = arith.constant 3 : i32
      %add3A_155 = arith.addi %mul3A_101, %add3A_154 : i32
      %dma_wait3A_156 = arith.constant 0 : i32
      %dma_wait3A_157 = arith.constant 0 : i32
      %dma_wait3A_158 = tpu.memref_slice %arg2[%dma_wait3A_156, %dma_wait3A_157] : memref<10240x128xf32, #tpu.memory_space<hbm>> -> memref<10240x128xf32, #tpu.memory_space<hbm>>
      tpu.wait_indirect_dma semaphore(%arg27 : memref<!tpu.dma_semaphore, #tpu.memory_space<semaphore_mem>>) src(%dma_wait3A_158 : memref<10240x128xf32, #tpu.memory_space<hbm>>) dst(%arg18 : memref<80x128xf32, #tpu.memory_space<vmem>>)
      %add3A_159 = arith.constant 3 : i32
      %add3A_160 = arith.addi %add3A_155, %add3A_159 : i32
      %lt3A_161 = arith.constant 125 : i32
      %lt3A_162 = arith.cmpi slt, %add3A_160, %lt3A_161 : i32
      %convert_element_type3A_163 = arith.extui %lt3A_162 : i1 to i32
      %cond3A_164 = arith.constant 0 : i32
      %cond3A_165 = arith.cmpi ne, %convert_element_type3A_163, %cond3A_164 : i32
      scf.if %cond3A_165 {
        %add3A_173 = arith.constant 3 : i32
        %add3A_174 = arith.addi %add3A_155, %add3A_173 : i32
        %mul3A_175 = arith.constant 80 : i32
        %mul3A_176 = arith.muli %add3A_174, %mul3A_175 : i32
        %add3A_177 = arith.addi %mul3A_4, %mul3A_176 : i32
        %dma_wait3A_178 = tpu.memref_slice %arg3[%add3A_177] : memref<320000xi32, #tpu.memory_space<hbm>> -> memref<80xi32, #tpu.memory_space<hbm>>
        %dma_wait3A_179 = tpu.memref_slice %arg3[%add3A_177] : memref<320000xi32, #tpu.memory_space<hbm>> -> memref<80xi32, #tpu.memory_space<hbm>>
        tpu.wait_dma2 semaphore(%arg22 : memref<!tpu.dma_semaphore, #tpu.memory_space<semaphore_mem>>) src(%dma_wait3A_179 : memref<80xi32, #tpu.memory_space<hbm>>) dst(%arg9 : memref<80xi32, #tpu.memory_space<vmem>>)
        %dma_wait3A_180 = tpu.memref_slice %arg4[%add3A_177] : memref<320000xi32, #tpu.memory_space<hbm>> -> memref<80xi32, #tpu.memory_space<hbm>>
        %dma_wait3A_181 = tpu.memref_slice %arg4[%add3A_177] : memref<320000xi32, #tpu.memory_space<hbm>> -> memref<80xi32, #tpu.memory_space<hbm>>
        tpu.wait_dma2 semaphore(%arg22 : memref<!tpu.dma_semaphore, #tpu.memory_space<semaphore_mem>>) src(%dma_wait3A_181 : memref<80xi32, #tpu.memory_space<hbm>>) dst(%arg13 : memref<80xi32, #tpu.memory_space<vmem>>)
        %dma_start3A_182 = arith.constant 0 : i32
        %dma_start3A_183 = arith.constant 0 : i32
        %dma_start3A_184 = tpu.memref_slice %arg2[%dma_start3A_182, %dma_start3A_183] : memref<10240x128xf32, #tpu.memory_space<hbm>> -> memref<10240x128xf32, #tpu.memory_space<hbm>>
        tpu.enqueue_indirect_dma source(%dma_start3A_184 : memref<10240x128xf32, #tpu.memory_space<hbm>>) target(%arg17 : memref<80x128xf32, #tpu.memory_space<vmem>>) offsets(%arg9 : memref<80xi32, #tpu.memory_space<vmem>>) semaphore(%arg26 : memref<!tpu.dma_semaphore, #tpu.memory_space<semaphore_mem>>)
      } else {
      }
      "tpu.region"() ({
        %run_scoped3A = tpu.sem_alloc : memref<!tpu.dma_semaphore, #tpu.memory_space<semaphore_mem>>
        %dma_start3A_173 = arith.constant 0 : i32
        %dma_start3A_174 = arith.constant 0 : i32
        %dma_start3A_175 = tpu.memref_slice %arg19[%dma_start3A_173, %dma_start3A_174] : memref<10240x128xf32, #tpu.memory_space<vmem_shared>> -> memref<10240x128xf32, #tpu.memory_space<vmem_shared>>
        tpu.enqueue_indirect_dma source(%arg18 : memref<80x128xf32, #tpu.memory_space<vmem>>) target(%dma_start3A_175 : memref<10240x128xf32, #tpu.memory_space<vmem_shared>>) offsets(%arg14 : memref<80xi32, #tpu.memory_space<vmem>>) semaphore(%run_scoped3A : memref<!tpu.dma_semaphore, #tpu.memory_space<semaphore_mem>>) {add = true}
        %dma_wait3A_176 = arith.constant 0 : i32
        %dma_wait3A_177 = arith.constant 0 : i32
        %dma_wait3A_178 = tpu.memref_slice %arg19[%dma_wait3A_176, %dma_wait3A_177] : memref<10240x128xf32, #tpu.memory_space<vmem_shared>> -> memref<10240x128xf32, #tpu.memory_space<vmem_shared>>
        tpu.wait_indirect_dma semaphore(%run_scoped3A : memref<!tpu.dma_semaphore, #tpu.memory_space<semaphore_mem>>) src(%arg18 : memref<80x128xf32, #tpu.memory_space<vmem>>) dst(%dma_wait3A_178 : memref<10240x128xf32, #tpu.memory_space<vmem_shared>>)
        tpu.yield
      }) : () -> ()
      %add3A_166 = arith.constant 4 : i32
      %add3A_167 = arith.addi %add3A_155, %add3A_166 : i32
      %lt3A_168 = arith.constant 125 : i32
      %lt3A_169 = arith.cmpi slt, %add3A_167, %lt3A_168 : i32
      %convert_element_type3A_170 = arith.extui %lt3A_169 : i1 to i32
      %cond3A_171 = arith.constant 0 : i32
      %cond3A_172 = arith.cmpi ne, %convert_element_type3A_170, %cond3A_171 : i32
      scf.if %cond3A_172 {
        %add3A_173 = arith.constant 4 : i32
        %add3A_174 = arith.addi %add3A_155, %add3A_173 : i32
        %mul3A_175 = arith.constant 80 : i32
        %mul3A_176 = arith.muli %add3A_174, %mul3A_175 : i32
        %add3A_177 = arith.addi %mul3A_4, %mul3A_176 : i32
        %dma_start3A_178 = tpu.memref_slice %arg3[%add3A_177] : memref<320000xi32, #tpu.memory_space<hbm>> -> memref<80xi32, #tpu.memory_space<hbm>>
        %dma_start3A_179 = tpu.memref_slice %arg3[%add3A_177] : memref<320000xi32, #tpu.memory_space<hbm>> -> memref<80xi32, #tpu.memory_space<hbm>>
        tpu.enqueue_dma source(%dma_start3A_179 : memref<80xi32, #tpu.memory_space<hbm>>) target(%arg10 : memref<80xi32, #tpu.memory_space<vmem>>) target_semaphore(%arg23 : memref<!tpu.dma_semaphore, #tpu.memory_space<semaphore_mem>>)
        %dma_start3A_180 = tpu.memref_slice %arg4[%add3A_177] : memref<320000xi32, #tpu.memory_space<hbm>> -> memref<80xi32, #tpu.memory_space<hbm>>
        %dma_start3A_181 = tpu.memref_slice %arg4[%add3A_177] : memref<320000xi32, #tpu.memory_space<hbm>> -> memref<80xi32, #tpu.memory_space<hbm>>
        tpu.enqueue_dma source(%dma_start3A_181 : memref<80xi32, #tpu.memory_space<hbm>>) target(%arg14 : memref<80xi32, #tpu.memory_space<vmem>>) target_semaphore(%arg23 : memref<!tpu.dma_semaphore, #tpu.memory_space<semaphore_mem>>)
      } else {
      }
    }
    %scan3A_58 = arith.constant 30 : i32
    %dma_wait3A_59 = arith.constant 0 : i32
    %dma_wait3A_60 = arith.constant 0 : i32
    %dma_wait3A_61 = tpu.memref_slice %arg2[%dma_wait3A_59, %dma_wait3A_60] : memref<10240x128xf32, #tpu.memory_space<hbm>> -> memref<10240x128xf32, #tpu.memory_space<hbm>>
    tpu.wait_indirect_dma semaphore(%arg24 : memref<!tpu.dma_semaphore, #tpu.memory_space<semaphore_mem>>) src(%dma_wait3A_61 : memref<10240x128xf32, #tpu.memory_space<hbm>>) dst(%arg15 : memref<80x128xf32, #tpu.memory_space<vmem>>)
    %add3A_62 = arith.constant 9840 : i32
    %add3A_63 = arith.addi %mul3A_4, %add3A_62 : i32
    %dma_wait3A_64 = tpu.memref_slice %arg3[%add3A_63] : memref<320000xi32, #tpu.memory_space<hbm>> -> memref<80xi32, #tpu.memory_space<hbm>>
    %dma_wait3A_65 = tpu.memref_slice %arg3[%add3A_63] : memref<320000xi32, #tpu.memory_space<hbm>> -> memref<80xi32, #tpu.memory_space<hbm>>
    tpu.wait_dma2 semaphore(%arg23 : memref<!tpu.dma_semaphore, #tpu.memory_space<semaphore_mem>>) src(%dma_wait3A_65 : memref<80xi32, #tpu.memory_space<hbm>>) dst(%arg10 : memref<80xi32, #tpu.memory_space<vmem>>)
    %dma_wait3A_66 = tpu.memref_slice %arg4[%add3A_63] : memref<320000xi32, #tpu.memory_space<hbm>> -> memref<80xi32, #tpu.memory_space<hbm>>
    %dma_wait3A_67 = tpu.memref_slice %arg4[%add3A_63] : memref<320000xi32, #tpu.memory_space<hbm>> -> memref<80xi32, #tpu.memory_space<hbm>>
    tpu.wait_dma2 semaphore(%arg23 : memref<!tpu.dma_semaphore, #tpu.memory_space<semaphore_mem>>) src(%dma_wait3A_67 : memref<80xi32, #tpu.memory_space<hbm>>) dst(%arg14 : memref<80xi32, #tpu.memory_space<vmem>>)
    %dma_start3A_68 = arith.constant 0 : i32
    %dma_start3A_69 = arith.constant 0 : i32
    %dma_start3A_70 = tpu.memref_slice %arg2[%dma_start3A_68, %dma_start3A_69] : memref<10240x128xf32, #tpu.memory_space<hbm>> -> memref<10240x128xf32, #tpu.memory_space<hbm>>
    tpu.enqueue_indirect_dma source(%dma_start3A_70 : memref<10240x128xf32, #tpu.memory_space<hbm>>) target(%arg18 : memref<80x128xf32, #tpu.memory_space<vmem>>) offsets(%arg10 : memref<80xi32, #tpu.memory_space<vmem>>) semaphore(%arg27 : memref<!tpu.dma_semaphore, #tpu.memory_space<semaphore_mem>>)
    "tpu.region"() ({
      %run_scoped3A = tpu.sem_alloc : memref<!tpu.dma_semaphore, #tpu.memory_space<semaphore_mem>>
      %dma_start3A_99 = arith.constant 0 : i32
      %dma_start3A_100 = arith.constant 0 : i32
      %dma_start3A_101 = tpu.memref_slice %arg19[%dma_start3A_99, %dma_start3A_100] : memref<10240x128xf32, #tpu.memory_space<vmem_shared>> -> memref<10240x128xf32, #tpu.memory_space<vmem_shared>>
      tpu.enqueue_indirect_dma source(%arg15 : memref<80x128xf32, #tpu.memory_space<vmem>>) target(%dma_start3A_101 : memref<10240x128xf32, #tpu.memory_space<vmem_shared>>) offsets(%arg11 : memref<80xi32, #tpu.memory_space<vmem>>) semaphore(%run_scoped3A : memref<!tpu.dma_semaphore, #tpu.memory_space<semaphore_mem>>) {add = true}
      %dma_wait3A_102 = arith.constant 0 : i32
      %dma_wait3A_103 = arith.constant 0 : i32
      %dma_wait3A_104 = tpu.memref_slice %arg19[%dma_wait3A_102, %dma_wait3A_103] : memref<10240x128xf32, #tpu.memory_space<vmem_shared>> -> memref<10240x128xf32, #tpu.memory_space<vmem_shared>>
      tpu.wait_indirect_dma semaphore(%run_scoped3A : memref<!tpu.dma_semaphore, #tpu.memory_space<semaphore_mem>>) src(%arg15 : memref<80x128xf32, #tpu.memory_space<vmem>>) dst(%dma_wait3A_104 : memref<10240x128xf32, #tpu.memory_space<vmem_shared>>)
      tpu.yield
    }) : () -> ()
    %add3A_71 = arith.constant 9920 : i32
    %add3A_72 = arith.addi %mul3A_4, %add3A_71 : i32
    %dma_start3A_73 = tpu.memref_slice %arg3[%add3A_72] : memref<320000xi32, #tpu.memory_space<hbm>> -> memref<80xi32, #tpu.memory_space<hbm>>
    %dma_start3A_74 = tpu.memref_slice %arg3[%add3A_72] : memref<320000xi32, #tpu.memory_space<hbm>> -> memref<80xi32, #tpu.memory_space<hbm>>
    tpu.enqueue_dma source(%dma_start3A_74 : memref<80xi32, #tpu.memory_space<hbm>>) target(%arg7 : memref<80xi32, #tpu.memory_space<vmem>>) target_semaphore(%arg20 : memref<!tpu.dma_semaphore, #tpu.memory_space<semaphore_mem>>)
    %dma_start3A_75 = tpu.memref_slice %arg4[%add3A_72] : memref<320000xi32, #tpu.memory_space<hbm>> -> memref<80xi32, #tpu.memory_space<hbm>>
    %dma_start3A_76 = tpu.memref_slice %arg4[%add3A_72] : memref<320000xi32, #tpu.memory_space<hbm>> -> memref<80xi32, #tpu.memory_space<hbm>>
    tpu.enqueue_dma source(%dma_start3A_76 : memref<80xi32, #tpu.memory_space<hbm>>) target(%arg11 : memref<80xi32, #tpu.memory_space<vmem>>) target_semaphore(%arg20 : memref<!tpu.dma_semaphore, #tpu.memory_space<semaphore_mem>>)
    %dma_wait3A_77 = arith.constant 0 : i32
    %dma_wait3A_78 = arith.constant 0 : i32
    %dma_wait3A_79 = tpu.memref_slice %arg2[%dma_wait3A_77, %dma_wait3A_78] : memref<10240x128xf32, #tpu.memory_space<hbm>> -> memref<10240x128xf32, #tpu.memory_space<hbm>>
    tpu.wait_indirect_dma semaphore(%arg25 : memref<!tpu.dma_semaphore, #tpu.memory_space<semaphore_mem>>) src(%dma_wait3A_79 : memref<10240x128xf32, #tpu.memory_space<hbm>>) dst(%arg16 : memref<80x128xf32, #tpu.memory_space<vmem>>)
    %add3A_80 = arith.constant 9920 : i32
    %add3A_81 = arith.addi %mul3A_4, %add3A_80 : i32
    %dma_wait3A_82 = tpu.memref_slice %arg3[%add3A_81] : memref<320000xi32, #tpu.memory_space<hbm>> -> memref<80xi32, #tpu.memory_space<hbm>>
    %dma_wait3A_83 = tpu.memref_slice %arg3[%add3A_81] : memref<320000xi32, #tpu.memory_space<hbm>> -> memref<80xi32, #tpu.memory_space<hbm>>
    tpu.wait_dma2 semaphore(%arg20 : memref<!tpu.dma_semaphore, #tpu.memory_space<semaphore_mem>>) src(%dma_wait3A_83 : memref<80xi32, #tpu.memory_space<hbm>>) dst(%arg7 : memref<80xi32, #tpu.memory_space<vmem>>)
    %dma_wait3A_84 = tpu.memref_slice %arg4[%add3A_81] : memref<320000xi32, #tpu.memory_space<hbm>> -> memref<80xi32, #tpu.memory_space<hbm>>
    %dma_wait3A_85 = tpu.memref_slice %arg4[%add3A_81] : memref<320000xi32, #tpu.memory_space<hbm>> -> memref<80xi32, #tpu.memory_space<hbm>>
    tpu.wait_dma2 semaphore(%arg20 : memref<!tpu.dma_semaphore, #tpu.memory_space<semaphore_mem>>) src(%dma_wait3A_85 : memref<80xi32, #tpu.memory_space<hbm>>) dst(%arg11 : memref<80xi32, #tpu.memory_space<vmem>>)
    %dma_start3A_86 = arith.constant 0 : i32
    %dma_start3A_87 = arith.constant 0 : i32
    %dma_start3A_88 = tpu.memref_slice %arg2[%dma_start3A_86, %dma_start3A_87] : memref<10240x128xf32, #tpu.memory_space<hbm>> -> memref<10240x128xf32, #tpu.memory_space<hbm>>
    tpu.enqueue_indirect_dma source(%dma_start3A_88 : memref<10240x128xf32, #tpu.memory_space<hbm>>) target(%arg15 : memref<80x128xf32, #tpu.memory_space<vmem>>) offsets(%arg7 : memref<80xi32, #tpu.memory_space<vmem>>) semaphore(%arg24 : memref<!tpu.dma_semaphore, #tpu.memory_space<semaphore_mem>>)
    "tpu.region"() ({
      %run_scoped3A = tpu.sem_alloc : memref<!tpu.dma_semaphore, #tpu.memory_space<semaphore_mem>>
      %dma_start3A_99 = arith.constant 0 : i32
      %dma_start3A_100 = arith.constant 0 : i32
      %dma_start3A_101 = tpu.memref_slice %arg19[%dma_start3A_99, %dma_start3A_100] : memref<10240x128xf32, #tpu.memory_space<vmem_shared>> -> memref<10240x128xf32, #tpu.memory_space<vmem_shared>>
      tpu.enqueue_indirect_dma source(%arg16 : memref<80x128xf32, #tpu.memory_space<vmem>>) target(%dma_start3A_101 : memref<10240x128xf32, #tpu.memory_space<vmem_shared>>) offsets(%arg12 : memref<80xi32, #tpu.memory_space<vmem>>) semaphore(%run_scoped3A : memref<!tpu.dma_semaphore, #tpu.memory_space<semaphore_mem>>) {add = true}
      %dma_wait3A_102 = arith.constant 0 : i32
      %dma_wait3A_103 = arith.constant 0 : i32
      %dma_wait3A_104 = tpu.memref_slice %arg19[%dma_wait3A_102, %dma_wait3A_103] : memref<10240x128xf32, #tpu.memory_space<vmem_shared>> -> memref<10240x128xf32, #tpu.memory_space<vmem_shared>>
      tpu.wait_indirect_dma semaphore(%run_scoped3A : memref<!tpu.dma_semaphore, #tpu.memory_space<semaphore_mem>>) src(%arg16 : memref<80x128xf32, #tpu.memory_space<vmem>>) dst(%dma_wait3A_104 : memref<10240x128xf32, #tpu.memory_space<vmem_shared>>)
      tpu.yield
    }) : () -> ()
    %dma_wait3A_89 = arith.constant 0 : i32
    %dma_wait3A_90 = arith.constant 0 : i32
    %dma_wait3A_91 = tpu.memref_slice %arg2[%dma_wait3A_89, %dma_wait3A_90] : memref<10240x128xf32, #tpu.memory_space<hbm>> -> memref<10240x128xf32, #tpu.memory_space<hbm>>
    tpu.wait_indirect_dma semaphore(%arg26 : memref<!tpu.dma_semaphore, #tpu.memory_space<semaphore_mem>>) src(%dma_wait3A_91 : memref<10240x128xf32, #tpu.memory_space<hbm>>) dst(%arg17 : memref<80x128xf32, #tpu.memory_space<vmem>>)
    "tpu.region"() ({
      %run_scoped3A = tpu.sem_alloc : memref<!tpu.dma_semaphore, #tpu.memory_space<semaphore_mem>>
      %dma_start3A_99 = arith.constant 0 : i32
      %dma_start3A_100 = arith.constant 0 : i32
      %dma_start3A_101 = tpu.memref_slice %arg19[%dma_start3A_99, %dma_start3A_100] : memref<10240x128xf32, #tpu.memory_space<vmem_shared>> -> memref<10240x128xf32, #tpu.memory_space<vmem_shared>>
      tpu.enqueue_indirect_dma source(%arg17 : memref<80x128xf32, #tpu.memory_space<vmem>>) target(%dma_start3A_101 : memref<10240x128xf32, #tpu.memory_space<vmem_shared>>) offsets(%arg13 : memref<80xi32, #tpu.memory_space<vmem>>) semaphore(%run_scoped3A : memref<!tpu.dma_semaphore, #tpu.memory_space<semaphore_mem>>) {add = true}
      %dma_wait3A_102 = arith.constant 0 : i32
      %dma_wait3A_103 = arith.constant 0 : i32
      %dma_wait3A_104 = tpu.memref_slice %arg19[%dma_wait3A_102, %dma_wait3A_103] : memref<10240x128xf32, #tpu.memory_space<vmem_shared>> -> memref<10240x128xf32, #tpu.memory_space<vmem_shared>>
      tpu.wait_indirect_dma semaphore(%run_scoped3A : memref<!tpu.dma_semaphore, #tpu.memory_space<semaphore_mem>>) src(%arg17 : memref<80x128xf32, #tpu.memory_space<vmem>>) dst(%dma_wait3A_104 : memref<10240x128xf32, #tpu.memory_space<vmem_shared>>)
      tpu.yield
    }) : () -> ()
    %dma_wait3A_92 = arith.constant 0 : i32
    %dma_wait3A_93 = arith.constant 0 : i32
    %dma_wait3A_94 = tpu.memref_slice %arg2[%dma_wait3A_92, %dma_wait3A_93] : memref<10240x128xf32, #tpu.memory_space<hbm>> -> memref<10240x128xf32, #tpu.memory_space<hbm>>
    tpu.wait_indirect_dma semaphore(%arg27 : memref<!tpu.dma_semaphore, #tpu.memory_space<semaphore_mem>>) src(%dma_wait3A_94 : memref<10240x128xf32, #tpu.memory_space<hbm>>) dst(%arg18 : memref<80x128xf32, #tpu.memory_space<vmem>>)
    "tpu.region"() ({
      %run_scoped3A = tpu.sem_alloc : memref<!tpu.dma_semaphore, #tpu.memory_space<semaphore_mem>>
      %dma_start3A_99 = arith.constant 0 : i32
      %dma_start3A_100 = arith.constant 0 : i32
      %dma_start3A_101 = tpu.memref_slice %arg19[%dma_start3A_99, %dma_start3A_100] : memref<10240x128xf32, #tpu.memory_space<vmem_shared>> -> memref<10240x128xf32, #tpu.memory_space<vmem_shared>>
      tpu.enqueue_indirect_dma source(%arg18 : memref<80x128xf32, #tpu.memory_space<vmem>>) target(%dma_start3A_101 : memref<10240x128xf32, #tpu.memory_space<vmem_shared>>) offsets(%arg14 : memref<80xi32, #tpu.memory_space<vmem>>) semaphore(%run_scoped3A : memref<!tpu.dma_semaphore, #tpu.memory_space<semaphore_mem>>) {add = true}
      %dma_wait3A_102 = arith.constant 0 : i32
      %dma_wait3A_103 = arith.constant 0 : i32
      %dma_wait3A_104 = tpu.memref_slice %arg19[%dma_wait3A_102, %dma_wait3A_103] : memref<10240x128xf32, #tpu.memory_space<vmem_shared>> -> memref<10240x128xf32, #tpu.memory_space<vmem_shared>>
      tpu.wait_indirect_dma semaphore(%run_scoped3A : memref<!tpu.dma_semaphore, #tpu.memory_space<semaphore_mem>>) src(%arg18 : memref<80x128xf32, #tpu.memory_space<vmem>>) dst(%dma_wait3A_104 : memref<10240x128xf32, #tpu.memory_space<vmem_shared>>)
      tpu.yield
    }) : () -> ()
    %dma_wait3A_95 = arith.constant 0 : i32
    %dma_wait3A_96 = arith.constant 0 : i32
    %dma_wait3A_97 = tpu.memref_slice %arg2[%dma_wait3A_95, %dma_wait3A_96] : memref<10240x128xf32, #tpu.memory_space<hbm>> -> memref<10240x128xf32, #tpu.memory_space<hbm>>
    tpu.wait_indirect_dma semaphore(%arg24 : memref<!tpu.dma_semaphore, #tpu.memory_space<semaphore_mem>>) src(%dma_wait3A_97 : memref<10240x128xf32, #tpu.memory_space<hbm>>) dst(%arg15 : memref<80x128xf32, #tpu.memory_space<vmem>>)
    "tpu.region"() ({
      %run_scoped3A = tpu.sem_alloc : memref<!tpu.dma_semaphore, #tpu.memory_space<semaphore_mem>>
      %dma_start3A_99 = arith.constant 0 : i32
      %dma_start3A_100 = arith.constant 0 : i32
      %dma_start3A_101 = tpu.memref_slice %arg19[%dma_start3A_99, %dma_start3A_100] : memref<10240x128xf32, #tpu.memory_space<vmem_shared>> -> memref<10240x128xf32, #tpu.memory_space<vmem_shared>>
      tpu.enqueue_indirect_dma source(%arg15 : memref<80x128xf32, #tpu.memory_space<vmem>>) target(%dma_start3A_101 : memref<10240x128xf32, #tpu.memory_space<vmem_shared>>) offsets(%arg11 : memref<80xi32, #tpu.memory_space<vmem>>) semaphore(%run_scoped3A : memref<!tpu.dma_semaphore, #tpu.memory_space<semaphore_mem>>) {add = true}
      %dma_wait3A_102 = arith.constant 0 : i32
      %dma_wait3A_103 = arith.constant 0 : i32
      %dma_wait3A_104 = tpu.memref_slice %arg19[%dma_wait3A_102, %dma_wait3A_103] : memref<10240x128xf32, #tpu.memory_space<vmem_shared>> -> memref<10240x128xf32, #tpu.memory_space<vmem_shared>>
      tpu.wait_indirect_dma semaphore(%run_scoped3A : memref<!tpu.dma_semaphore, #tpu.memory_space<semaphore_mem>>) src(%arg15 : memref<80x128xf32, #tpu.memory_space<vmem>>) dst(%dma_wait3A_104 : memref<10240x128xf32, #tpu.memory_space<vmem_shared>>)
      tpu.yield
    }) : () -> ()
    %barrier3A_98 = arith.constant 0 : index
    tpu.barrier barrier_id(%barrier3A_98)
    "tpu.region"() ({
      %run_scoped3A = tpu.sem_alloc : memref<!tpu.dma_semaphore, #tpu.memory_space<semaphore_mem>>
      %dma_start3A_99 = arith.constant 0 : i32
      %dma_start3A_100 = tpu.memref_slice %arg6[%arg0, %mul3A_0, %dma_start3A_99] : memref<2x10240x128xf32, #tpu.memory_space<hbm>> -> memref<1x640x128xf32, #tpu.memory_space<hbm>>
      %dma_start3A_101 = tpu.memref_squeeze %dma_start3A_100 : memref<1x640x128xf32, #tpu.memory_space<hbm>> -> memref<640x128xf32, #tpu.memory_space<hbm>>
      %dma_start3A_102 = arith.constant 0 : i32
      %dma_start3A_103 = tpu.memref_slice %arg19[%mul3A_0, %dma_start3A_102] : memref<10240x128xf32, #tpu.memory_space<vmem_shared>> -> memref<640x128xf32, #tpu.memory_space<vmem_shared>>
      tpu.enqueue_dma source(%dma_start3A_103 : memref<640x128xf32, #tpu.memory_space<vmem_shared>>) target(%dma_start3A_101 : memref<640x128xf32, #tpu.memory_space<hbm>>) target_semaphore(%run_scoped3A : memref<!tpu.dma_semaphore, #tpu.memory_space<semaphore_mem>>)
      %dma_wait3A_104 = arith.constant 0 : i32
      %dma_wait3A_105 = tpu.memref_slice %arg6[%arg0, %mul3A_0, %dma_wait3A_104] : memref<2x10240x128xf32, #tpu.memory_space<hbm>> -> memref<1x640x128xf32, #tpu.memory_space<hbm>>
      %dma_wait3A_106 = tpu.memref_squeeze %dma_wait3A_105 : memref<1x640x128xf32, #tpu.memory_space<hbm>> -> memref<640x128xf32, #tpu.memory_space<hbm>>
      %dma_wait3A_107 = arith.constant 0 : i32
      %dma_wait3A_108 = tpu.memref_slice %arg19[%mul3A_0, %dma_wait3A_107] : memref<10240x128xf32, #tpu.memory_space<vmem_shared>> -> memref<640x128xf32, #tpu.memory_space<vmem_shared>>
      tpu.wait_dma2 semaphore(%run_scoped3A : memref<!tpu.dma_semaphore, #tpu.memory_space<semaphore_mem>>) src(%dma_wait3A_108 : memref<640x128xf32, #tpu.memory_space<vmem_shared>>) dst(%dma_wait3A_106 : memref<640x128xf32, #tpu.memory_space<hbm>>)
      tpu.yield
    }) : () -> ()
    return
  }
}

module attributes {stable_mosaic.version = 14 : i64} {
  func.func @_l2_body(%arg0: i32, %arg1: memref<512x128xf32, #tpu.memory_space<vmem>>, %arg2: memref<512x128xf32, #tpu.memory_space<vmem>>, %arg3: memref<512x128xf32, #tpu.memory_space<vmem>>, %arg4: memref<512x128xf32, #tpu.memory_space<vmem>>, %arg5: memref<512x128xf32, #tpu.memory_space<vmem>>, %arg6: memref<128x128xf32, #tpu.memory_space<vmem>>, %arg7: memref<1x128xf32, #tpu.memory_space<vmem>>, %arg8: memref<512x128xf32, #tpu.memory_space<vmem>>) attributes {dimension_semantics = [#tpu.dimension_semantics<arbitrary>], iteration_bounds = array<i64: 20>, scalar_prefetch = 0 : i64, scratch_operands = 0 : i64, tpu.core_type = #tpu.core_type<tc>, window_params = [{transform_indices = @transform_0, window_bounds = array<i64: 512, 128>}, {transform_indices = @transform_1, window_bounds = array<i64: 512, 128>}, {transform_indices = @transform_2, window_bounds = array<i64: 512, 128>}, {transform_indices = @transform_3, window_bounds = array<i64: 512, 128>}, {transform_indices = @transform_4, window_bounds = array<i64: 512, 128>}, {pipeline_mode = #tpu.pipeline_mode<synchronous>, transform_indices = @transform_5, window_bounds = array<i64: 128, 128>}, {pipeline_mode = #tpu.pipeline_mode<synchronous>, transform_indices = @transform_6, window_bounds = array<i64: 1, 128>}, {transform_indices = @transform_7, window_bounds = array<i64: 512, 128>}]} {
    %get3A = arith.constant 0 : index
    %get3A_0 = arith.constant 0 : index
    %get3A_1 = vector.load %arg4[%get3A, %get3A_0] : memref<512x128xf32, #tpu.memory_space<vmem>>, vector<512x1xf32>
    %get3A_2 = arith.constant 0 : index
    %get3A_3 = arith.constant 0 : index
    %get3A_4 = vector.load %arg5[%get3A_2, %get3A_3] : memref<512x128xf32, #tpu.memory_space<vmem>>, vector<512x1xf32>
    %add3A = arith.addf %get3A_1, %get3A_4 : vector<512x1xf32>
    %add3A_5 = arith.constant 1.000000e+00 : f32
    %add3A_6 = vector.broadcast %add3A_5 : f32 to vector<512x1xf32>
    %add3A_7 = arith.addf %add3A, %add3A_6 : vector<512x1xf32>
    %rsqrt3A = math.rsqrt %add3A_7 : vector<512x1xf32>
    %get3A_8 = arith.constant 0 : index
    %get3A_9 = arith.constant 0 : index
    %get3A_10 = vector.load %arg1[%get3A_8, %get3A_9] : memref<512x128xf32, #tpu.memory_space<vmem>>, vector<512x128xf32>
    %get3A_11 = arith.constant 0 : index
    %get3A_12 = arith.constant 0 : index
    %get3A_13 = vector.load %arg2[%get3A_11, %get3A_12] : memref<512x128xf32, #tpu.memory_space<vmem>>, vector<512x128xf32>
    %add3A_14 = arith.addf %get3A_10, %get3A_13 : vector<512x128xf32>
    %get3A_15 = arith.constant 0 : index
    %get3A_16 = arith.constant 0 : index
    %get3A_17 = vector.load %arg3[%get3A_15, %get3A_16] : memref<512x128xf32, #tpu.memory_space<vmem>>, vector<512x128xf32>
    %add3A_18 = arith.addf %add3A_14, %get3A_17 : vector<512x128xf32>
    %mul3A = vector.broadcast %rsqrt3A : vector<512x1xf32> to vector<512x128xf32>
    %mul3A_19 = arith.mulf %mul3A, %add3A_18 : vector<512x128xf32>
    %get3A_20 = arith.constant 0 : index
    %get3A_21 = arith.constant 0 : index
    %get3A_22 = vector.load %arg7[%get3A_20, %get3A_21] : memref<1x128xf32, #tpu.memory_space<vmem>>, vector<1x128xf32>
    %add3A_23 = vector.broadcast %get3A_22 : vector<1x128xf32> to vector<512x128xf32>
    %add3A_24 = arith.addf %mul3A_19, %add3A_23 : vector<512x128xf32>
    %max3A = arith.constant 0.000000e+00 : f32
    %max3A_25 = vector.broadcast %max3A : f32 to vector<512x128xf32>
    %max3A_26 = arith.maximumf %add3A_24, %max3A_25 : vector<512x128xf32>
    %get3A_27 = arith.constant 0 : index
    %get3A_28 = arith.constant 0 : index
    %get3A_29 = vector.load %arg6[%get3A_27, %get3A_28] : memref<128x128xf32, #tpu.memory_space<vmem>>, vector<128x128xf32>
    %dot_general3A = arith.constant dense<0.000000e+00> : vector<512x128xf32>
    %dot_general3A_30 = tpu.matmul %max3A_26, %get3A_29, %dot_general3A {dimension_numbers = #tpu.dot_dimension_numbers<[1], [1], [0], [0], [0, 0, 1, 0], [], []>, transpose_lhs_hint = false} : vector<512x128xf32>, vector<128x128xf32>, vector<512x128xf32> -> vector<512x128xf32>
    %mul3A_31 = vector.broadcast %rsqrt3A : vector<512x1xf32> to vector<512x128xf32>
    %mul3A_32 = arith.mulf %dot_general3A_30, %mul3A_31 : vector<512x128xf32>
    %swap3A = arith.constant 0 : index
    %swap3A_33 = arith.constant 0 : index
    %swap3A_34 = vector.load %arg8[%swap3A, %swap3A_33] : memref<512x128xf32, #tpu.memory_space<vmem>>, vector<512x128xf32>
    tpu.vector_store %arg8[%swap3A, %swap3A_33], %mul3A_32 {strides = array<i32>} : memref<512x128xf32, #tpu.memory_space<vmem>>, vector<512x128xf32>,
    return
  }
  func.func @transform_0(%arg0: i32) -> (i32, i32) {
    %c0_i32 = arith.constant 0 : i32
    %c0_i32_0 = arith.constant 0 : i32
    return %arg0, %c0_i32 : i32, i32
  }
  func.func @transform_1(%arg0: i32) -> (i32, i32) {
    %c0_i32 = arith.constant 0 : i32
    %c0_i32_0 = arith.constant 0 : i32
    return %arg0, %c0_i32 : i32, i32
  }
  func.func @transform_2(%arg0: i32) -> (i32, i32) {
    %c0_i32 = arith.constant 0 : i32
    %c0_i32_0 = arith.constant 0 : i32
    return %arg0, %c0_i32 : i32, i32
  }
  func.func @transform_3(%arg0: i32) -> (i32, i32) {
    %c0_i32 = arith.constant 0 : i32
    %c0_i32_0 = arith.constant 0 : i32
    return %arg0, %c0_i32 : i32, i32
  }
  func.func @transform_4(%arg0: i32) -> (i32, i32) {
    %c0_i32 = arith.constant 0 : i32
    %c0_i32_0 = arith.constant 0 : i32
    return %arg0, %c0_i32 : i32, i32
  }
  func.func @transform_5(%arg0: i32) -> (i32, i32) {
    %c0_i32 = arith.constant 0 : i32
    %c0_i32_0 = arith.constant 0 : i32
    %c0_i32_1 = arith.constant 0 : i32
    return %c0_i32, %c0_i32_0 : i32, i32
  }
  func.func @transform_6(%arg0: i32) -> (i32, i32) {
    %c0_i32 = arith.constant 0 : i32
    %c0_i32_0 = arith.constant 0 : i32
    %c0_i32_1 = arith.constant 0 : i32
    return %c0_i32, %c0_i32_0 : i32, i32
  }
  func.func @transform_7(%arg0: i32) -> (i32, i32) {
    %c0_i32 = arith.constant 0 : i32
    %c0_i32_0 = arith.constant 0 : i32
    return %arg0, %c0_i32 : i32, i32
  }
}

module attributes {stable_mosaic.version = 14 : i64} {
  func.func @_l1_body(%arg0: i32, %arg1: memref<512x128xf32, #tpu.memory_space<vmem>>, %arg2: memref<128x128xf32, #tpu.memory_space<vmem>>, %arg3: memref<512x128xf32, #tpu.memory_space<vmem>>, %arg4: memref<512x128xf32, #tpu.memory_space<vmem>>, %arg5: memref<512x128xf32, #tpu.memory_space<vmem>>) attributes {dimension_semantics = [#tpu.dimension_semantics<arbitrary>], iteration_bounds = array<i64: 20>, scalar_prefetch = 0 : i64, scratch_operands = 0 : i64, tpu.core_type = #tpu.core_type<tc>, window_params = [{transform_indices = @transform_0, window_bounds = array<i64: 512, 128>}, {pipeline_mode = #tpu.pipeline_mode<synchronous>, transform_indices = @transform_1, window_bounds = array<i64: 128, 128>}, {transform_indices = @transform_2, window_bounds = array<i64: 512, 128>}, {transform_indices = @transform_3, window_bounds = array<i64: 512, 128>}, {transform_indices = @transform_4, window_bounds = array<i64: 512, 128>}]} {
    %get3A = arith.constant 0 : index
    %get3A_0 = arith.constant 0 : index
    %get3A_1 = vector.load %arg1[%get3A, %get3A_0] : memref<512x128xf32, #tpu.memory_space<vmem>>, vector<512x128xf32>
    %get3A_2 = arith.constant 0 : index
    %get3A_3 = arith.constant 0 : index
    %get3A_4 = vector.load %arg2[%get3A_2, %get3A_3] : memref<128x128xf32, #tpu.memory_space<vmem>>, vector<128x128xf32>
    %dot_general3A = arith.constant dense<0.000000e+00> : vector<512x128xf32>
    %dot_general3A_5 = tpu.matmul %get3A_1, %get3A_4, %dot_general3A {dimension_numbers = #tpu.dot_dimension_numbers<[1], [1], [0], [0], [0, 0, 1, 0], [], []>, transpose_lhs_hint = false} : vector<512x128xf32>, vector<128x128xf32>, vector<512x128xf32> -> vector<512x128xf32>
    %get3A_6 = arith.constant 0 : index
    %get3A_7 = arith.constant 0 : index
    %get3A_8 = vector.load %arg3[%get3A_6, %get3A_7] : memref<512x128xf32, #tpu.memory_space<vmem>>, vector<512x1xf32>
    %get3A_9 = arith.constant 0 : index
    %get3A_10 = arith.constant 0 : index
    %get3A_11 = vector.load %arg4[%get3A_9, %get3A_10] : memref<512x128xf32, #tpu.memory_space<vmem>>, vector<512x1xf32>
    %add3A = arith.addf %get3A_8, %get3A_11 : vector<512x1xf32>
    %add3A_12 = arith.constant 1.000000e+00 : f32
    %add3A_13 = vector.broadcast %add3A_12 : f32 to vector<512x1xf32>
    %add3A_14 = arith.addf %add3A, %add3A_13 : vector<512x1xf32>
    %rsqrt3A = math.rsqrt %add3A_14 : vector<512x1xf32>
    %mul3A = vector.broadcast %rsqrt3A : vector<512x1xf32> to vector<512x128xf32>
    %mul3A_15 = arith.mulf %dot_general3A_5, %mul3A : vector<512x128xf32>
    %swap3A = arith.constant 0 : index
    %swap3A_16 = arith.constant 0 : index
    %swap3A_17 = vector.load %arg5[%swap3A, %swap3A_16] : memref<512x128xf32, #tpu.memory_space<vmem>>, vector<512x128xf32>
    tpu.vector_store %arg5[%swap3A, %swap3A_16], %mul3A_15 {strides = array<i32>} : memref<512x128xf32, #tpu.memory_space<vmem>>, vector<512x128xf32>,
    return
  }
  func.func @transform_0(%arg0: i32) -> (i32, i32) {
    %c0_i32 = arith.constant 0 : i32
    %c0_i32_0 = arith.constant 0 : i32
    return %arg0, %c0_i32 : i32, i32
  }
  func.func @transform_1(%arg0: i32) -> (i32, i32) {
    %c0_i32 = arith.constant 0 : i32
    %c0_i32_0 = arith.constant 0 : i32
    %c0_i32_1 = arith.constant 0 : i32
    return %c0_i32, %c0_i32_0 : i32, i32
  }
  func.func @transform_2(%arg0: i32) -> (i32, i32) {
    %c0_i32 = arith.constant 0 : i32
    %c0_i32_0 = arith.constant 0 : i32
    return %arg0, %c0_i32 : i32, i32
  }
  func.func @transform_3(%arg0: i32) -> (i32, i32) {
    %c0_i32 = arith.constant 0 : i32
    %c0_i32_0 = arith.constant 0 : i32
    return %arg0, %c0_i32 : i32, i32
  }
  func.func @transform_4(%arg0: i32) -> (i32, i32) {
    %c0_i32 = arith.constant 0 : i32
    %c0_i32_0 = arith.constant 0 : i32
    return %arg0, %c0_i32 : i32, i32
  }
}

module attributes {stable_mosaic.version = 14 : i64} {
  func.func @_fin_body(%arg0: i32, %arg1: memref<512x128xf32, #tpu.memory_space<vmem>>, %arg2: memref<512x128xf32, #tpu.memory_space<vmem>>, %arg3: memref<512x128xf32, #tpu.memory_space<vmem>>, %arg4: memref<512x128xf32, #tpu.memory_space<vmem>>, %arg5: memref<512x128xf32, #tpu.memory_space<vmem>>, %arg6: memref<1x128xf32, #tpu.memory_space<vmem>>, %arg7: memref<512x128xf32, #tpu.memory_space<vmem>>, %arg8: memref<16x128xf32, #tpu.memory_space<vmem>>) attributes {dimension_semantics = [#tpu.dimension_semantics<arbitrary>], iteration_bounds = array<i64: 20>, scalar_prefetch = 0 : i64, scratch_operands = 0 : i64, tpu.core_type = #tpu.core_type<tc>, window_params = [{transform_indices = @transform_0, window_bounds = array<i64: 512, 128>}, {transform_indices = @transform_1, window_bounds = array<i64: 512, 128>}, {transform_indices = @transform_2, window_bounds = array<i64: 512, 128>}, {transform_indices = @transform_3, window_bounds = array<i64: 512, 128>}, {transform_indices = @transform_4, window_bounds = array<i64: 512, 128>}, {pipeline_mode = #tpu.pipeline_mode<synchronous>, transform_indices = @transform_5, window_bounds = array<i64: 1, 128>}, {transform_indices = @transform_6, window_bounds = array<i64: 512, 128>}, {pipeline_mode = #tpu.pipeline_mode<synchronous>, transform_indices = @transform_7, window_bounds = array<i64: 16, 128>}]} {
    %get3A = arith.constant 0 : index
    %get3A_0 = arith.constant 0 : index
    %get3A_1 = vector.load %arg4[%get3A, %get3A_0] : memref<512x128xf32, #tpu.memory_space<vmem>>, vector<512x1xf32>
    %get3A_2 = arith.constant 0 : index
    %get3A_3 = arith.constant 0 : index
    %get3A_4 = vector.load %arg5[%get3A_2, %get3A_3] : memref<512x128xf32, #tpu.memory_space<vmem>>, vector<512x1xf32>
    %add3A = arith.addf %get3A_1, %get3A_4 : vector<512x1xf32>
    %add3A_5 = arith.constant 1.000000e+00 : f32
    %add3A_6 = vector.broadcast %add3A_5 : f32 to vector<512x1xf32>
    %add3A_7 = arith.addf %add3A, %add3A_6 : vector<512x1xf32>
    %rsqrt3A = math.rsqrt %add3A_7 : vector<512x1xf32>
    %get3A_8 = arith.constant 0 : index
    %get3A_9 = arith.constant 0 : index
    %get3A_10 = vector.load %arg1[%get3A_8, %get3A_9] : memref<512x128xf32, #tpu.memory_space<vmem>>, vector<512x128xf32>
    %get3A_11 = arith.constant 0 : index
    %get3A_12 = arith.constant 0 : index
    %get3A_13 = vector.load %arg2[%get3A_11, %get3A_12] : memref<512x128xf32, #tpu.memory_space<vmem>>, vector<512x128xf32>
    %add3A_14 = arith.addf %get3A_10, %get3A_13 : vector<512x128xf32>
    %get3A_15 = arith.constant 0 : index
    %get3A_16 = arith.constant 0 : index
    %get3A_17 = vector.load %arg3[%get3A_15, %get3A_16] : memref<512x128xf32, #tpu.memory_space<vmem>>, vector<512x128xf32>
    %add3A_18 = arith.addf %add3A_14, %get3A_17 : vector<512x128xf32>
    %mul3A = vector.broadcast %rsqrt3A : vector<512x1xf32> to vector<512x128xf32>
    %mul3A_19 = arith.mulf %mul3A, %add3A_18 : vector<512x128xf32>
    %get3A_20 = arith.constant 0 : index
    %get3A_21 = arith.constant 0 : index
    %get3A_22 = vector.load %arg6[%get3A_20, %get3A_21] : memref<1x128xf32, #tpu.memory_space<vmem>>, vector<1x128xf32>
    %add3A_23 = vector.broadcast %get3A_22 : vector<1x128xf32> to vector<512x128xf32>
    %add3A_24 = arith.addf %mul3A_19, %add3A_23 : vector<512x128xf32>
    %get3A_25 = arith.constant 0 : index
    %get3A_26 = arith.constant 0 : index
    %get3A_27 = vector.load %arg7[%get3A_25, %get3A_26] : memref<512x128xf32, #tpu.memory_space<vmem>>, vector<512x128xf32>
    %eq3A = arith.constant 0 : i32
    %eq3A_28 = arith.cmpi eq, %arg0, %eq3A : i32
    %convert_element_type3A = arith.extui %eq3A_28 : i1 to i32
    %cond3A = arith.constant 0xFF800000 : f32
    %cond3A_29 = arith.constant 0 : i32
    %cond3A_30 = arith.cmpi ne, %convert_element_type3A, %cond3A_29 : i32
    scf.if %cond3A_30 {
      %broadcast_in_dim3A_176 = vector.broadcast %cond3A : f32 to vector<16x128xf32>
      %swap3A_177 = arith.constant 0 : index
      %swap3A_178 = arith.constant 0 : index
      %swap3A_179 = vector.load %arg8[%swap3A_177, %swap3A_178] : memref<16x128xf32, #tpu.memory_space<vmem>>, vector<16x128xf32>
      tpu.vector_store %arg8[%swap3A_177, %swap3A_178], %broadcast_in_dim3A_176 {strides = array<i32>} : memref<16x128xf32, #tpu.memory_space<vmem>>, vector<16x128xf32>,
    } else {
    }
    %eq3A_31 = arith.constant 0.000000e+00 : f32
    %eq3A_32 = vector.broadcast %eq3A_31 : f32 to vector<512x128xf32>
    %eq3A_33 = arith.cmpf oeq, %get3A_27, %eq3A_32 : vector<512x128xf32>
    %jit3A = arith.constant 0xFF800000 : f32
    %broadcast_in_dim3A = vector.broadcast %jit3A : f32 to vector<512x128xf32>
    %select_n3A = arith.select %eq3A_33, %add3A_24, %broadcast_in_dim3A : vector<512x128xi1>, vector<512x128xf32>
    %reduce_max3A = arith.constant dense<0xFF800000> : vector<128xf32>
    %reduce_max3A_34 = vector.multi_reduction <maximumf>, %select_n3A, %reduce_max3A [0] : vector<512x128xf32> to vector<128xf32>
    %broadcast_in_dim3A_35 = vector.shape_cast %reduce_max3A_34 : vector<128xf32> to vector<1x128xf32>
    %eq3A_36 = arith.constant 1.000000e+00 : f32
    %eq3A_37 = vector.broadcast %eq3A_36 : f32 to vector<512x128xf32>
    %eq3A_38 = arith.cmpf oeq, %get3A_27, %eq3A_37 : vector<512x128xf32>
    %jit3A_39 = arith.constant 0xFF800000 : f32
    %broadcast_in_dim3A_40 = vector.broadcast %jit3A_39 : f32 to vector<512x128xf32>
    %select_n3A_41 = arith.select %eq3A_38, %add3A_24, %broadcast_in_dim3A_40 : vector<512x128xi1>, vector<512x128xf32>
    %reduce_max3A_42 = arith.constant dense<0xFF800000> : vector<128xf32>
    %reduce_max3A_43 = vector.multi_reduction <maximumf>, %select_n3A_41, %reduce_max3A_42 [0] : vector<512x128xf32> to vector<128xf32>
    %broadcast_in_dim3A_44 = vector.shape_cast %reduce_max3A_43 : vector<128xf32> to vector<1x128xf32>
    %eq3A_45 = arith.constant 2.000000e+00 : f32
    %eq3A_46 = vector.broadcast %eq3A_45 : f32 to vector<512x128xf32>
    %eq3A_47 = arith.cmpf oeq, %get3A_27, %eq3A_46 : vector<512x128xf32>
    %jit3A_48 = arith.constant 0xFF800000 : f32
    %broadcast_in_dim3A_49 = vector.broadcast %jit3A_48 : f32 to vector<512x128xf32>
    %select_n3A_50 = arith.select %eq3A_47, %add3A_24, %broadcast_in_dim3A_49 : vector<512x128xi1>, vector<512x128xf32>
    %reduce_max3A_51 = arith.constant dense<0xFF800000> : vector<128xf32>
    %reduce_max3A_52 = vector.multi_reduction <maximumf>, %select_n3A_50, %reduce_max3A_51 [0] : vector<512x128xf32> to vector<128xf32>
    %broadcast_in_dim3A_53 = vector.shape_cast %reduce_max3A_52 : vector<128xf32> to vector<1x128xf32>
    %eq3A_54 = arith.constant 3.000000e+00 : f32
    %eq3A_55 = vector.broadcast %eq3A_54 : f32 to vector<512x128xf32>
    %eq3A_56 = arith.cmpf oeq, %get3A_27, %eq3A_55 : vector<512x128xf32>
    %jit3A_57 = arith.constant 0xFF800000 : f32
    %broadcast_in_dim3A_58 = vector.broadcast %jit3A_57 : f32 to vector<512x128xf32>
    %select_n3A_59 = arith.select %eq3A_56, %add3A_24, %broadcast_in_dim3A_58 : vector<512x128xi1>, vector<512x128xf32>
    %reduce_max3A_60 = arith.constant dense<0xFF800000> : vector<128xf32>
    %reduce_max3A_61 = vector.multi_reduction <maximumf>, %select_n3A_59, %reduce_max3A_60 [0] : vector<512x128xf32> to vector<128xf32>
    %broadcast_in_dim3A_62 = vector.shape_cast %reduce_max3A_61 : vector<128xf32> to vector<1x128xf32>
    %eq3A_63 = arith.constant 4.000000e+00 : f32
    %eq3A_64 = vector.broadcast %eq3A_63 : f32 to vector<512x128xf32>
    %eq3A_65 = arith.cmpf oeq, %get3A_27, %eq3A_64 : vector<512x128xf32>
    %jit3A_66 = arith.constant 0xFF800000 : f32
    %broadcast_in_dim3A_67 = vector.broadcast %jit3A_66 : f32 to vector<512x128xf32>
    %select_n3A_68 = arith.select %eq3A_65, %add3A_24, %broadcast_in_dim3A_67 : vector<512x128xi1>, vector<512x128xf32>
    %reduce_max3A_69 = arith.constant dense<0xFF800000> : vector<128xf32>
    %reduce_max3A_70 = vector.multi_reduction <maximumf>, %select_n3A_68, %reduce_max3A_69 [0] : vector<512x128xf32> to vector<128xf32>
    %broadcast_in_dim3A_71 = vector.shape_cast %reduce_max3A_70 : vector<128xf32> to vector<1x128xf32>
    %eq3A_72 = arith.constant 5.000000e+00 : f32
    %eq3A_73 = vector.broadcast %eq3A_72 : f32 to vector<512x128xf32>
    %eq3A_74 = arith.cmpf oeq, %get3A_27, %eq3A_73 : vector<512x128xf32>
    %jit3A_75 = arith.constant 0xFF800000 : f32
    %broadcast_in_dim3A_76 = vector.broadcast %jit3A_75 : f32 to vector<512x128xf32>
    %select_n3A_77 = arith.select %eq3A_74, %add3A_24, %broadcast_in_dim3A_76 : vector<512x128xi1>, vector<512x128xf32>
    %reduce_max3A_78 = arith.constant dense<0xFF800000> : vector<128xf32>
    %reduce_max3A_79 = vector.multi_reduction <maximumf>, %select_n3A_77, %reduce_max3A_78 [0] : vector<512x128xf32> to vector<128xf32>
    %broadcast_in_dim3A_80 = vector.shape_cast %reduce_max3A_79 : vector<128xf32> to vector<1x128xf32>
    %eq3A_81 = arith.constant 6.000000e+00 : f32
    %eq3A_82 = vector.broadcast %eq3A_81 : f32 to vector<512x128xf32>
    %eq3A_83 = arith.cmpf oeq, %get3A_27, %eq3A_82 : vector<512x128xf32>
    %jit3A_84 = arith.constant 0xFF800000 : f32
    %broadcast_in_dim3A_85 = vector.broadcast %jit3A_84 : f32 to vector<512x128xf32>
    %select_n3A_86 = arith.select %eq3A_83, %add3A_24, %broadcast_in_dim3A_85 : vector<512x128xi1>, vector<512x128xf32>
    %reduce_max3A_87 = arith.constant dense<0xFF800000> : vector<128xf32>
    %reduce_max3A_88 = vector.multi_reduction <maximumf>, %select_n3A_86, %reduce_max3A_87 [0] : vector<512x128xf32> to vector<128xf32>
    %broadcast_in_dim3A_89 = vector.shape_cast %reduce_max3A_88 : vector<128xf32> to vector<1x128xf32>
    %eq3A_90 = arith.constant 7.000000e+00 : f32
    %eq3A_91 = vector.broadcast %eq3A_90 : f32 to vector<512x128xf32>
    %eq3A_92 = arith.cmpf oeq, %get3A_27, %eq3A_91 : vector<512x128xf32>
    %jit3A_93 = arith.constant 0xFF800000 : f32
    %broadcast_in_dim3A_94 = vector.broadcast %jit3A_93 : f32 to vector<512x128xf32>
    %select_n3A_95 = arith.select %eq3A_92, %add3A_24, %broadcast_in_dim3A_94 : vector<512x128xi1>, vector<512x128xf32>
    %reduce_max3A_96 = arith.constant dense<0xFF800000> : vector<128xf32>
    %reduce_max3A_97 = vector.multi_reduction <maximumf>, %select_n3A_95, %reduce_max3A_96 [0] : vector<512x128xf32> to vector<128xf32>
    %broadcast_in_dim3A_98 = vector.shape_cast %reduce_max3A_97 : vector<128xf32> to vector<1x128xf32>
    %eq3A_99 = arith.constant 8.000000e+00 : f32
    %eq3A_100 = vector.broadcast %eq3A_99 : f32 to vector<512x128xf32>
    %eq3A_101 = arith.cmpf oeq, %get3A_27, %eq3A_100 : vector<512x128xf32>
    %jit3A_102 = arith.constant 0xFF800000 : f32
    %broadcast_in_dim3A_103 = vector.broadcast %jit3A_102 : f32 to vector<512x128xf32>
    %select_n3A_104 = arith.select %eq3A_101, %add3A_24, %broadcast_in_dim3A_103 : vector<512x128xi1>, vector<512x128xf32>
    %reduce_max3A_105 = arith.constant dense<0xFF800000> : vector<128xf32>
    %reduce_max3A_106 = vector.multi_reduction <maximumf>, %select_n3A_104, %reduce_max3A_105 [0] : vector<512x128xf32> to vector<128xf32>
    %broadcast_in_dim3A_107 = vector.shape_cast %reduce_max3A_106 : vector<128xf32> to vector<1x128xf32>
    %eq3A_108 = arith.constant 9.000000e+00 : f32
    %eq3A_109 = vector.broadcast %eq3A_108 : f32 to vector<512x128xf32>
    %eq3A_110 = arith.cmpf oeq, %get3A_27, %eq3A_109 : vector<512x128xf32>
    %jit3A_111 = arith.constant 0xFF800000 : f32
    %broadcast_in_dim3A_112 = vector.broadcast %jit3A_111 : f32 to vector<512x128xf32>
    %select_n3A_113 = arith.select %eq3A_110, %add3A_24, %broadcast_in_dim3A_112 : vector<512x128xi1>, vector<512x128xf32>
    %reduce_max3A_114 = arith.constant dense<0xFF800000> : vector<128xf32>
    %reduce_max3A_115 = vector.multi_reduction <maximumf>, %select_n3A_113, %reduce_max3A_114 [0] : vector<512x128xf32> to vector<128xf32>
    %broadcast_in_dim3A_116 = vector.shape_cast %reduce_max3A_115 : vector<128xf32> to vector<1x128xf32>
    %eq3A_117 = arith.constant 1.000000e+01 : f32
    %eq3A_118 = vector.broadcast %eq3A_117 : f32 to vector<512x128xf32>
    %eq3A_119 = arith.cmpf oeq, %get3A_27, %eq3A_118 : vector<512x128xf32>
    %jit3A_120 = arith.constant 0xFF800000 : f32
    %broadcast_in_dim3A_121 = vector.broadcast %jit3A_120 : f32 to vector<512x128xf32>
    %select_n3A_122 = arith.select %eq3A_119, %add3A_24, %broadcast_in_dim3A_121 : vector<512x128xi1>, vector<512x128xf32>
    %reduce_max3A_123 = arith.constant dense<0xFF800000> : vector<128xf32>
    %reduce_max3A_124 = vector.multi_reduction <maximumf>, %select_n3A_122, %reduce_max3A_123 [0] : vector<512x128xf32> to vector<128xf32>
    %broadcast_in_dim3A_125 = vector.shape_cast %reduce_max3A_124 : vector<128xf32> to vector<1x128xf32>
    %eq3A_126 = arith.constant 1.100000e+01 : f32
    %eq3A_127 = vector.broadcast %eq3A_126 : f32 to vector<512x128xf32>
    %eq3A_128 = arith.cmpf oeq, %get3A_27, %eq3A_127 : vector<512x128xf32>
    %jit3A_129 = arith.constant 0xFF800000 : f32
    %broadcast_in_dim3A_130 = vector.broadcast %jit3A_129 : f32 to vector<512x128xf32>
    %select_n3A_131 = arith.select %eq3A_128, %add3A_24, %broadcast_in_dim3A_130 : vector<512x128xi1>, vector<512x128xf32>
    %reduce_max3A_132 = arith.constant dense<0xFF800000> : vector<128xf32>
    %reduce_max3A_133 = vector.multi_reduction <maximumf>, %select_n3A_131, %reduce_max3A_132 [0] : vector<512x128xf32> to vector<128xf32>
    %broadcast_in_dim3A_134 = vector.shape_cast %reduce_max3A_133 : vector<128xf32> to vector<1x128xf32>
    %eq3A_135 = arith.constant 1.200000e+01 : f32
    %eq3A_136 = vector.broadcast %eq3A_135 : f32 to vector<512x128xf32>
    %eq3A_137 = arith.cmpf oeq, %get3A_27, %eq3A_136 : vector<512x128xf32>
    %jit3A_138 = arith.constant 0xFF800000 : f32
    %broadcast_in_dim3A_139 = vector.broadcast %jit3A_138 : f32 to vector<512x128xf32>
    %select_n3A_140 = arith.select %eq3A_137, %add3A_24, %broadcast_in_dim3A_139 : vector<512x128xi1>, vector<512x128xf32>
    %reduce_max3A_141 = arith.constant dense<0xFF800000> : vector<128xf32>
    %reduce_max3A_142 = vector.multi_reduction <maximumf>, %select_n3A_140, %reduce_max3A_141 [0] : vector<512x128xf32> to vector<128xf32>
    %broadcast_in_dim3A_143 = vector.shape_cast %reduce_max3A_142 : vector<128xf32> to vector<1x128xf32>
    %eq3A_144 = arith.constant 1.300000e+01 : f32
    %eq3A_145 = vector.broadcast %eq3A_144 : f32 to vector<512x128xf32>
    %eq3A_146 = arith.cmpf oeq, %get3A_27, %eq3A_145 : vector<512x128xf32>
    %jit3A_147 = arith.constant 0xFF800000 : f32
    %broadcast_in_dim3A_148 = vector.broadcast %jit3A_147 : f32 to vector<512x128xf32>
    %select_n3A_149 = arith.select %eq3A_146, %add3A_24, %broadcast_in_dim3A_148 : vector<512x128xi1>, vector<512x128xf32>
    %reduce_max3A_150 = arith.constant dense<0xFF800000> : vector<128xf32>
    %reduce_max3A_151 = vector.multi_reduction <maximumf>, %select_n3A_149, %reduce_max3A_150 [0] : vector<512x128xf32> to vector<128xf32>
    %broadcast_in_dim3A_152 = vector.shape_cast %reduce_max3A_151 : vector<128xf32> to vector<1x128xf32>
    %eq3A_153 = arith.constant 1.400000e+01 : f32
    %eq3A_154 = vector.broadcast %eq3A_153 : f32 to vector<512x128xf32>
    %eq3A_155 = arith.cmpf oeq, %get3A_27, %eq3A_154 : vector<512x128xf32>
    %jit3A_156 = arith.constant 0xFF800000 : f32
    %broadcast_in_dim3A_157 = vector.broadcast %jit3A_156 : f32 to vector<512x128xf32>
    %select_n3A_158 = arith.select %eq3A_155, %add3A_24, %broadcast_in_dim3A_157 : vector<512x128xi1>, vector<512x128xf32>
    %reduce_max3A_159 = arith.constant dense<0xFF800000> : vector<128xf32>
    %reduce_max3A_160 = vector.multi_reduction <maximumf>, %select_n3A_158, %reduce_max3A_159 [0] : vector<512x128xf32> to vector<128xf32>
    %broadcast_in_dim3A_161 = vector.shape_cast %reduce_max3A_160 : vector<128xf32> to vector<1x128xf32>
    %eq3A_162 = arith.constant 1.500000e+01 : f32
    %eq3A_163 = vector.broadcast %eq3A_162 : f32 to vector<512x128xf32>
    %eq3A_164 = arith.cmpf oeq, %get3A_27, %eq3A_163 : vector<512x128xf32>
    %jit3A_165 = arith.constant 0xFF800000 : f32
    %broadcast_in_dim3A_166 = vector.broadcast %jit3A_165 : f32 to vector<512x128xf32>
    %select_n3A_167 = arith.select %eq3A_164, %add3A_24, %broadcast_in_dim3A_166 : vector<512x128xi1>, vector<512x128xf32>
    %reduce_max3A_168 = arith.constant dense<0xFF800000> : vector<128xf32>
    %reduce_max3A_169 = vector.multi_reduction <maximumf>, %select_n3A_167, %reduce_max3A_168 [0] : vector<512x128xf32> to vector<128xf32>
    %broadcast_in_dim3A_170 = vector.shape_cast %reduce_max3A_169 : vector<128xf32> to vector<1x128xf32>
    %get3A_171 = arith.constant 0 : index
    %get3A_172 = arith.constant 0 : index
    %get3A_173 = vector.load %arg8[%get3A_171, %get3A_172] : memref<16x128xf32, #tpu.memory_space<vmem>>, vector<16x128xf32>
    %concatenate3A = tpu.concatenate %broadcast_in_dim3A_35, %broadcast_in_dim3A_44, %broadcast_in_dim3A_53, %broadcast_in_dim3A_62, %broadcast_in_dim3A_71, %broadcast_in_dim3A_80, %broadcast_in_dim3A_89, %broadcast_in_dim3A_98, %broadcast_in_dim3A_107, %broadcast_in_dim3A_116, %broadcast_in_dim3A_125, %broadcast_in_dim3A_134, %broadcast_in_dim3A_143, %broadcast_in_dim3A_152, %broadcast_in_dim3A_161, %broadcast_in_dim3A_170 in 0 : vector<1x128xf32>, vector<1x128xf32>, vector<1x128xf32>, vector<1x128xf32>, vector<1x128xf32>, vector<1x128xf32>, vector<1x128xf32>, vector<1x128xf32>, vector<1x128xf32>, vector<1x128xf32>, vector<1x128xf32>, vector<1x128xf32>, vector<1x128xf32>, vector<1x128xf32>, vector<1x128xf32>, vector<1x128xf32> -> vector<16x128xf32>
    %max3A = arith.maximumf %get3A_173, %concatenate3A : vector<16x128xf32>
    %swap3A = arith.constant 0 : index
    %swap3A_174 = arith.constant 0 : index
    %swap3A_175 = vector.load %arg8[%swap3A, %swap3A_174] : memref<16x128xf32, #tpu.memory_space<vmem>>, vector<16x128xf32>
    tpu.vector_store %arg8[%swap3A, %swap3A_174], %max3A {strides = array<i32>} : memref<16x128xf32, #tpu.memory_space<vmem>>, vector<16x128xf32>,
    return
  }
  func.func @transform_0(%arg0: i32) -> (i32, i32) {
    %c0_i32 = arith.constant 0 : i32
    %c0_i32_0 = arith.constant 0 : i32
    return %arg0, %c0_i32 : i32, i32
  }
  func.func @transform_1(%arg0: i32) -> (i32, i32) {
    %c0_i32 = arith.constant 0 : i32
    %c0_i32_0 = arith.constant 0 : i32
    return %arg0, %c0_i32 : i32, i32
  }
  func.func @transform_2(%arg0: i32) -> (i32, i32) {
    %c0_i32 = arith.constant 0 : i32
    %c0_i32_0 = arith.constant 0 : i32
    return %arg0, %c0_i32 : i32, i32
  }
  func.func @transform_3(%arg0: i32) -> (i32, i32) {
    %c0_i32 = arith.constant 0 : i32
    %c0_i32_0 = arith.constant 0 : i32
    return %arg0, %c0_i32 : i32, i32
  }
  func.func @transform_4(%arg0: i32) -> (i32, i32) {
    %c0_i32 = arith.constant 0 : i32
    %c0_i32_0 = arith.constant 0 : i32
    return %arg0, %c0_i32 : i32, i32
  }
  func.func @transform_5(%arg0: i32) -> (i32, i32) {
    %c0_i32 = arith.constant 0 : i32
    %c0_i32_0 = arith.constant 0 : i32
    %c0_i32_1 = arith.constant 0 : i32
    return %c0_i32, %c0_i32_0 : i32, i32
  }
  func.func @transform_6(%arg0: i32) -> (i32, i32) {
    %c0_i32 = arith.constant 0 : i32
    %c0_i32_0 = arith.constant 0 : i32
    return %arg0, %c0_i32 : i32, i32
  }
  func.func @transform_7(%arg0: i32) -> (i32, i32) {
    %c0_i32 = arith.constant 0 : i32
    %c0_i32_0 = arith.constant 0 : i32
    %c0_i32_1 = arith.constant 0 : i32
    return %c0_i32, %c0_i32_0 : i32, i32
  }
}

</mosaic_0001>

<sc_bundles>
// kernel: kernel.11.cloned.1.call-start
scs
__scs_entry_jumppad:
0x0: {  	(pc) =	sbr.rel $0x88, $3  }
0x1: {  	(tag) =	ssettag $0x0;
	lr =	simm.s32 $0x1  }
0x2: {  	[smem:$0x3F9A] =	sst lr;
	_ =	strace $0xD0000000  }
0x3: {  	_ = 	snop  }
0x4: {  	_ = 	snop  }
0x5: {  	_ = 	snop  }
0x6: {  	_ = 	snop  }
0x7: {  	_ = 	snop  }
__scs_overlays_trampoline_lowered:
0x8: {  	[smem:$0x3FA9] =	sst s0  }
0x9: {  	[smem:$0x3FAA] =	sst s1  }
0xa: {  	[smem:$0x3FAB] =	sst s2  }
0xb: {  	[smem:$0x3FAC] =	sst s3  }
0xc: {  	[smem:$0x3FAD] =	sst s4  }
0xd: {  	[smem:$0x3FAE] =	sst s5  }
0xe: {  	[smem:$0x3FAF] =	sst s6  }
0xf: {  	[smem:$0x3FB0] =	sst s7  }
0x10: {  	[smem:$0x3FB1] =	sst s8  }
0x11: {  	[smem:$0x3FB2] =	sst s9;
	s0 =	simm.s32 @!p0 $0x0  }
0x12: {  	s1 =	sld [smem:$0x3F98];
	s0 =	simm.s32 @p0 $0x1  }
0x13: {  	[smem:$0x3FB3] =	sst s0;
	s0 =	simm.s32 @!p1 $0x0  }
0x14: {  	s2 =	sld [smem:$0x3F97];
	s0 =	simm.s32 @p1 $0x1  }
0x15: {  	[smem:$0x3FB4] =	sst s0;
	s0 =	simm.s32 @!p2 $0x0  }
0x16: {  	s3 =	sld [smem:$0x3FDB];
	s0 =	simm.s32 @p2 $0x1  }
0x17: {  	s4 =	simm.s32 $0x1BF5;
	[smem:$0x3FB6] =	sst s0  }
0x18: {  	s0 =	sld [smem:$0x3F99];
	_ =	swait.ge [sflag:s4], $0x0  }
0x19: {  	s7 =	sld [smem:$0x3F9A]  }
0x1a: {  	s8 =	sadd.s32 $0xFFFFE003, lr  }
0x1b: {  	s9 =	sadd.s32 $0xFFFFFEF7, lr;
	s5 =	simm.s32 $0xFFFFFFFF;
	p2 =	slt.u32 s8, $0xFFFFF086  }
0x1c: {  	p1 =	slt.u32 s9, $0xF7A;
	s5 =	simm.s32 @!p2 $0x0  }
0x1d: {  	s5 =	simm.s32 @p1 $0x1;
	p0 =	seq.s32 s7, s2  }
0x1e: {  	s7 =	smul.u32 @!p0 $0xF7A, s2;
	p2 =	seq.s32 @!p0 s5, $0x0  }
0x1f: {  	s9 =	smul.u32 $0xF7A, s1;
	s8 =	simm.s32 @!p0 $0x1BF5;
	p2 =	por !p2, p0  }
0x20: {  	[sflag:s8] =	ssyncset.s32 @!p0 $0xFFFFF086;
	s6 =	sadd.s32 @!p0 s3, s7;
	s7 =	simm.s32 @!p0 $0x108  }
0x21: {  	s3 =	sadd.s32 s3, s9;
	s6 =	sadd.s32 @!p0 $0x88, s6;
	s7 =	simm.s32 @p2 $0x1082  }
0x22: {  	[simem:s7], [sflag:s8] =	dma.local @!p0 [hbm:s6], $0xF7A  }
0x23: {  	s9 =	sor.u32 $0xD0000000, s2;
	s6 =	simm.s32 $0x108;
	_ =	swait.ge @!p0 [sflag:s8], $0x0  }
0x24: {  	s3 =	sadd.s32 $0x88, s3;
	s6 =	simm.s32 @!p1 $0x1082;
	[sflag:s4] =	ssyncset.s32 $0xFFFFF086  }
0x25: {  	[simem:s6], [sflag:s4] =	dma.local [hbm:s3], $0xF7A  }
0x26: {  	[smem:$0x3F9A] =	sst s1;
	(tag) =	ssettag s2;
	_ =	strace s9  }
0x27: {  	s1 =	sld [smem:$0x3FAA]  }
0x28: {  	s2 =	sld [smem:$0x3FAB]  }
0x29: {  	s4 =	sld [smem:$0x3FAD]  }
0x2a: {  	p0 =	seq.s32 s5, $0x0;
	s5 =	sld [smem:$0x3FAE]  }
0x2b: {  	s6 =	sld [smem:$0x3FAF]  }
0x2c: {  	s7 =	sld [smem:$0x3FB0]  }
0x2d: {  	s3 =	simm.s32 $0x108;
	s8 =	sld [smem:$0x3FB1]  }
0x2e: {  	s3 =	simm.s32 @!p0 $0x1082;
	s9 =	sld [smem:$0x3FB2]  }
0x2f: {  	lr =	sadd.s32 s0, s3;
	s0 =	sld [smem:$0x3FA9]  }
0x30: {  	s3 =	sld [smem:$0x3FAC]  }
0x31: {  	[smem:$0x3FB5] =	sst s10  }
0x32: {  	s10 =	sld [smem:$0x3FB3];
	_ =	sdelay $0x3  }
0x33: {  	p0 =	seq.s32 s10, $0x1;
	s10 =	sld [smem:$0x3FB5];
	_ =	sdelay $0x3  }
0x34: {  	[smem:$0x3FB5] =	sst s10  }
0x35: {  	s10 =	sld [smem:$0x3FB4];
	_ =	sdelay $0x3  }
0x36: {  	p1 =	seq.s32 s10, $0x1;
	s10 =	sld [smem:$0x3FB5];
	_ =	sdelay $0x3  }
0x37: {  	[smem:$0x3FB5] =	sst s10  }
0x38: {  	s10 =	sld [smem:$0x3FB6]  }
0x39: {  	_ = 	snop;
	(pc) =	sbr.ind lr, $3  }
0x3a: {  	_ = 	snop  }
0x3b: {  	_ = 	snop  }
0x3c: {  	p2 =	seq.s32 s10, $0x1;
	s10 =	sld [smem:$0x3FB5]  }
0x3d: {  	_ =	shalt  }
0x3e: {  	_ =	shalt  }
0x3f: {  	_ =	shalt  }
0x40: {  	_ =	shalt  }
0x41: {  	_ =	shalt  }
0x42: {  	_ =	shalt  }
0x43: {  	_ =	shalt  }
0x44: {  	_ =	shalt  }
0x45: {  	_ =	shalt  }
0x46: {  	_ =	shalt  }
0x47: {  	_ =	shalt  }
0x48: {  	_ =	shalt  }
0x49: {  	_ =	shalt  }
0x4a: {  	_ =	shalt  }
0x4b: {  	_ =	shalt  }
0x4c: {  	_ =	shalt  }
0x4d: {  	_ =	shalt  }
0x4e: {  	_ =	shalt  }
0x4f: {  	_ =	shalt  }
0x50: {  	_ =	shalt  }
0x51: {  	_ =	shalt  }
0x52: {  	_ =	shalt  }
0x53: {  	_ =	shalt  }
0x54: {  	_ =	shalt  }
0x55: {  	_ =	shalt  }
0x56: {  	_ =	shalt  }
0x57: {  	_ =	shalt  }
0x58: {  	_ =	shalt  }
0x59: {  	_ =	shalt  }
0x5a: {  	_ =	shalt  }
0x5b: {  	_ =	shalt  }
0x5c: {  	_ =	shalt  }
0x5d: {  	_ =	shalt  }
0x5e: {  	_ =	shalt  }
0x5f: {  	_ =	shalt  }
0x60: {  	_ =	shalt  }
0x61: {  	_ =	shalt  }
0x62: {  	_ =	shalt  }
0x63: {  	_ =	shalt  }
0x64: {  	_ =	shalt  }
0x65: {  	_ =	shalt  }
0x66: {  	_ =	shalt  }
0x67: {  	_ =	shalt  }
0x68: {  	_ =	shalt  }
0x69: {  	_ =	shalt  }
0x6a: {  	_ =	shalt  }
0x6b: {  	_ =	shalt  }
0x6c: {  	_ =	shalt  }
0x6d: {  	_ =	shalt  }
0x6e: {  	_ =	shalt  }
0x6f: {  	_ =	shalt  }
0x70: {  	_ =	shalt  }
0x71: {  	_ =	shalt  }
0x72: {  	_ =	shalt  }
0x73: {  	_ =	shalt  }
0x74: {  	_ =	shalt  }
0x75: {  	_ =	shalt  }
0x76: {  	_ =	shalt  }
0x77: {  	_ =	shalt  }
0x78: {  	_ =	shalt  }
0x79: {  	_ =	shalt  }
0x7a: {  	_ =	shalt  }
0x7b: {  	_ =	shalt  }
0x7c: {  	_ =	shalt  }
0x7d: {  	_ =	shalt  }
0x7e: {  	_ =	shalt  }
0x7f: {  	_ =	shalt  }
0x80: {  	_ =	shalt  }
0x81: {  	_ =	shalt  }
0x82: {  	_ =	shalt  }
0x83: {  	_ =	shalt  }
0x84: {  	_ =	shalt  }
0x85: {  	_ =	shalt  }
0x86: {  	_ =	shalt  }
0x87: {  	_ =	shalt  }
.Lfunc_end0:
.L_simem_size_0:
called_computation.1_lowered:
.L_overlay_start_0:
0x88: {  	s2 =	sld [smem:$0x3FD9]  }
0x89: {  	s3 =	sld [smem:$0x3FFE];
	_ =	sdelay $0x1  }
0x8a: {  	s1 =	srdreg.scid  }
0x8b: {  	s0 =	sand.u32 $0x1, s1  }
0x8c: {  	s16 =	sshll.u32 s0, $0xA;
	s2 =	sadd.s32 s3, s2  }
0x8d: {  	s2 =	sadd.s32 s2, s16  }
0x8e: {  	[smem:$0x3FC1] =	sst s2  }
0x8f: {  	_ = 	snop  }
0x90: {  	(tm) =	ssettm $0x1  }
0x91: {  	s17 =	sld [smem:$0x3FFB];
	_ =	sdelay $0x3  }
0x92: {  	_ =	strace s17  }
0x93: {  	s2 =	sld [smem:$0x3FFC];
	_ =	sdelay $0x3  }
0x94: {  	_ =	strace s2  }
0x95: {  	s2 =	sld [smem:$0x3FFD];
	_ =	sdelay $0x3  }
0x96: {  	_ =	strace s2  }
0x97: {  	_ =	strace $0x8FFFFFFF  }
0x98: {  	s18 =	sld [smem:$0x3FDB];
	_ =	sdelay $0x1  }
0x99: {  	s19 =	simm.s32 $_scs_section_size  }
0x9a: {  	s4 =	simm.s32 $_size__tile_overlayer_lowered;
	s5 =	simm.s32 $_tile_overlayer_lowered  }
0x9b: {  	s22 =	simm.s32 $0x1BFF;
	s21 =	sshll.u32 s5, $0x1;
	s2 =	sadd.s32 s19, s18  }
0x9c: {  	s6 =	simm.s32 $0x0;
	s20 =	sshll.u32 s4, $0x1;
	s4 =	sadd.s32 s21, s2  }
0x9d: {  	[timem:s6], [sflag:s22] =	dma.local [hbm:s4], s20  }
0x9e: {  	_ =	swait.ge [sflag:s22], s20  }
0x9f: {  	s3 =	ssub.s32 $0x0, s20;
	[sflag:s22] =	ssyncset.done $0x0  }
0xa0: {  	[sflag:s22] =	ssyncadd.s32 s3;
	_ =	sdelay $0x1  }
0xa1: {  	s23 =	simm.s32 $0x1B8B  }
0xa2: {  	_ =	swait.ge [sflag:s23], $0x1  }
0xa3: {  	[sflag:s23] =	ssyncset.done $0x0  }
0xa4: {  	s25 =	simm.s32 $0x1B8E;
	s24 =	sld [smem:$0x3FFE];
	[sflag:s23] =	ssyncadd.s32 $0xFFFFFFFF  }
0xa5: {  	s26 =	simm.s32 $execute0_lowered;
	[smem:$0x3FD2] =	sst s25  }
0xa6: {  	s4 =	sshll.u32 s26, $0x1;
	_ =	strace $0x80000049;
	[dreg:$0x1] =	wrdreg $0xFFFFFFFF  }
0xa7: {  	s28 =	simm.s32 $_size_execute0_lowered;
	s2 =	sadd.s32 s2, s4;
	[dreg:$0x0] =	wrdreg $0x0  }
0xa8: {  	s4 =	sshll.u32 s28, $0x1;
	[dreg:$0x2] =	wrdreg s2  }
0xa9: {  	[dreg:$0x3] =	wrdreg s4  }
0xaa: {  	[dreg:$0x4] =	wrdreg $0xC0  }
0xab: {  	_ =	task [dreg:s6], $0x5FFFF  }
0xac: {  	[dreg:$0x1] =	wrdreg $0xFFFFFFFF  }
0xad: {  	[dreg:$0x0] =	wrdreg $0x60  }
0xae: {  	[dreg:$0x2] =	wrdreg s24  }
0xaf: {  	[dreg:$0x3] =	wrdreg $0xA4000  }
0xb0: {  	[dreg:$0x4] =	wrdreg $0x9  }
0xb1: {  	_ =	task.clear_ibuf [dreg:s6], $0x5FFFF;
	_ =	strace $0x90000049  }
0xb2: {  	s29 =	simm.s32 $0x9;
	_ =	strace $0x8000004B  }
0xb3: {  	_ =	swait.ge [sflag:s29], $0x1  }
0xb4: {  	[sflag:s29] =	ssyncadd.s32 $0xFFFFFFFF  }
0xb5: {  	_ =	strace $0x9000004B  }
0xb6: {  	_ =	sfence  }
0xb7: {  	s30 =	sld [smem:$0x0];
	_ =	sdelay $0x2  }
0xb8: {  	s31 =	sshll.u32 s1, $0xD;
	s1 =	sshrl.u32 s1, $0x2  }
0xb9: {  	s3 =	sand.u32 $0x4000, s31;
	s1 =	sadd.s32 s1, s30  }
0xba: {  	s0 =	sor.u32 s3, s0;
	s1 =	sshll.u32 s1, $0x11  }
0xbb: {  	s0 =	sor.u32 s1, s0  }
0xbc: {  	s0 =	sadd.s32 $0x8F2B, s0  }
0xbd: {  	[sflag:s0] =	ssyncadd.remote.s32 $0x1  }
0xbe: {  	_ =	sfence.sel $0xFFFF  }
0xbf: {  	[dreg:$0x0] =	wrdreg $0xFFFFFFFF;
	(pc) =	sbr.abs _section_cstart, $3  }
0xc0: {  	[dreg:$0x1] =	wrdreg $0xFFFFFFFF  }
0xc1: {  	_ =	task.clear_ibuf [dreg:s6], $0x2FFFF;
	_ =	strace $0x9FFFFFFF  }
0xc2: {  	(tm) =	ssettm $0x7FFFFFFF  }
0xc3: {  	_ =	shalt  }
tec
execute0_lowered:
.L_overlay_start_1:
0x0: {  	(tag) =	ssettag $0x1  }
0x1: {  	s0 =	rddreg [dreg:$0x0]  }
0x2: {  	s2 =	rddreg [dreg:$0x1]  }
0x3: {  	s3 =	simm.s32 $0x0;
	s12 =	stileid.u32;
	s1 =	srdreg.scid  }
0x4: {  	s28 =	simm.s32 $0x100;
	s29 =	simm.s32 $0x300;
	s30 =	simm.s32 $0x180  }
0x5: {  	s31 =	simm.s32 $0x380;
	[smem:$0x7FF] =	sst s3;
	s7 =	smul.u32 $0x14000, s12  }
0x6: {  	s1 =	sand.u32 $0x1, s1;
	s4 =	sadd.s32 $0x8F200, s0;
	s14 =	smul.u32 $0x50000, s12  }
0x7: {  	s5 =	sadd.s32 $0x3600, s0;
	s6 =	sadd.s32 $0xD400, s0;
	s22 =	smul.u32 $0x2710, s12  }
0x8: {  	s16 =	sshll.u32 s12, $0x6;
	_ =	strace $0x8000004A;
	s8 =	smul.u32 $0x140000, s1  }
0x9: {  	s10 =	sshll.u32 s1, $0x4;
	s15 =	ssub.s32 $0x2, s1;
	s19 =	sor.u32 $0x1C09, s16  }
0xa: {  	s1 =	smul.u32 $0x27100, s1;
	s9 =	sshrl.u32 s7, $0x3;
	s10 =	sor.u32 s12, s10  }
0xb: {  	s11 =	sshrl.u32 s15, $0x1;
	[dreg:$0xb] =	wrdreg s19;
	s9 =	sadd.s32 s9, s0  }
0xc: {  	s7 =	sadd.s32 s7, s8;
	s8 =	sshrl.u32 s14, $0x2;
	s10 =	smul.u32 $0x2710, s10  }
0xd: {  	s1 =	sadd.s32 s22, s1;
	s7 =	sshrl.u32 s7, $0x3;
	s8 =	sadd.s32 s8, s2  }
0xe: {  	s9 =	sadd.s32 $0x17200, s9;
	s12 =	sadd.s32 $0x230, s1;
	s16 =	sadd.s32 $0x1E0, s1  }
0xf: {  	s0 =	sadd.s32 s7, s0;
	s7 =	ssub.s32 s15, s11;
	[dreg:$0x9] =	wrdreg s8  }
0x10: {  	[dreg:$0xa] =	wrdreg s9;
	s17 =	sshrl.u32 s10, $0x3;
	s14 =	sshrl.u32 s12, $0x3  }
0x11: {  	s12 =	simm.s32 $0x5400;
	s18 =	sadd.s32 s5, s17;
	s20 =	sadd.s32 s6, s17  }
0x12: {  	s21 =	sadd.s32 $0xA, s17;
	s10 =	sadd.s32 $0x14, s17;
	[dreg:$0xc] =	wrdreg s18  }
0x13: {  	s26 =	sadd.s32 $0x1E, s17;
	s15 =	sadd.s32 s14, s6;
	[dreg:$0xd] =	wrdreg s20  }
0x14: {  	s8 =	sadd.s32 $0x4D8, s17;
	s17 =	sadd.s32 s14, s5;
	[dreg:$0x3] =	wrdreg s15  }
0x15: {  	s0 =	sadd.s32 $0xB7200, s0;
	s7 =	smax.u32 s7, $0x1;
	[dreg:$0x4] =	wrdreg s17  }
0x16: {  	s14 =	simm.s32 $0x4;
	s23 =	sadd.s32 s5, s21;
	[dreg:$0x16] =	wrdreg s0  }
0x17: {  	s9 =	sadd.s32 s6, s21;
	s24 =	sadd.s32 s5, s10;
	[dreg:$0x17] =	wrdreg s7  }
0x18: {  	s25 =	sadd.s32 s6, s10;
	s11 =	sadd.s32 s5, s26;
	[dreg:$0xe] =	wrdreg s23  }
0x19: {  	s13 =	sadd.s32 s5, s8;
	s8 =	sadd.s32 s6, s8;
	[dreg:$0xf] =	wrdreg s9  }
0x1a: {  	s18 =	sshrl.u32 s16, $0x3;
	s21 =	sadd.s32 $0x190, s1;
	[dreg:$0x10] =	wrdreg s24  }
0x1b: {  	s0 =	simm.s32 $0x1;
	s7 =	simm.s32 $0x400;
	[dreg:$0x11] =	wrdreg s25  }
0x1c: {  	s10 =	simm.s32 $0x2C00;
	s15 =	simm.s32 $0x7C00;
	[dreg:$0x12] =	wrdreg s11  }
0x1d: {  	s16 =	simm.s32 $0x6;
	s17 =	simm.s32 $0x7;
	[dreg:$0x14] =	wrdreg s13  }
0x1e: {  	s9 =	sadd.s32 s6, s26;
	[dreg:$0x15] =	wrdreg s8;
	s20 =	sadd.s32 s18, s6  }
0x1f: {  	s22 =	sadd.s32 s18, s5;
	s23 =	sshrl.u32 s21, $0x3;
	s26 =	sadd.s32 $0x140, s1  }
0x20: {  	s1 =	simm.s32 $0x50;
	s8 =	simm.s32 $0x2;
	[dreg:$0x13] =	wrdreg s9  }
0x21: {  	s11 =	simm.s32 $0x3;
	s13 =	simm.s32 $0x5;
	[dreg:$0x5] =	wrdreg s20  }
0x22: {  	s18 =	simm.s32 $0x8;
	[dreg:$0x6] =	wrdreg s22;
	s24 =	sadd.s32 s23, s6  }
0x23: {  	s25 =	sadd.s32 s23, s5;
	[dreg:$0x18] =	wrdreg s26;
	s23 =	simm.s32 $0x9  }
0x24: {  	s26 =	simm.s32 $0x280;
	s20 =	simm.s32 $0x0;
	[dreg:$0x7] =	wrdreg s24  }
0x25: {  	[dreg:$0x8] =	wrdreg s25;
	s24 =	simm.s32 $0x200;
	s25 =	simm.s32 $0x80  }
.LBB2_1:
0x26: {  	[dreg:$0x19] =	wrdreg s20  }
0x27: {  	s9 =	rddreg [dreg:$0x9]  }
0x28: {  	s22 =	rddreg [dreg:$0xa];
	s21 =	sshrl.u32 s9, $0x3  }
0x29: {  	[dreg:$0x1a] =	wrdreg s21  }
0x2a: {  	[spmem:s21], [sflag:s19] =	dma.local [hbm:s22], $0x2800  }
0x2b: {  	_ =	swait.ge [sflag:s23], $0x2800  }
0x2c: {  	[sflag:s23] =	ssyncset.done $0x0  }
0x2d: {  	[sflag:s23] =	ssyncadd.s32 $0xFFFFD800  }
0x2e: {  	[bflag:$0x0] =	sbarrier.arrive $0xFFFF  }
0x2f: {  	s20 =	rddreg [dreg:$0xc]  }
0x30: {  	[tilespmem:s3], [sflag:$0x1] =	stream.linear.gather [hbm4b:s20+s3], $0x50, $0x38;
	[tilespmem:$0x1E400] =	vst v63  }
0x31: {  	s21 =	rddreg [dreg:$0xd]  }
0x32: {  	[tilespmem:s24], [sflag:$0x1] =	stream.linear.gather [hbm4b:s21+s3], $0x50, $0x38;
	[tilespmem:$0x1E400] =	vst v63  }
0x33: {  	s22 =	rddreg [dreg:$0xe]  }
0x34: {  	[tilespmem:s25], [sflag:$0x2] =	stream.linear.gather [hbm4b:s22+s3], $0x50, $0x38;
	[tilespmem:$0x1E400] =	vst v63  }
0x35: {  	s19 =	rddreg [dreg:$0xf]  }
0x36: {  	[tilespmem:s26], [sflag:$0x2] =	stream.linear.gather [hbm4b:s19+s3], $0x50, $0x38;
	[tilespmem:$0x1E400] =	vst v63  }
0x37: {  	s20 =	rddreg [dreg:$0x10]  }
0x38: {  	[tilespmem:s28], [sflag:$0x3] =	stream.linear.gather [hbm4b:s20+s3], $0x50, $0x38;
	[tilespmem:$0x1E400] =	vst v63  }
0x39: {  	s21 =	rddreg [dreg:$0x11]  }
0x3a: {  	[tilespmem:s29], [sflag:$0x3] =	stream.linear.gather [hbm4b:s21+s3], $0x50, $0x38;
	[tilespmem:$0x1E400] =	vst v63  }
0x3b: {  	s22 =	rddreg [dreg:$0x12]  }
0x3c: {  	[tilespmem:s30], [sflag:$0x4] =	stream.linear.gather [hbm4b:s22+s3], $0x50, $0x38;
	[tilespmem:$0x1E400] =	vst v63  }
0x3d: {  	s19 =	rddreg [dreg:$0x13]  }
0x3e: {  	[tilespmem:s31], [sflag:$0x4] =	stream.linear.gather [hbm4b:s19+s3], $0x50, $0x38;
	[tilespmem:$0x1E400] =	vst v63  }
0x3f: {  	_ =	swait.ge [sflag:s0], $0x50  }
0x40: {  	[sflag:s0] =	ssyncset.done $0x0  }
0x41: {  	[sflag:s0] =	ssyncadd.s32 $0xFFFFFFB0  }
0x42: {  	_ =	swait.ge [sflag:s0], $0x50  }
0x43: {  	[sflag:s0] =	ssyncset.done $0x0  }
0x44: {  	[sflag:s0] =	ssyncadd.s32 $0xFFFFFFB0  }
0x45: {  	[tilespmem:s7], [sflag:$0x5] =	stream.indirect.gather [hbm4b:s4+s1], $0x80, s3, s1, $0xb8;
	[tilespmem:$0x1E400] =	vst v63  }
0x46: {  	_ =	swait.ge [sflag:s8], $0x50  }
0x47: {  	[sflag:s8] =	ssyncset.done $0x0  }
0x48: {  	[sflag:s8] =	ssyncadd.s32 $0xFFFFFFB0  }
0x49: {  	_ =	swait.ge [sflag:s8], $0x50  }
0x4a: {  	[sflag:s8] =	ssyncset.done $0x0  }
0x4b: {  	[sflag:s8] =	ssyncadd.s32 $0xFFFFFFB0  }
0x4c: {  	[tilespmem:s10], [sflag:$0x6] =	stream.indirect.gather [hbm4b:s4+s1], $0x80, s25, s1, $0xb8;
	[tilespmem:$0x1E400] =	vst v63  }
0x4d: {  	_ =	swait.ge [sflag:s11], $0x50  }
0x4e: {  	[sflag:s11] =	ssyncset.done $0x0  }
0x4f: {  	[sflag:s11] =	ssyncadd.s32 $0xFFFFFFB0  }
0x50: {  	_ =	swait.ge [sflag:s11], $0x50  }
0x51: {  	[sflag:s11] =	ssyncset.done $0x0  }
0x52: {  	[sflag:s11] =	ssyncadd.s32 $0xFFFFFFB0  }
0x53: {  	[tilespmem:s12], [sflag:$0x7] =	stream.indirect.gather [hbm4b:s4+s1], $0x80, s28, s1, $0xb8;
	[tilespmem:$0x1E400] =	vst v63  }
0x54: {  	_ =	swait.ge [sflag:s13], $0x2800  }
0x55: {  	[sflag:s13] =	ssyncset.done $0x0  }
0x56: {  	[sflag:s13] =	ssyncadd.s32 $0xFFFFD800  }
0x57: {  	_ =	swait.ge [sflag:s14], $0x50  }
0x58: {  	[sflag:s14] =	ssyncset.done $0x0  }
0x59: {  	[sflag:s14] =	ssyncadd.s32 $0xFFFFFFB0  }
0x5a: {  	_ =	swait.ge [sflag:s14], $0x50  }
0x5b: {  	[sflag:s14] =	ssyncset.done $0x0  }
0x5c: {  	[sflag:s14] =	ssyncadd.s32 $0xFFFFFFB0  }
0x5d: {  	[tilespmem:s15], [sflag:$0x8] =	stream.indirect.gather [hbm4b:s4+s1], $0x80, s30, s1, $0xb8;
	[tilespmem:$0x1E400] =	vst v63  }
0x5e: {  	_ = 	snop  }
0x5f: {  	[spmem:s2] =	stream.indirect.scatter.add.f32 [tilespmem:s7], [sflag:$0x9], $0x80, s24, s1, $0xb8;
	[tilespmem:$0x1E400] =	vst v63  }
0x60: {  	_ =	swait.ge [sflag:s23], $0x2800  }
0x61: {  	s19 =	rddreg [dreg:$0x18]  }
0x62: {  	[sflag:s23] =	ssyncset.done $0x0;
	s20 =	sshrl.u32 s19, $0x3  }
0x63: {  	[sflag:s23] =	ssyncadd.s32 $0xFFFFD800;
	s21 =	sadd.s32 s5, s20  }
0x64: {  	[tilespmem:s3], [sflag:$0x1] =	stream.linear.gather [hbm4b:s21+s3], $0x50, $0x38;
	[tilespmem:$0x1E400] =	vst v63  }
0x65: {  	s9 =	sadd.s32 s6, s20  }
0x66: {  	[tilespmem:s24], [sflag:$0x1] =	stream.linear.gather [hbm4b:s9+s3], $0x50, $0x38;
	[tilespmem:$0x1E400] =	vst v63  }
0x67: {  	_ =	swait.ge [sflag:s16], $0x2800  }
0x68: {  	[sflag:s16] =	ssyncset.done $0x0  }
0x69: {  	[sflag:s16] =	ssyncadd.s32 $0xFFFFD800  }
0x6a: {  	_ =	swait.ge [sflag:s0], $0x50  }
0x6b: {  	[sflag:s0] =	ssyncset.done $0x0  }
0x6c: {  	[sflag:s0] =	ssyncadd.s32 $0xFFFFFFB0  }
0x6d: {  	_ =	swait.ge [sflag:s0], $0x50  }
0x6e: {  	[sflag:s0] =	ssyncset.done $0x0  }
0x6f: {  	[sflag:s0] =	ssyncadd.s32 $0xFFFFFFB0  }
0x70: {  	[tilespmem:s7], [sflag:$0x5] =	stream.indirect.gather [hbm4b:s4+s1], $0x80, s3, s1, $0xb8;
	[tilespmem:$0x1E400] =	vst v63  }
0x71: {  	_ = 	snop  }
0x72: {  	[spmem:s2] =	stream.indirect.scatter.add.f32 [tilespmem:s10], [sflag:$0x9], $0x80, s26, s1, $0xb8;
	[tilespmem:$0x1E400] =	vst v63  }
0x73: {  	_ =	swait.ge [sflag:s23], $0x2800  }
0x74: {  	s21 =	rddreg [dreg:$0x8];
	[sflag:s23] =	ssyncset.done $0x0  }
0x75: {  	s22 =	rddreg [dreg:$0x7];
	[sflag:s23] =	ssyncadd.s32 $0xFFFFD800;
	s9 =	sadd.s32 $0x0, s21  }
0x76: {  	[tilespmem:s25], [sflag:$0x2] =	stream.linear.gather [hbm4b:s9+s3], $0x50, $0x38;
	[tilespmem:$0x1E400] =	vst v63  }
0x77: {  	s20 =	sadd.s32 $0x0, s22  }
0x78: {  	[tilespmem:s26], [sflag:$0x2] =	stream.linear.gather [hbm4b:s20+s3], $0x50, $0x38;
	[tilespmem:$0x1E400] =	vst v63  }
0x79: {  	_ =	swait.ge [sflag:s17], $0x2800  }
0x7a: {  	[sflag:s17] =	ssyncset.done $0x0  }
0x7b: {  	[sflag:s17] =	ssyncadd.s32 $0xFFFFD800  }
0x7c: {  	_ =	swait.ge [sflag:s8], $0x50  }
0x7d: {  	[sflag:s8] =	ssyncset.done $0x0  }
0x7e: {  	[sflag:s8] =	ssyncadd.s32 $0xFFFFFFB0  }
0x7f: {  	_ =	swait.ge [sflag:s8], $0x50  }
0x80: {  	[sflag:s8] =	ssyncset.done $0x0  }
0x81: {  	[sflag:s8] =	ssyncadd.s32 $0xFFFFFFB0  }
0x82: {  	[tilespmem:s10], [sflag:$0x6] =	stream.indirect.gather [hbm4b:s4+s1], $0x80, s25, s1, $0xb8;
	[tilespmem:$0x1E400] =	vst v63  }
0x83: {  	_ = 	snop  }
0x84: {  	[spmem:s2] =	stream.indirect.scatter.add.f32 [tilespmem:s12], [sflag:$0x9], $0x80, s29, s1, $0xb8;
	[tilespmem:$0x1E400] =	vst v63  }
0x85: {  	_ =	swait.ge [sflag:s23], $0x2800  }
0x86: {  	s21 =	rddreg [dreg:$0x6];
	[sflag:s23] =	ssyncset.done $0x0  }
0x87: {  	s22 =	rddreg [dreg:$0x5];
	[sflag:s23] =	ssyncadd.s32 $0xFFFFD800;
	s9 =	sadd.s32 $0x0, s21  }
0x88: {  	[tilespmem:s28], [sflag:$0x3] =	stream.linear.gather [hbm4b:s9+s3], $0x50, $0x38;
	[tilespmem:$0x1E400] =	vst v63  }
0x89: {  	s20 =	sadd.s32 $0x0, s22  }
0x8a: {  	[tilespmem:s29], [sflag:$0x3] =	stream.linear.gather [hbm4b:s20+s3], $0x50, $0x38;
	[tilespmem:$0x1E400] =	vst v63  }
0x8b: {  	_ =	swait.ge [sflag:s18], $0x2800  }
0x8c: {  	[sflag:s18] =	ssyncset.done $0x0  }
0x8d: {  	[sflag:s18] =	ssyncadd.s32 $0xFFFFD800  }
0x8e: {  	_ =	swait.ge [sflag:s11], $0x50  }
0x8f: {  	[sflag:s11] =	ssyncset.done $0x0  }
0x90: {  	[sflag:s11] =	ssyncadd.s32 $0xFFFFFFB0  }
0x91: {  	_ =	swait.ge [sflag:s11], $0x50  }
0x92: {  	[sflag:s11] =	ssyncset.done $0x0  }
0x93: {  	[sflag:s11] =	ssyncadd.s32 $0xFFFFFFB0  }
0x94: {  	[tilespmem:s12], [sflag:$0x7] =	stream.indirect.gather [hbm4b:s4+s1], $0x80, s28, s1, $0xb8;
	[tilespmem:$0x1E400] =	vst v63  }
0x95: {  	_ = 	snop  }
0x96: {  	[spmem:s2] =	stream.indirect.scatter.add.f32 [tilespmem:s15], [sflag:$0x9], $0x80, s31, s1, $0xb8;
	[tilespmem:$0x1E400] =	vst v63  }
0x97: {  	_ =	swait.ge [sflag:s23], $0x2800  }
0x98: {  	s21 =	rddreg [dreg:$0x4];
	[sflag:s23] =	ssyncset.done $0x0  }
0x99: {  	s22 =	rddreg [dreg:$0x3];
	[sflag:s23] =	ssyncadd.s32 $0xFFFFD800;
	s9 =	sadd.s32 $0x0, s21  }
0x9a: {  	[tilespmem:s30], [sflag:$0x4] =	stream.linear.gather [hbm4b:s9+s3], $0x50, $0x38;
	[tilespmem:$0x1E400] =	vst v63  }
0x9b: {  	s21 =	simm.s32 $0x28;
	s22 =	sadd.s32 $0x0, s22;
	s9 =	sadd.s32 $0x140, s19  }
.LBB2_2:
0x9c: {  	[tilespmem:s31], [sflag:$0x4] =	stream.linear.gather [hbm4b:s22+s3], $0x50, $0x38;
	[tilespmem:$0x1E400] =	vst v63  }
0x9d: {  	_ =	swait.ge [sflag:s13], $0x2800  }
0x9e: {  	[sflag:s13] =	ssyncset.done $0x0  }
0x9f: {  	[sflag:s13] =	ssyncadd.s32 $0xFFFFD800  }
0xa0: {  	_ =	swait.ge [sflag:s14], $0x50  }
0xa1: {  	[sflag:s14] =	ssyncset.done $0x0  }
0xa2: {  	[sflag:s14] =	ssyncadd.s32 $0xFFFFFFB0  }
0xa3: {  	_ =	swait.ge [sflag:s14], $0x50  }
0xa4: {  	[sflag:s14] =	ssyncset.done $0x0  }
0xa5: {  	[sflag:s14] =	ssyncadd.s32 $0xFFFFFFB0  }
0xa6: {  	[tilespmem:s15], [sflag:$0x8] =	stream.indirect.gather [hbm4b:s4+s1], $0x80, s30, s1, $0xb8;
	[tilespmem:$0x1E400] =	vst v63  }
0xa7: {  	_ = 	snop  }
0xa8: {  	[spmem:s2] =	stream.indirect.scatter.add.f32 [tilespmem:s7], [sflag:$0x9], $0x80, s24, s1, $0xb8;
	[tilespmem:$0x1E400] =	vst v63  }
0xa9: {  	_ =	swait.ge [sflag:s23], $0x2800  }
0xaa: {  	s20 =	sshrl.u32 s9, $0x3;
	[sflag:s23] =	ssyncset.done $0x0  }
0xab: {  	s19 =	sadd.s32 s5, s20;
	[sflag:s23] =	ssyncadd.s32 $0xFFFFD800  }
0xac: {  	[tilespmem:s3], [sflag:$0x1] =	stream.linear.gather [hbm4b:s19+s3], $0x50, $0x38;
	[tilespmem:$0x1E400] =	vst v63  }
0xad: {  	s20 =	sadd.s32 s6, s20  }
0xae: {  	[tilespmem:s24], [sflag:$0x1] =	stream.linear.gather [hbm4b:s20+s3], $0x50, $0x38;
	[tilespmem:$0x1E400] =	vst v63  }
0xaf: {  	_ =	swait.ge [sflag:s16], $0x2800  }
0xb0: {  	[sflag:s16] =	ssyncset.done $0x0  }
0xb1: {  	[sflag:s16] =	ssyncadd.s32 $0xFFFFD800  }
0xb2: {  	_ =	swait.ge [sflag:s0], $0x50  }
0xb3: {  	[sflag:s0] =	ssyncset.done $0x0  }
0xb4: {  	[sflag:s0] =	ssyncadd.s32 $0xFFFFFFB0  }
0xb5: {  	_ =	swait.ge [sflag:s0], $0x50  }
0xb6: {  	[sflag:s0] =	ssyncset.done $0x0  }
0xb7: {  	[sflag:s0] =	ssyncadd.s32 $0xFFFFFFB0  }
0xb8: {  	[tilespmem:s7], [sflag:$0x5] =	stream.indirect.gather [hbm4b:s4+s1], $0x80, s3, s1, $0xb8;
	[tilespmem:$0x1E400] =	vst v63  }
0xb9: {  	_ = 	snop  }
0xba: {  	[spmem:s2] =	stream.indirect.scatter.add.f32 [tilespmem:s10], [sflag:$0x9], $0x80, s26, s1, $0xb8;
	[tilespmem:$0x1E400] =	vst v63  }
0xbb: {  	_ =	swait.ge [sflag:s23], $0x2800  }
0xbc: {  	s22 =	smov.u32 s21;
	s19 =	rddreg [dreg:$0x8];
	[sflag:s23] =	ssyncset.done $0x0  }
0xbd: {  	s20 =	rddreg [dreg:$0x7];
	[sflag:s23] =	ssyncadd.s32 $0xFFFFD800;
	s19 =	sadd.s32 s22, s19  }
0xbe: {  	[tilespmem:s25], [sflag:$0x2] =	stream.linear.gather [hbm4b:s19+s3], $0x50, $0x38;
	[tilespmem:$0x1E400] =	vst v63  }
0xbf: {  	s20 =	sadd.s32 s22, s20  }
0xc0: {  	[tilespmem:s26], [sflag:$0x2] =	stream.linear.gather [hbm4b:s20+s3], $0x50, $0x38;
	[tilespmem:$0x1E400] =	vst v63  }
0xc1: {  	_ =	swait.ge [sflag:s17], $0x2800  }
0xc2: {  	[sflag:s17] =	ssyncset.done $0x0  }
0xc3: {  	[sflag:s17] =	ssyncadd.s32 $0xFFFFD800  }
0xc4: {  	_ =	swait.ge [sflag:s8], $0x50  }
0xc5: {  	[sflag:s8] =	ssyncset.done $0x0  }
0xc6: {  	[sflag:s8] =	ssyncadd.s32 $0xFFFFFFB0  }
0xc7: {  	_ =	swait.ge [sflag:s8], $0x50  }
0xc8: {  	[sflag:s8] =	ssyncset.done $0x0  }
0xc9: {  	[sflag:s8] =	ssyncadd.s32 $0xFFFFFFB0  }
0xca: {  	[tilespmem:s10], [sflag:$0x6] =	stream.indirect.gather [hbm4b:s4+s1], $0x80, s25, s1, $0xb8;
	[tilespmem:$0x1E400] =	vst v63  }
0xcb: {  	_ = 	snop  }
0xcc: {  	[spmem:s2] =	stream.indirect.scatter.add.f32 [tilespmem:s12], [sflag:$0x9], $0x80, s29, s1, $0xb8;
	[tilespmem:$0x1E400] =	vst v63  }
0xcd: {  	_ =	swait.ge [sflag:s23], $0x2800  }
0xce: {  	s19 =	rddreg [dreg:$0x6];
	[sflag:s23] =	ssyncset.done $0x0  }
0xcf: {  	s20 =	rddreg [dreg:$0x5];
	[sflag:s23] =	ssyncadd.s32 $0xFFFFD800;
	s19 =	sadd.s32 s22, s19  }
0xd0: {  	[tilespmem:s28], [sflag:$0x3] =	stream.linear.gather [hbm4b:s19+s3], $0x50, $0x38;
	[tilespmem:$0x1E400] =	vst v63  }
0xd1: {  	s20 =	sadd.s32 s22, s20  }
0xd2: {  	[tilespmem:s29], [sflag:$0x3] =	stream.linear.gather [hbm4b:s20+s3], $0x50, $0x38;
	[tilespmem:$0x1E400] =	vst v63  }
0xd3: {  	_ =	swait.ge [sflag:s18], $0x2800  }
0xd4: {  	[sflag:s18] =	ssyncset.done $0x0  }
0xd5: {  	[sflag:s18] =	ssyncadd.s32 $0xFFFFD800  }
0xd6: {  	_ =	swait.ge [sflag:s11], $0x50  }
0xd7: {  	[sflag:s11] =	ssyncset.done $0x0  }
0xd8: {  	[sflag:s11] =	ssyncadd.s32 $0xFFFFFFB0  }
0xd9: {  	_ =	swait.ge [sflag:s11], $0x50  }
0xda: {  	[sflag:s11] =	ssyncset.done $0x0  }
0xdb: {  	[sflag:s11] =	ssyncadd.s32 $0xFFFFFFB0  }
0xdc: {  	[tilespmem:s12], [sflag:$0x7] =	stream.indirect.gather [hbm4b:s4+s1], $0x80, s28, s1, $0xb8;
	[tilespmem:$0x1E400] =	vst v63  }
0xdd: {  	p0 =	sne.s32 s21, $0x488  }
0xde: {  	[spmem:s2] =	stream.indirect.scatter.add.f32 [tilespmem:s15], [sflag:$0x9], $0x80, s31, s1, $0xb8;
	[tilespmem:$0x1E400] =	vst v63  }
.Ltmp0:
0xdf: {  	_ =	swait.ge [sflag:s23], $0x2800;
	(pc) =	sbr.rel @p0 .LBB2_2-.Ltmp0, $4  }
0xe0: {  	s21 =	sadd.s32 $0x28, s21;
	s19 =	rddreg [dreg:$0x4]  }
0xe1: {  	s9 =	sadd.s32 $0x140, s9;
	s20 =	rddreg [dreg:$0x3];
	[sflag:s23] =	ssyncset.done $0x0  }
0xe2: {  	[sflag:s23] =	ssyncadd.s32 $0xFFFFD800;
	s19 =	sadd.s32 s22, s19;
	s22 =	sadd.s32 s22, s20  }
0xe3: {  	[tilespmem:s30], [sflag:$0x4] =	stream.linear.gather [hbm4b:s19+s3], $0x50, $0x38;
	[tilespmem:$0x1E400] =	vst v63  }
0xe4: {  	[tilespmem:s31], [sflag:$0x4] =	stream.linear.gather [hbm4b:s22+s3], $0x50, $0x38;
	[tilespmem:$0x1E400] =	vst v63  }
0xe5: {  	_ =	swait.ge [sflag:s13], $0x2800  }
0xe6: {  	[sflag:s13] =	ssyncset.done $0x0  }
0xe7: {  	[sflag:s13] =	ssyncadd.s32 $0xFFFFD800  }
0xe8: {  	_ =	swait.ge [sflag:s14], $0x50  }
0xe9: {  	[sflag:s14] =	ssyncset.done $0x0  }
0xea: {  	[sflag:s14] =	ssyncadd.s32 $0xFFFFFFB0  }
0xeb: {  	_ =	swait.ge [sflag:s14], $0x50  }
0xec: {  	[sflag:s14] =	ssyncset.done $0x0  }
0xed: {  	[sflag:s14] =	ssyncadd.s32 $0xFFFFFFB0  }
0xee: {  	[tilespmem:s15], [sflag:$0x8] =	stream.indirect.gather [hbm4b:s4+s1], $0x80, s30, s1, $0xb8;
	[tilespmem:$0x1E400] =	vst v63  }
0xef: {  	_ = 	snop  }
0xf0: {  	[spmem:s2] =	stream.indirect.scatter.add.f32 [tilespmem:s7], [sflag:$0x9], $0x80, s24, s1, $0xb8;
	[tilespmem:$0x1E400] =	vst v63  }
0xf1: {  	_ =	swait.ge [sflag:s23], $0x2800  }
0xf2: {  	[sflag:s23] =	ssyncset.done $0x0  }
0xf3: {  	s9 =	rddreg [dreg:$0x14];
	[sflag:s23] =	ssyncadd.s32 $0xFFFFD800  }
0xf4: {  	[tilespmem:s3], [sflag:$0x1] =	stream.linear.gather [hbm4b:s9+s3], $0x50, $0x38;
	[tilespmem:$0x1E400] =	vst v63  }
0xf5: {  	s21 =	rddreg [dreg:$0x15]  }
0xf6: {  	[tilespmem:s24], [sflag:$0x1] =	stream.linear.gather [hbm4b:s21+s3], $0x50, $0x38;
	[tilespmem:$0x1E400] =	vst v63  }
0xf7: {  	_ =	swait.ge [sflag:s16], $0x2800  }
0xf8: {  	[sflag:s16] =	ssyncset.done $0x0  }
0xf9: {  	[sflag:s16] =	ssyncadd.s32 $0xFFFFD800  }
0xfa: {  	_ =	swait.ge [sflag:s0], $0x50  }
0xfb: {  	[sflag:s0] =	ssyncset.done $0x0  }
0xfc: {  	[sflag:s0] =	ssyncadd.s32 $0xFFFFFFB0  }
0xfd: {  	_ =	swait.ge [sflag:s0], $0x50  }
0xfe: {  	[sflag:s0] =	ssyncset.done $0x0  }
0xff: {  	[sflag:s0] =	ssyncadd.s32 $0xFFFFFFB0  }
0x100: {  	[tilespmem:s7], [sflag:$0x5] =	stream.indirect.gather [hbm4b:s4+s1], $0x80, s3, s1, $0xb8;
	[tilespmem:$0x1E400] =	vst v63  }
0x101: {  	_ = 	snop  }
0x102: {  	[spmem:s2] =	stream.indirect.scatter.add.f32 [tilespmem:s10], [sflag:$0x9], $0x80, s26, s1, $0xb8;
	[tilespmem:$0x1E400] =	vst v63  }
0x103: {  	_ =	swait.ge [sflag:s23], $0x2800  }
0x104: {  	[sflag:s23] =	ssyncset.done $0x0  }
0x105: {  	[sflag:s23] =	ssyncadd.s32 $0xFFFFD800  }
0x106: {  	_ =	swait.ge [sflag:s17], $0x2800  }
0x107: {  	[sflag:s17] =	ssyncset.done $0x0  }
0x108: {  	[sflag:s17] =	ssyncadd.s32 $0xFFFFD800  }
0x109: {  	[spmem:s2] =	stream.indirect.scatter.add.f32 [tilespmem:s12], [sflag:$0x9], $0x80, s29, s1, $0xb8;
	[tilespmem:$0x1E400] =	vst v63  }
0x10a: {  	_ =	swait.ge [sflag:s23], $0x2800  }
0x10b: {  	[sflag:s23] =	ssyncset.done $0x0  }
0x10c: {  	[sflag:s23] =	ssyncadd.s32 $0xFFFFD800  }
0x10d: {  	_ =	swait.ge [sflag:s18], $0x2800  }
0x10e: {  	[sflag:s18] =	ssyncset.done $0x0  }
0x10f: {  	[sflag:s18] =	ssyncadd.s32 $0xFFFFD800  }
0x110: {  	[spmem:s2] =	stream.indirect.scatter.add.f32 [tilespmem:s15], [sflag:$0x9], $0x80, s31, s1, $0xb8;
	[tilespmem:$0x1E400] =	vst v63  }
0x111: {  	_ =	swait.ge [sflag:s23], $0x2800  }
0x112: {  	[sflag:s23] =	ssyncset.done $0x0  }
0x113: {  	[sflag:s23] =	ssyncadd.s32 $0xFFFFD800  }
0x114: {  	_ =	swait.ge [sflag:s13], $0x2800  }
0x115: {  	[sflag:s13] =	ssyncset.done $0x0  }
0x116: {  	[sflag:s13] =	ssyncadd.s32 $0xFFFFD800  }
0x117: {  	[spmem:s2] =	stream.indirect.scatter.add.f32 [tilespmem:s7], [sflag:$0x9], $0x80, s24, s1, $0xb8;
	[tilespmem:$0x1E400] =	vst v63  }
0x118: {  	_ =	swait.ge [sflag:s23], $0x2800  }
0x119: {  	[sflag:s23] =	ssyncset.done $0x0  }
0x11a: {  	[sflag:s23] =	ssyncadd.s32 $0xFFFFD800  }
0x11b: {  	[bflag:$0x0] =	sbarrier.arrive $0xFFFF  }
0x11c: {  	s19 =	rddreg [dreg:$0xb]  }
0x11d: {  	s22 =	rddreg [dreg:$0x16]  }
0x11e: {  	s20 =	rddreg [dreg:$0x1a]  }
0x11f: {  	[hbm:s22], [sflag:s19] =	dma.local [spmem:s20], $0x2800  }
0x120: {  	_ =	swait.ge [sflag:s23], $0x2800  }
0x121: {  	s21 =	rddreg [dreg:$0x19]  }
0x122: {  	s22 =	rddreg [dreg:$0x17];
	s20 =	sadd.s32 $0x1, s21  }
0x123: {  	p0 =	sne.s32 s20, s22  }
.Ltmp1:
0x124: {  	_ = 	snop;
	(pc) =	sbr.rel @p0 .LBB2_1-.Ltmp1, $3  }
0x125: {  	_ =	sdelay $0x1  }
0x126: {  	[sflag:s23] =	ssyncset.done $0x0  }
0x127: {  	[sflag:s23] =	ssyncadd.s32 $0xFFFFD800  }
0x128: {  	_ =	sfence.sel $0x180000  }
0x129: {  	[bflag:$0x0] =	sbarrier.arrive $0xFFFF  }
0x12a: {  	_ =	strace $0x9000004A  }
0x12b: {  	s0 =	stileid.u32;
	[bflag:$0x2] =	sbarrier.arrive $0xFFFF  }
0x12c: {  	p0 =	sne.s32 s0, $0x0;
	s0 =	rddreg [dreg:$0x2]  }
0x12d: {  	s0 =	sadd.s32 @!p0 $0x100000, s0  }
0x12e: {  	[sflag:s0] =	ssyncadd.tile.s32 @!p0 $0x1;
	_ =	shalt  }
.Lfunc_end2:
_tile_overlayer_lowered:
.L_overlay_start_2:
0x12f: {  	(tag) =	ssettag $0x2  }
0x130: {  	s0 =	rddreg [dreg:$0x0];
	s2 =	stileid.u32  }
0x131: {  	s1 =	rddreg [dreg:$0x1];
	p0 =	sne.s32 s2, $0x0  }
0x132: {  	s3 =	rddreg [dreg:$0x2];
	[bflag:$0x3] =	sbarrier.arrive $0xFFFF;
	s2 =	simm.s32 @!p0 $0x1C09  }
0x133: {  	[timem:s3], [sflag:s2] =	dma.local @!p0 [hbm:s0], s1  }
0x134: {  	s0 =	simm.s32 @!p0 $0x9  }
0x135: {  	_ =	swait.ge @!p0 [sflag:s0], s1  }
0x136: {  	s1 =	ssub.s32 @!p0 $0x0, s1;
	[sflag:s0] =	ssyncset.done @!p0 $0x0  }
0x137: {  	[sflag:s0] =	ssyncadd.s32 @!p0 s1  }
0x138: {  	[bflag:$0x3] =	sbarrier.arrive $0xFFFF  }
0x139: {  	_ =	shalt  }

// kernel: kernel.14.cloned.1.call-start
scs
__scs_entry_jumppad:
0x0: {  	(pc) =	sbr.rel $0x88, $3  }
0x1: {  	(tag) =	ssettag $0x0;
	lr =	simm.s32 $0x1  }
0x2: {  	[smem:$0x3F9A] =	sst lr;
	_ =	strace $0xD0000000  }
0x3: {  	_ = 	snop  }
0x4: {  	_ = 	snop  }
0x5: {  	_ = 	snop  }
0x6: {  	_ = 	snop  }
0x7: {  	_ = 	snop  }
__scs_overlays_trampoline_lowered:
0x8: {  	[smem:$0x3FA9] =	sst s0  }
0x9: {  	[smem:$0x3FAA] =	sst s1  }
0xa: {  	[smem:$0x3FAB] =	sst s2  }
0xb: {  	[smem:$0x3FAC] =	sst s3  }
0xc: {  	[smem:$0x3FAD] =	sst s4  }
0xd: {  	[smem:$0x3FAE] =	sst s5  }
0xe: {  	[smem:$0x3FAF] =	sst s6  }
0xf: {  	[smem:$0x3FB0] =	sst s7  }
0x10: {  	[smem:$0x3FB1] =	sst s8  }
0x11: {  	[smem:$0x3FB2] =	sst s9;
	s0 =	simm.s32 @!p0 $0x0  }
0x12: {  	s1 =	sld [smem:$0x3F98];
	s0 =	simm.s32 @p0 $0x1  }
0x13: {  	[smem:$0x3FB3] =	sst s0;
	s0 =	simm.s32 @!p1 $0x0  }
0x14: {  	s2 =	sld [smem:$0x3F97];
	s0 =	simm.s32 @p1 $0x1  }
0x15: {  	[smem:$0x3FB4] =	sst s0;
	s0 =	simm.s32 @!p2 $0x0  }
0x16: {  	s3 =	sld [smem:$0x3FDB];
	s0 =	simm.s32 @p2 $0x1  }
0x17: {  	s4 =	simm.s32 $0x1BF5;
	[smem:$0x3FB6] =	sst s0  }
0x18: {  	s0 =	sld [smem:$0x3F99];
	_ =	swait.ge [sflag:s4], $0x0  }
0x19: {  	s7 =	sld [smem:$0x3F9A]  }
0x1a: {  	s8 =	sadd.s32 $0xFFFFE003, lr  }
0x1b: {  	s9 =	sadd.s32 $0xFFFFFEF7, lr;
	s5 =	simm.s32 $0xFFFFFFFF;
	p2 =	slt.u32 s8, $0xFFFFF086  }
0x1c: {  	p1 =	slt.u32 s9, $0xF7A;
	s5 =	simm.s32 @!p2 $0x0  }
0x1d: {  	s5 =	simm.s32 @p1 $0x1;
	p0 =	seq.s32 s7, s2  }
0x1e: {  	s7 =	smul.u32 @!p0 $0xF7A, s2;
	p2 =	seq.s32 @!p0 s5, $0x0  }
0x1f: {  	s9 =	smul.u32 $0xF7A, s1;
	s8 =	simm.s32 @!p0 $0x1BF5;
	p2 =	por !p2, p0  }
0x20: {  	[sflag:s8] =	ssyncset.s32 @!p0 $0xFFFFF086;
	s6 =	sadd.s32 @!p0 s3, s7;
	s7 =	simm.s32 @!p0 $0x108  }
0x21: {  	s3 =	sadd.s32 s3, s9;
	s6 =	sadd.s32 @!p0 $0x88, s6;
	s7 =	simm.s32 @p2 $0x1082  }
0x22: {  	[simem:s7], [sflag:s8] =	dma.local @!p0 [hbm:s6], $0xF7A  }
0x23: {  	s9 =	sor.u32 $0xD0000000, s2;
	s6 =	simm.s32 $0x108;
	_ =	swait.ge @!p0 [sflag:s8], $0x0  }
0x24: {  	s3 =	sadd.s32 $0x88, s3;
	s6 =	simm.s32 @!p1 $0x1082;
	[sflag:s4] =	ssyncset.s32 $0xFFFFF086  }
0x25: {  	[simem:s6], [sflag:s4] =	dma.local [hbm:s3], $0xF7A  }
0x26: {  	[smem:$0x3F9A] =	sst s1;
	(tag) =	ssettag s2;
	_ =	strace s9  }
0x27: {  	s1 =	sld [smem:$0x3FAA]  }
0x28: {  	s2 =	sld [smem:$0x3FAB]  }
0x29: {  	s4 =	sld [smem:$0x3FAD]  }
0x2a: {  	p0 =	seq.s32 s5, $0x0;
	s5 =	sld [smem:$0x3FAE]  }
0x2b: {  	s6 =	sld [smem:$0x3FAF]  }
0x2c: {  	s7 =	sld [smem:$0x3FB0]  }
0x2d: {  	s3 =	simm.s32 $0x108;
	s8 =	sld [smem:$0x3FB1]  }
0x2e: {  	s3 =	simm.s32 @!p0 $0x1082;
	s9 =	sld [smem:$0x3FB2]  }
0x2f: {  	lr =	sadd.s32 s0, s3;
	s0 =	sld [smem:$0x3FA9]  }
0x30: {  	s3 =	sld [smem:$0x3FAC]  }
0x31: {  	[smem:$0x3FB5] =	sst s10  }
0x32: {  	s10 =	sld [smem:$0x3FB3];
	_ =	sdelay $0x3  }
0x33: {  	p0 =	seq.s32 s10, $0x1;
	s10 =	sld [smem:$0x3FB5];
	_ =	sdelay $0x3  }
0x34: {  	[smem:$0x3FB5] =	sst s10  }
0x35: {  	s10 =	sld [smem:$0x3FB4];
	_ =	sdelay $0x3  }
0x36: {  	p1 =	seq.s32 s10, $0x1;
	s10 =	sld [smem:$0x3FB5];
	_ =	sdelay $0x3  }
0x37: {  	[smem:$0x3FB5] =	sst s10  }
0x38: {  	s10 =	sld [smem:$0x3FB6]  }
0x39: {  	_ = 	snop;
	(pc) =	sbr.ind lr, $3  }
0x3a: {  	_ = 	snop  }
0x3b: {  	_ = 	snop  }
0x3c: {  	p2 =	seq.s32 s10, $0x1;
	s10 =	sld [smem:$0x3FB5]  }
0x3d: {  	_ =	shalt  }
0x3e: {  	_ =	shalt  }
0x3f: {  	_ =	shalt  }
0x40: {  	_ =	shalt  }
0x41: {  	_ =	shalt  }
0x42: {  	_ =	shalt  }
0x43: {  	_ =	shalt  }
0x44: {  	_ =	shalt  }
0x45: {  	_ =	shalt  }
0x46: {  	_ =	shalt  }
0x47: {  	_ =	shalt  }
0x48: {  	_ =	shalt  }
0x49: {  	_ =	shalt  }
0x4a: {  	_ =	shalt  }
0x4b: {  	_ =	shalt  }
0x4c: {  	_ =	shalt  }
0x4d: {  	_ =	shalt  }
0x4e: {  	_ =	shalt  }
0x4f: {  	_ =	shalt  }
0x50: {  	_ =	shalt  }
0x51: {  	_ =	shalt  }
0x52: {  	_ =	shalt  }
0x53: {  	_ =	shalt  }
0x54: {  	_ =	shalt  }
0x55: {  	_ =	shalt  }
0x56: {  	_ =	shalt  }
0x57: {  	_ =	shalt  }
0x58: {  	_ =	shalt  }
0x59: {  	_ =	shalt  }
0x5a: {  	_ =	shalt  }
0x5b: {  	_ =	shalt  }
0x5c: {  	_ =	shalt  }
0x5d: {  	_ =	shalt  }
0x5e: {  	_ =	shalt  }
0x5f: {  	_ =	shalt  }
0x60: {  	_ =	shalt  }
0x61: {  	_ =	shalt  }
0x62: {  	_ =	shalt  }
0x63: {  	_ =	shalt  }
0x64: {  	_ =	shalt  }
0x65: {  	_ =	shalt  }
0x66: {  	_ =	shalt  }
0x67: {  	_ =	shalt  }
0x68: {  	_ =	shalt  }
0x69: {  	_ =	shalt  }
0x6a: {  	_ =	shalt  }
0x6b: {  	_ =	shalt  }
0x6c: {  	_ =	shalt  }
0x6d: {  	_ =	shalt  }
0x6e: {  	_ =	shalt  }
0x6f: {  	_ =	shalt  }
0x70: {  	_ =	shalt  }
0x71: {  	_ =	shalt  }
0x72: {  	_ =	shalt  }
0x73: {  	_ =	shalt  }
0x74: {  	_ =	shalt  }
0x75: {  	_ =	shalt  }
0x76: {  	_ =	shalt  }
0x77: {  	_ =	shalt  }
0x78: {  	_ =	shalt  }
0x79: {  	_ =	shalt  }
0x7a: {  	_ =	shalt  }
0x7b: {  	_ =	shalt  }
0x7c: {  	_ =	shalt  }
0x7d: {  	_ =	shalt  }
0x7e: {  	_ =	shalt  }
0x7f: {  	_ =	shalt  }
0x80: {  	_ =	shalt  }
0x81: {  	_ =	shalt  }
0x82: {  	_ =	shalt  }
0x83: {  	_ =	shalt  }
0x84: {  	_ =	shalt  }
0x85: {  	_ =	shalt  }
0x86: {  	_ =	shalt  }
0x87: {  	_ =	shalt  }
.Lfunc_end0:
.L_simem_size_0:
called_computation.2_lowered:
.L_overlay_start_0:
0x88: {  	s2 =	sld [smem:$0x3FD9]  }
0x89: {  	s3 =	sld [smem:$0x3FFE];
	_ =	sdelay $0x1  }
0x8a: {  	s1 =	srdreg.scid  }
0x8b: {  	s0 =	sand.u32 $0x1, s1  }
0x8c: {  	s16 =	sshll.u32 s0, $0xA;
	s2 =	sadd.s32 s3, s2  }
0x8d: {  	s2 =	sadd.s32 s2, s16  }
0x8e: {  	[smem:$0x3FC1] =	sst s2  }
0x8f: {  	_ = 	snop  }
0x90: {  	(tm) =	ssettm $0x1  }
0x91: {  	s17 =	sld [smem:$0x3FFB];
	_ =	sdelay $0x3  }
0x92: {  	_ =	strace s17  }
0x93: {  	s2 =	sld [smem:$0x3FFC];
	_ =	sdelay $0x3  }
0x94: {  	_ =	strace s2  }
0x95: {  	s2 =	sld [smem:$0x3FFD];
	_ =	sdelay $0x3  }
0x96: {  	_ =	strace s2  }
0x97: {  	_ =	strace $0x8FFFFFFF  }
0x98: {  	s18 =	sld [smem:$0x3FDB];
	_ =	sdelay $0x1  }
0x99: {  	s19 =	simm.s32 $_scs_section_size  }
0x9a: {  	s4 =	simm.s32 $_size__tile_overlayer_lowered;
	s5 =	simm.s32 $_tile_overlayer_lowered  }
0x9b: {  	s22 =	simm.s32 $0x1BFF;
	s21 =	sshll.u32 s5, $0x1;
	s2 =	sadd.s32 s19, s18  }
0x9c: {  	s6 =	simm.s32 $0x0;
	s20 =	sshll.u32 s4, $0x1;
	s4 =	sadd.s32 s21, s2  }
0x9d: {  	[timem:s6], [sflag:s22] =	dma.local [hbm:s4], s20  }
0x9e: {  	_ =	swait.ge [sflag:s22], s20  }
0x9f: {  	s3 =	ssub.s32 $0x0, s20;
	[sflag:s22] =	ssyncset.done $0x0  }
0xa0: {  	[sflag:s22] =	ssyncadd.s32 s3;
	_ =	sdelay $0x1  }
0xa1: {  	s23 =	simm.s32 $0x1B8B  }
0xa2: {  	_ =	swait.ge [sflag:s23], $0x1  }
0xa3: {  	[sflag:s23] =	ssyncset.done $0x0  }
0xa4: {  	s25 =	simm.s32 $0x1B8E;
	s24 =	sld [smem:$0x3FFE];
	[sflag:s23] =	ssyncadd.s32 $0xFFFFFFFF  }
0xa5: {  	s26 =	simm.s32 $execute0_lowered;
	[smem:$0x3FD2] =	sst s25  }
0xa6: {  	s4 =	sshll.u32 s26, $0x1;
	_ =	strace $0x8000004C;
	[dreg:$0x1] =	wrdreg $0xFFFFFFFF  }
0xa7: {  	s28 =	simm.s32 $_size_execute0_lowered;
	s2 =	sadd.s32 s2, s4;
	[dreg:$0x0] =	wrdreg $0x0  }
0xa8: {  	s4 =	sshll.u32 s28, $0x1;
	[dreg:$0x2] =	wrdreg s2  }
0xa9: {  	[dreg:$0x3] =	wrdreg s4  }
0xaa: {  	[dreg:$0x4] =	wrdreg $0xC0  }
0xab: {  	_ =	task [dreg:s6], $0x5FFFF  }
0xac: {  	[dreg:$0x1] =	wrdreg $0xFFFFFFFF  }
0xad: {  	[dreg:$0x0] =	wrdreg $0x60  }
0xae: {  	[dreg:$0x2] =	wrdreg s24  }
0xaf: {  	[dreg:$0x3] =	wrdreg $0xA4000  }
0xb0: {  	[dreg:$0x4] =	wrdreg $0x9  }
0xb1: {  	_ =	task.clear_ibuf [dreg:s6], $0x5FFFF;
	_ =	strace $0x9000004C  }
0xb2: {  	s29 =	simm.s32 $0x9;
	_ =	strace $0x8000004E  }
0xb3: {  	_ =	swait.ge [sflag:s29], $0x1  }
0xb4: {  	[sflag:s29] =	ssyncadd.s32 $0xFFFFFFFF  }
0xb5: {  	_ =	strace $0x9000004E  }
0xb6: {  	_ =	sfence  }
0xb7: {  	s30 =	sld [smem:$0x0];
	_ =	sdelay $0x2  }
0xb8: {  	s31 =	sshll.u32 s1, $0xD;
	s1 =	sshrl.u32 s1, $0x2  }
0xb9: {  	s3 =	sand.u32 $0x4000, s31;
	s1 =	sadd.s32 s1, s30  }
0xba: {  	s0 =	sor.u32 s3, s0;
	s1 =	sshll.u32 s1, $0x11  }
0xbb: {  	s0 =	sor.u32 s1, s0  }
0xbc: {  	s0 =	sadd.s32 $0x8F2B, s0  }
0xbd: {  	[sflag:s0] =	ssyncadd.remote.s32 $0x1  }
0xbe: {  	_ =	sfence.sel $0xFFFF  }
0xbf: {  	[dreg:$0x0] =	wrdreg $0xFFFFFFFF;
	(pc) =	sbr.abs _section_cstart, $3  }
0xc0: {  	[dreg:$0x1] =	wrdreg $0xFFFFFFFF  }
0xc1: {  	_ =	task.clear_ibuf [dreg:s6], $0x2FFFF;
	_ =	strace $0x9FFFFFFF  }
0xc2: {  	(tm) =	ssettm $0x7FFFFFFF  }
0xc3: {  	_ =	shalt  }
tec
execute0_lowered:
.L_overlay_start_1:
0x0: {  	(tag) =	ssettag $0x1  }
0x1: {  	s0 =	rddreg [dreg:$0x0]  }
0x2: {  	s2 =	rddreg [dreg:$0x1]  }
0x3: {  	s3 =	simm.s32 $0x0;
	s12 =	stileid.u32;
	s1 =	srdreg.scid  }
0x4: {  	s28 =	simm.s32 $0x100;
	s29 =	simm.s32 $0x300;
	s30 =	simm.s32 $0x180  }
0x5: {  	s31 =	simm.s32 $0x380;
	[smem:$0x7FF] =	sst s3;
	s7 =	smul.u32 $0x14000, s12  }
0x6: {  	s1 =	sand.u32 $0x1, s1;
	s4 =	sadd.s32 $0x8F200, s0;
	s14 =	smul.u32 $0x50000, s12  }
0x7: {  	s5 =	sadd.s32 $0x3600, s0;
	s6 =	sadd.s32 $0xD400, s0;
	s22 =	smul.u32 $0x2710, s12  }
0x8: {  	s16 =	sshll.u32 s12, $0x6;
	_ =	strace $0x8000004D;
	s8 =	smul.u32 $0x140000, s1  }
0x9: {  	s10 =	sshll.u32 s1, $0x4;
	s15 =	ssub.s32 $0x2, s1;
	s19 =	sor.u32 $0x1C09, s16  }
0xa: {  	s1 =	smul.u32 $0x27100, s1;
	s9 =	sshrl.u32 s7, $0x3;
	s10 =	sor.u32 s12, s10  }
0xb: {  	s11 =	sshrl.u32 s15, $0x1;
	[dreg:$0xb] =	wrdreg s19;
	s9 =	sadd.s32 s9, s0  }
0xc: {  	s7 =	sadd.s32 s7, s8;
	s8 =	sshrl.u32 s14, $0x2;
	s10 =	smul.u32 $0x2710, s10  }
0xd: {  	s1 =	sadd.s32 s22, s1;
	s7 =	sshrl.u32 s7, $0x3;
	s8 =	sadd.s32 s8, s2  }
0xe: {  	s9 =	sadd.s32 $0x17200, s9;
	s12 =	sadd.s32 $0x230, s1;
	s16 =	sadd.s32 $0x1E0, s1  }
0xf: {  	s0 =	sadd.s32 s7, s0;
	s7 =	ssub.s32 s15, s11;
	[dreg:$0x9] =	wrdreg s8  }
0x10: {  	[dreg:$0xa] =	wrdreg s9;
	s17 =	sshrl.u32 s10, $0x3;
	s14 =	sshrl.u32 s12, $0x3  }
0x11: {  	s12 =	simm.s32 $0x5400;
	s18 =	sadd.s32 s5, s17;
	s20 =	sadd.s32 s6, s17  }
0x12: {  	s21 =	sadd.s32 $0xA, s17;
	s10 =	sadd.s32 $0x14, s17;
	[dreg:$0xc] =	wrdreg s18  }
0x13: {  	s26 =	sadd.s32 $0x1E, s17;
	s15 =	sadd.s32 s14, s6;
	[dreg:$0xd] =	wrdreg s20  }
0x14: {  	s8 =	sadd.s32 $0x4D8, s17;
	s17 =	sadd.s32 s14, s5;
	[dreg:$0x3] =	wrdreg s15  }
0x15: {  	s0 =	sadd.s32 $0xB7200, s0;
	s7 =	smax.u32 s7, $0x1;
	[dreg:$0x4] =	wrdreg s17  }
0x16: {  	s14 =	simm.s32 $0x4;
	s23 =	sadd.s32 s5, s21;
	[dreg:$0x16] =	wrdreg s0  }
0x17: {  	s9 =	sadd.s32 s6, s21;
	s24 =	sadd.s32 s5, s10;
	[dreg:$0x17] =	wrdreg s7  }
0x18: {  	s25 =	sadd.s32 s6, s10;
	s11 =	sadd.s32 s5, s26;
	[dreg:$0xe] =	wrdreg s23  }
0x19: {  	s13 =	sadd.s32 s5, s8;
	s8 =	sadd.s32 s6, s8;
	[dreg:$0xf] =	wrdreg s9  }
0x1a: {  	s18 =	sshrl.u32 s16, $0x3;
	s21 =	sadd.s32 $0x190, s1;
	[dreg:$0x10] =	wrdreg s24  }
0x1b: {  	s0 =	simm.s32 $0x1;
	s7 =	simm.s32 $0x400;
	[dreg:$0x11] =	wrdreg s25  }
0x1c: {  	s10 =	simm.s32 $0x2C00;
	s15 =	simm.s32 $0x7C00;
	[dreg:$0x12] =	wrdreg s11  }
0x1d: {  	s16 =	simm.s32 $0x6;
	s17 =	simm.s32 $0x7;
	[dreg:$0x14] =	wrdreg s13  }
0x1e: {  	s9 =	sadd.s32 s6, s26;
	[dreg:$0x15] =	wrdreg s8;
	s20 =	sadd.s32 s18, s6  }
0x1f: {  	s22 =	sadd.s32 s18, s5;
	s23 =	sshrl.u32 s21, $0x3;
	s26 =	sadd.s32 $0x140, s1  }
0x20: {  	s1 =	simm.s32 $0x50;
	s8 =	simm.s32 $0x2;
	[dreg:$0x13] =	wrdreg s9  }
0x21: {  	s11 =	simm.s32 $0x3;
	s13 =	simm.s32 $0x5;
	[dreg:$0x5] =	wrdreg s20  }
0x22: {  	s18 =	simm.s32 $0x8;
	[dreg:$0x6] =	wrdreg s22;
	s24 =	sadd.s32 s23, s6  }
0x23: {  	s25 =	sadd.s32 s23, s5;
	[dreg:$0x18] =	wrdreg s26;
	s23 =	simm.s32 $0x9  }
0x24: {  	s26 =	simm.s32 $0x280;
	s20 =	simm.s32 $0x0;
	[dreg:$0x7] =	wrdreg s24  }
0x25: {  	[dreg:$0x8] =	wrdreg s25;
	s24 =	simm.s32 $0x200;
	s25 =	simm.s32 $0x80  }
.LBB2_1:
0x26: {  	[dreg:$0x19] =	wrdreg s20  }
0x27: {  	s9 =	rddreg [dreg:$0x9]  }
0x28: {  	s22 =	rddreg [dreg:$0xa];
	s21 =	sshrl.u32 s9, $0x3  }
0x29: {  	[dreg:$0x1a] =	wrdreg s21  }
0x2a: {  	[spmem:s21], [sflag:s19] =	dma.local [hbm:s22], $0x2800  }
0x2b: {  	_ =	swait.ge [sflag:s23], $0x2800  }
0x2c: {  	[sflag:s23] =	ssyncset.done $0x0  }
0x2d: {  	[sflag:s23] =	ssyncadd.s32 $0xFFFFD800  }
0x2e: {  	[bflag:$0x0] =	sbarrier.arrive $0xFFFF  }
0x2f: {  	s20 =	rddreg [dreg:$0xc]  }
0x30: {  	[tilespmem:s3], [sflag:$0x1] =	stream.linear.gather [hbm4b:s20+s3], $0x50, $0x38;
	[tilespmem:$0x1E400] =	vst v63  }
0x31: {  	s21 =	rddreg [dreg:$0xd]  }
0x32: {  	[tilespmem:s24], [sflag:$0x1] =	stream.linear.gather [hbm4b:s21+s3], $0x50, $0x38;
	[tilespmem:$0x1E400] =	vst v63  }
0x33: {  	s22 =	rddreg [dreg:$0xe]  }
0x34: {  	[tilespmem:s25], [sflag:$0x2] =	stream.linear.gather [hbm4b:s22+s3], $0x50, $0x38;
	[tilespmem:$0x1E400] =	vst v63  }
0x35: {  	s19 =	rddreg [dreg:$0xf]  }
0x36: {  	[tilespmem:s26], [sflag:$0x2] =	stream.linear.gather [hbm4b:s19+s3], $0x50, $0x38;
	[tilespmem:$0x1E400] =	vst v63  }
0x37: {  	s20 =	rddreg [dreg:$0x10]  }
0x38: {  	[tilespmem:s28], [sflag:$0x3] =	stream.linear.gather [hbm4b:s20+s3], $0x50, $0x38;
	[tilespmem:$0x1E400] =	vst v63  }
0x39: {  	s21 =	rddreg [dreg:$0x11]  }
0x3a: {  	[tilespmem:s29], [sflag:$0x3] =	stream.linear.gather [hbm4b:s21+s3], $0x50, $0x38;
	[tilespmem:$0x1E400] =	vst v63  }
0x3b: {  	s22 =	rddreg [dreg:$0x12]  }
0x3c: {  	[tilespmem:s30], [sflag:$0x4] =	stream.linear.gather [hbm4b:s22+s3], $0x50, $0x38;
	[tilespmem:$0x1E400] =	vst v63  }
0x3d: {  	s19 =	rddreg [dreg:$0x13]  }
0x3e: {  	[tilespmem:s31], [sflag:$0x4] =	stream.linear.gather [hbm4b:s19+s3], $0x50, $0x38;
	[tilespmem:$0x1E400] =	vst v63  }
0x3f: {  	_ =	swait.ge [sflag:s0], $0x50  }
0x40: {  	[sflag:s0] =	ssyncset.done $0x0  }
0x41: {  	[sflag:s0] =	ssyncadd.s32 $0xFFFFFFB0  }
0x42: {  	_ =	swait.ge [sflag:s0], $0x50  }
0x43: {  	[sflag:s0] =	ssyncset.done $0x0  }
0x44: {  	[sflag:s0] =	ssyncadd.s32 $0xFFFFFFB0  }
0x45: {  	[tilespmem:s7], [sflag:$0x5] =	stream.indirect.gather [hbm4b:s4+s1], $0x80, s3, s1, $0xb8;
	[tilespmem:$0x1E400] =	vst v63  }
0x46: {  	_ =	swait.ge [sflag:s8], $0x50  }
0x47: {  	[sflag:s8] =	ssyncset.done $0x0  }
0x48: {  	[sflag:s8] =	ssyncadd.s32 $0xFFFFFFB0  }
0x49: {  	_ =	swait.ge [sflag:s8], $0x50  }
0x4a: {  	[sflag:s8] =	ssyncset.done $0x0  }
0x4b: {  	[sflag:s8] =	ssyncadd.s32 $0xFFFFFFB0  }
0x4c: {  	[tilespmem:s10], [sflag:$0x6] =	stream.indirect.gather [hbm4b:s4+s1], $0x80, s25, s1, $0xb8;
	[tilespmem:$0x1E400] =	vst v63  }
0x4d: {  	_ =	swait.ge [sflag:s11], $0x50  }
0x4e: {  	[sflag:s11] =	ssyncset.done $0x0  }
0x4f: {  	[sflag:s11] =	ssyncadd.s32 $0xFFFFFFB0  }
0x50: {  	_ =	swait.ge [sflag:s11], $0x50  }
0x51: {  	[sflag:s11] =	ssyncset.done $0x0  }
0x52: {  	[sflag:s11] =	ssyncadd.s32 $0xFFFFFFB0  }
0x53: {  	[tilespmem:s12], [sflag:$0x7] =	stream.indirect.gather [hbm4b:s4+s1], $0x80, s28, s1, $0xb8;
	[tilespmem:$0x1E400] =	vst v63  }
0x54: {  	_ =	swait.ge [sflag:s13], $0x2800  }
0x55: {  	[sflag:s13] =	ssyncset.done $0x0  }
0x56: {  	[sflag:s13] =	ssyncadd.s32 $0xFFFFD800  }
0x57: {  	_ =	swait.ge [sflag:s14], $0x50  }
0x58: {  	[sflag:s14] =	ssyncset.done $0x0  }
0x59: {  	[sflag:s14] =	ssyncadd.s32 $0xFFFFFFB0  }
0x5a: {  	_ =	swait.ge [sflag:s14], $0x50  }
0x5b: {  	[sflag:s14] =	ssyncset.done $0x0  }
0x5c: {  	[sflag:s14] =	ssyncadd.s32 $0xFFFFFFB0  }
0x5d: {  	[tilespmem:s15], [sflag:$0x8] =	stream.indirect.gather [hbm4b:s4+s1], $0x80, s30, s1, $0xb8;
	[tilespmem:$0x1E400] =	vst v63  }
0x5e: {  	_ = 	snop  }
0x5f: {  	[spmem:s2] =	stream.indirect.scatter.add.f32 [tilespmem:s7], [sflag:$0x9], $0x80, s24, s1, $0xb8;
	[tilespmem:$0x1E400] =	vst v63  }
0x60: {  	_ =	swait.ge [sflag:s23], $0x2800  }
0x61: {  	s19 =	rddreg [dreg:$0x18]  }
0x62: {  	[sflag:s23] =	ssyncset.done $0x0;
	s20 =	sshrl.u32 s19, $0x3  }
0x63: {  	[sflag:s23] =	ssyncadd.s32 $0xFFFFD800;
	s21 =	sadd.s32 s5, s20  }
0x64: {  	[tilespmem:s3], [sflag:$0x1] =	stream.linear.gather [hbm4b:s21+s3], $0x50, $0x38;
	[tilespmem:$0x1E400] =	vst v63  }
0x65: {  	s9 =	sadd.s32 s6, s20  }
0x66: {  	[tilespmem:s24], [sflag:$0x1] =	stream.linear.gather [hbm4b:s9+s3], $0x50, $0x38;
	[tilespmem:$0x1E400] =	vst v63  }
0x67: {  	_ =	swait.ge [sflag:s16], $0x2800  }
0x68: {  	[sflag:s16] =	ssyncset.done $0x0  }
0x69: {  	[sflag:s16] =	ssyncadd.s32 $0xFFFFD800  }
0x6a: {  	_ =	swait.ge [sflag:s0], $0x50  }
0x6b: {  	[sflag:s0] =	ssyncset.done $0x0  }
0x6c: {  	[sflag:s0] =	ssyncadd.s32 $0xFFFFFFB0  }
0x6d: {  	_ =	swait.ge [sflag:s0], $0x50  }
0x6e: {  	[sflag:s0] =	ssyncset.done $0x0  }
0x6f: {  	[sflag:s0] =	ssyncadd.s32 $0xFFFFFFB0  }
0x70: {  	[tilespmem:s7], [sflag:$0x5] =	stream.indirect.gather [hbm4b:s4+s1], $0x80, s3, s1, $0xb8;
	[tilespmem:$0x1E400] =	vst v63  }
0x71: {  	_ = 	snop  }
0x72: {  	[spmem:s2] =	stream.indirect.scatter.add.f32 [tilespmem:s10], [sflag:$0x9], $0x80, s26, s1, $0xb8;
	[tilespmem:$0x1E400] =	vst v63  }
0x73: {  	_ =	swait.ge [sflag:s23], $0x2800  }
0x74: {  	s21 =	rddreg [dreg:$0x8];
	[sflag:s23] =	ssyncset.done $0x0  }
0x75: {  	s22 =	rddreg [dreg:$0x7];
	[sflag:s23] =	ssyncadd.s32 $0xFFFFD800;
	s9 =	sadd.s32 $0x0, s21  }
0x76: {  	[tilespmem:s25], [sflag:$0x2] =	stream.linear.gather [hbm4b:s9+s3], $0x50, $0x38;
	[tilespmem:$0x1E400] =	vst v63  }
0x77: {  	s20 =	sadd.s32 $0x0, s22  }
0x78: {  	[tilespmem:s26], [sflag:$0x2] =	stream.linear.gather [hbm4b:s20+s3], $0x50, $0x38;
	[tilespmem:$0x1E400] =	vst v63  }
0x79: {  	_ =	swait.ge [sflag:s17], $0x2800  }
0x7a: {  	[sflag:s17] =	ssyncset.done $0x0  }
0x7b: {  	[sflag:s17] =	ssyncadd.s32 $0xFFFFD800  }
0x7c: {  	_ =	swait.ge [sflag:s8], $0x50  }
0x7d: {  	[sflag:s8] =	ssyncset.done $0x0  }
0x7e: {  	[sflag:s8] =	ssyncadd.s32 $0xFFFFFFB0  }
0x7f: {  	_ =	swait.ge [sflag:s8], $0x50  }
0x80: {  	[sflag:s8] =	ssyncset.done $0x0  }
0x81: {  	[sflag:s8] =	ssyncadd.s32 $0xFFFFFFB0  }
0x82: {  	[tilespmem:s10], [sflag:$0x6] =	stream.indirect.gather [hbm4b:s4+s1], $0x80, s25, s1, $0xb8;
	[tilespmem:$0x1E400] =	vst v63  }
0x83: {  	_ = 	snop  }
0x84: {  	[spmem:s2] =	stream.indirect.scatter.add.f32 [tilespmem:s12], [sflag:$0x9], $0x80, s29, s1, $0xb8;
	[tilespmem:$0x1E400] =	vst v63  }
0x85: {  	_ =	swait.ge [sflag:s23], $0x2800  }
0x86: {  	s21 =	rddreg [dreg:$0x6];
	[sflag:s23] =	ssyncset.done $0x0  }
0x87: {  	s22 =	rddreg [dreg:$0x5];
	[sflag:s23] =	ssyncadd.s32 $0xFFFFD800;
	s9 =	sadd.s32 $0x0, s21  }
0x88: {  	[tilespmem:s28], [sflag:$0x3] =	stream.linear.gather [hbm4b:s9+s3], $0x50, $0x38;
	[tilespmem:$0x1E400] =	vst v63  }
0x89: {  	s20 =	sadd.s32 $0x0, s22  }
0x8a: {  	[tilespmem:s29], [sflag:$0x3] =	stream.linear.gather [hbm4b:s20+s3], $0x50, $0x38;
	[tilespmem:$0x1E400] =	vst v63  }
0x8b: {  	_ =	swait.ge [sflag:s18], $0x2800  }
0x8c: {  	[sflag:s18] =	ssyncset.done $0x0  }
0x8d: {  	[sflag:s18] =	ssyncadd.s32 $0xFFFFD800  }
0x8e: {  	_ =	swait.ge [sflag:s11], $0x50  }
0x8f: {  	[sflag:s11] =	ssyncset.done $0x0  }
0x90: {  	[sflag:s11] =	ssyncadd.s32 $0xFFFFFFB0  }
0x91: {  	_ =	swait.ge [sflag:s11], $0x50  }
0x92: {  	[sflag:s11] =	ssyncset.done $0x0  }
0x93: {  	[sflag:s11] =	ssyncadd.s32 $0xFFFFFFB0  }
0x94: {  	[tilespmem:s12], [sflag:$0x7] =	stream.indirect.gather [hbm4b:s4+s1], $0x80, s28, s1, $0xb8;
	[tilespmem:$0x1E400] =	vst v63  }
0x95: {  	_ = 	snop  }
0x96: {  	[spmem:s2] =	stream.indirect.scatter.add.f32 [tilespmem:s15], [sflag:$0x9], $0x80, s31, s1, $0xb8;
	[tilespmem:$0x1E400] =	vst v63  }
0x97: {  	_ =	swait.ge [sflag:s23], $0x2800  }
0x98: {  	s21 =	rddreg [dreg:$0x4];
	[sflag:s23] =	ssyncset.done $0x0  }
0x99: {  	s22 =	rddreg [dreg:$0x3];
	[sflag:s23] =	ssyncadd.s32 $0xFFFFD800;
	s9 =	sadd.s32 $0x0, s21  }
0x9a: {  	[tilespmem:s30], [sflag:$0x4] =	stream.linear.gather [hbm4b:s9+s3], $0x50, $0x38;
	[tilespmem:$0x1E400] =	vst v63  }
0x9b: {  	s21 =	simm.s32 $0x28;
	s22 =	sadd.s32 $0x0, s22;
	s9 =	sadd.s32 $0x140, s19  }
.LBB2_2:
0x9c: {  	[tilespmem:s31], [sflag:$0x4] =	stream.linear.gather [hbm4b:s22+s3], $0x50, $0x38;
	[tilespmem:$0x1E400] =	vst v63  }
0x9d: {  	_ =	swait.ge [sflag:s13], $0x2800  }
0x9e: {  	[sflag:s13] =	ssyncset.done $0x0  }
0x9f: {  	[sflag:s13] =	ssyncadd.s32 $0xFFFFD800  }
0xa0: {  	_ =	swait.ge [sflag:s14], $0x50  }
0xa1: {  	[sflag:s14] =	ssyncset.done $0x0  }
0xa2: {  	[sflag:s14] =	ssyncadd.s32 $0xFFFFFFB0  }
0xa3: {  	_ =	swait.ge [sflag:s14], $0x50  }
0xa4: {  	[sflag:s14] =	ssyncset.done $0x0  }
0xa5: {  	[sflag:s14] =	ssyncadd.s32 $0xFFFFFFB0  }
0xa6: {  	[tilespmem:s15], [sflag:$0x8] =	stream.indirect.gather [hbm4b:s4+s1], $0x80, s30, s1, $0xb8;
	[tilespmem:$0x1E400] =	vst v63  }
0xa7: {  	_ = 	snop  }
0xa8: {  	[spmem:s2] =	stream.indirect.scatter.add.f32 [tilespmem:s7], [sflag:$0x9], $0x80, s24, s1, $0xb8;
	[tilespmem:$0x1E400] =	vst v63  }
0xa9: {  	_ =	swait.ge [sflag:s23], $0x2800  }
0xaa: {  	s20 =	sshrl.u32 s9, $0x3;
	[sflag:s23] =	ssyncset.done $0x0  }
0xab: {  	s19 =	sadd.s32 s5, s20;
	[sflag:s23] =	ssyncadd.s32 $0xFFFFD800  }
0xac: {  	[tilespmem:s3], [sflag:$0x1] =	stream.linear.gather [hbm4b:s19+s3], $0x50, $0x38;
	[tilespmem:$0x1E400] =	vst v63  }
0xad: {  	s20 =	sadd.s32 s6, s20  }
0xae: {  	[tilespmem:s24], [sflag:$0x1] =	stream.linear.gather [hbm4b:s20+s3], $0x50, $0x38;
	[tilespmem:$0x1E400] =	vst v63  }
0xaf: {  	_ =	swait.ge [sflag:s16], $0x2800  }
0xb0: {  	[sflag:s16] =	ssyncset.done $0x0  }
0xb1: {  	[sflag:s16] =	ssyncadd.s32 $0xFFFFD800  }
0xb2: {  	_ =	swait.ge [sflag:s0], $0x50  }
0xb3: {  	[sflag:s0] =	ssyncset.done $0x0  }
0xb4: {  	[sflag:s0] =	ssyncadd.s32 $0xFFFFFFB0  }
0xb5: {  	_ =	swait.ge [sflag:s0], $0x50  }
0xb6: {  	[sflag:s0] =	ssyncset.done $0x0  }
0xb7: {  	[sflag:s0] =	ssyncadd.s32 $0xFFFFFFB0  }
0xb8: {  	[tilespmem:s7], [sflag:$0x5] =	stream.indirect.gather [hbm4b:s4+s1], $0x80, s3, s1, $0xb8;
	[tilespmem:$0x1E400] =	vst v63  }
0xb9: {  	_ = 	snop  }
0xba: {  	[spmem:s2] =	stream.indirect.scatter.add.f32 [tilespmem:s10], [sflag:$0x9], $0x80, s26, s1, $0xb8;
	[tilespmem:$0x1E400] =	vst v63  }
0xbb: {  	_ =	swait.ge [sflag:s23], $0x2800  }
0xbc: {  	s22 =	smov.u32 s21;
	s19 =	rddreg [dreg:$0x8];
	[sflag:s23] =	ssyncset.done $0x0  }
0xbd: {  	s20 =	rddreg [dreg:$0x7];
	[sflag:s23] =	ssyncadd.s32 $0xFFFFD800;
	s19 =	sadd.s32 s22, s19  }
0xbe: {  	[tilespmem:s25], [sflag:$0x2] =	stream.linear.gather [hbm4b:s19+s3], $0x50, $0x38;
	[tilespmem:$0x1E400] =	vst v63  }
0xbf: {  	s20 =	sadd.s32 s22, s20  }
0xc0: {  	[tilespmem:s26], [sflag:$0x2] =	stream.linear.gather [hbm4b:s20+s3], $0x50, $0x38;
	[tilespmem:$0x1E400] =	vst v63  }
0xc1: {  	_ =	swait.ge [sflag:s17], $0x2800  }
0xc2: {  	[sflag:s17] =	ssyncset.done $0x0  }
0xc3: {  	[sflag:s17] =	ssyncadd.s32 $0xFFFFD800  }
0xc4: {  	_ =	swait.ge [sflag:s8], $0x50  }
0xc5: {  	[sflag:s8] =	ssyncset.done $0x0  }
0xc6: {  	[sflag:s8] =	ssyncadd.s32 $0xFFFFFFB0  }
0xc7: {  	_ =	swait.ge [sflag:s8], $0x50  }
0xc8: {  	[sflag:s8] =	ssyncset.done $0x0  }
0xc9: {  	[sflag:s8] =	ssyncadd.s32 $0xFFFFFFB0  }
0xca: {  	[tilespmem:s10], [sflag:$0x6] =	stream.indirect.gather [hbm4b:s4+s1], $0x80, s25, s1, $0xb8;
	[tilespmem:$0x1E400] =	vst v63  }
0xcb: {  	_ = 	snop  }
0xcc: {  	[spmem:s2] =	stream.indirect.scatter.add.f32 [tilespmem:s12], [sflag:$0x9], $0x80, s29, s1, $0xb8;
	[tilespmem:$0x1E400] =	vst v63  }
0xcd: {  	_ =	swait.ge [sflag:s23], $0x2800  }
0xce: {  	s19 =	rddreg [dreg:$0x6];
	[sflag:s23] =	ssyncset.done $0x0  }
0xcf: {  	s20 =	rddreg [dreg:$0x5];
	[sflag:s23] =	ssyncadd.s32 $0xFFFFD800;
	s19 =	sadd.s32 s22, s19  }
0xd0: {  	[tilespmem:s28], [sflag:$0x3] =	stream.linear.gather [hbm4b:s19+s3], $0x50, $0x38;
	[tilespmem:$0x1E400] =	vst v63  }
0xd1: {  	s20 =	sadd.s32 s22, s20  }
0xd2: {  	[tilespmem:s29], [sflag:$0x3] =	stream.linear.gather [hbm4b:s20+s3], $0x50, $0x38;
	[tilespmem:$0x1E400] =	vst v63  }
0xd3: {  	_ =	swait.ge [sflag:s18], $0x2800  }
0xd4: {  	[sflag:s18] =	ssyncset.done $0x0  }
0xd5: {  	[sflag:s18] =	ssyncadd.s32 $0xFFFFD800  }
0xd6: {  	_ =	swait.ge [sflag:s11], $0x50  }
0xd7: {  	[sflag:s11] =	ssyncset.done $0x0  }
0xd8: {  	[sflag:s11] =	ssyncadd.s32 $0xFFFFFFB0  }
0xd9: {  	_ =	swait.ge [sflag:s11], $0x50  }
0xda: {  	[sflag:s11] =	ssyncset.done $0x0  }
0xdb: {  	[sflag:s11] =	ssyncadd.s32 $0xFFFFFFB0  }
0xdc: {  	[tilespmem:s12], [sflag:$0x7] =	stream.indirect.gather [hbm4b:s4+s1], $0x80, s28, s1, $0xb8;
	[tilespmem:$0x1E400] =	vst v63  }
0xdd: {  	p0 =	sne.s32 s21, $0x488  }
0xde: {  	[spmem:s2] =	stream.indirect.scatter.add.f32 [tilespmem:s15], [sflag:$0x9], $0x80, s31, s1, $0xb8;
	[tilespmem:$0x1E400] =	vst v63  }
.Ltmp0:
0xdf: {  	_ =	swait.ge [sflag:s23], $0x2800;
	(pc) =	sbr.rel @p0 .LBB2_2-.Ltmp0, $4  }
0xe0: {  	s21 =	sadd.s32 $0x28, s21;
	s19 =	rddreg [dreg:$0x4]  }
0xe1: {  	s9 =	sadd.s32 $0x140, s9;
	s20 =	rddreg [dreg:$0x3];
	[sflag:s23] =	ssyncset.done $0x0  }
0xe2: {  	[sflag:s23] =	ssyncadd.s32 $0xFFFFD800;
	s19 =	sadd.s32 s22, s19;
	s22 =	sadd.s32 s22, s20  }
0xe3: {  	[tilespmem:s30], [sflag:$0x4] =	stream.linear.gather [hbm4b:s19+s3], $0x50, $0x38;
	[tilespmem:$0x1E400] =	vst v63  }
0xe4: {  	[tilespmem:s31], [sflag:$0x4] =	stream.linear.gather [hbm4b:s22+s3], $0x50, $0x38;
	[tilespmem:$0x1E400] =	vst v63  }
0xe5: {  	_ =	swait.ge [sflag:s13], $0x2800  }
0xe6: {  	[sflag:s13] =	ssyncset.done $0x0  }
0xe7: {  	[sflag:s13] =	ssyncadd.s32 $0xFFFFD800  }
0xe8: {  	_ =	swait.ge [sflag:s14], $0x50  }
0xe9: {  	[sflag:s14] =	ssyncset.done $0x0  }
0xea: {  	[sflag:s14] =	ssyncadd.s32 $0xFFFFFFB0  }
0xeb: {  	_ =	swait.ge [sflag:s14], $0x50  }
0xec: {  	[sflag:s14] =	ssyncset.done $0x0  }
0xed: {  	[sflag:s14] =	ssyncadd.s32 $0xFFFFFFB0  }
0xee: {  	[tilespmem:s15], [sflag:$0x8] =	stream.indirect.gather [hbm4b:s4+s1], $0x80, s30, s1, $0xb8;
	[tilespmem:$0x1E400] =	vst v63  }
0xef: {  	_ = 	snop  }
0xf0: {  	[spmem:s2] =	stream.indirect.scatter.add.f32 [tilespmem:s7], [sflag:$0x9], $0x80, s24, s1, $0xb8;
	[tilespmem:$0x1E400] =	vst v63  }
0xf1: {  	_ =	swait.ge [sflag:s23], $0x2800  }
0xf2: {  	[sflag:s23] =	ssyncset.done $0x0  }
0xf3: {  	s9 =	rddreg [dreg:$0x14];
	[sflag:s23] =	ssyncadd.s32 $0xFFFFD800  }
0xf4: {  	[tilespmem:s3], [sflag:$0x1] =	stream.linear.gather [hbm4b:s9+s3], $0x50, $0x38;
	[tilespmem:$0x1E400] =	vst v63  }
0xf5: {  	s21 =	rddreg [dreg:$0x15]  }
0xf6: {  	[tilespmem:s24], [sflag:$0x1] =	stream.linear.gather [hbm4b:s21+s3], $0x50, $0x38;
	[tilespmem:$0x1E400] =	vst v63  }
0xf7: {  	_ =	swait.ge [sflag:s16], $0x2800  }
0xf8: {  	[sflag:s16] =	ssyncset.done $0x0  }
0xf9: {  	[sflag:s16] =	ssyncadd.s32 $0xFFFFD800  }
0xfa: {  	_ =	swait.ge [sflag:s0], $0x50  }
0xfb: {  	[sflag:s0] =	ssyncset.done $0x0  }
0xfc: {  	[sflag:s0] =	ssyncadd.s32 $0xFFFFFFB0  }
0xfd: {  	_ =	swait.ge [sflag:s0], $0x50  }
0xfe: {  	[sflag:s0] =	ssyncset.done $0x0  }
0xff: {  	[sflag:s0] =	ssyncadd.s32 $0xFFFFFFB0  }
0x100: {  	[tilespmem:s7], [sflag:$0x5] =	stream.indirect.gather [hbm4b:s4+s1], $0x80, s3, s1, $0xb8;
	[tilespmem:$0x1E400] =	vst v63  }
0x101: {  	_ = 	snop  }
0x102: {  	[spmem:s2] =	stream.indirect.scatter.add.f32 [tilespmem:s10], [sflag:$0x9], $0x80, s26, s1, $0xb8;
	[tilespmem:$0x1E400] =	vst v63  }
0x103: {  	_ =	swait.ge [sflag:s23], $0x2800  }
0x104: {  	[sflag:s23] =	ssyncset.done $0x0  }
0x105: {  	[sflag:s23] =	ssyncadd.s32 $0xFFFFD800  }
0x106: {  	_ =	swait.ge [sflag:s17], $0x2800  }
0x107: {  	[sflag:s17] =	ssyncset.done $0x0  }
0x108: {  	[sflag:s17] =	ssyncadd.s32 $0xFFFFD800  }
0x109: {  	[spmem:s2] =	stream.indirect.scatter.add.f32 [tilespmem:s12], [sflag:$0x9], $0x80, s29, s1, $0xb8;
	[tilespmem:$0x1E400] =	vst v63  }
0x10a: {  	_ =	swait.ge [sflag:s23], $0x2800  }
0x10b: {  	[sflag:s23] =	ssyncset.done $0x0  }
0x10c: {  	[sflag:s23] =	ssyncadd.s32 $0xFFFFD800  }
0x10d: {  	_ =	swait.ge [sflag:s18], $0x2800  }
0x10e: {  	[sflag:s18] =	ssyncset.done $0x0  }
0x10f: {  	[sflag:s18] =	ssyncadd.s32 $0xFFFFD800  }
0x110: {  	[spmem:s2] =	stream.indirect.scatter.add.f32 [tilespmem:s15], [sflag:$0x9], $0x80, s31, s1, $0xb8;
	[tilespmem:$0x1E400] =	vst v63  }
0x111: {  	_ =	swait.ge [sflag:s23], $0x2800  }
0x112: {  	[sflag:s23] =	ssyncset.done $0x0  }
0x113: {  	[sflag:s23] =	ssyncadd.s32 $0xFFFFD800  }
0x114: {  	_ =	swait.ge [sflag:s13], $0x2800  }
0x115: {  	[sflag:s13] =	ssyncset.done $0x0  }
0x116: {  	[sflag:s13] =	ssyncadd.s32 $0xFFFFD800  }
0x117: {  	[spmem:s2] =	stream.indirect.scatter.add.f32 [tilespmem:s7], [sflag:$0x9], $0x80, s24, s1, $0xb8;
	[tilespmem:$0x1E400] =	vst v63  }
0x118: {  	_ =	swait.ge [sflag:s23], $0x2800  }
0x119: {  	[sflag:s23] =	ssyncset.done $0x0  }
0x11a: {  	[sflag:s23] =	ssyncadd.s32 $0xFFFFD800  }
0x11b: {  	[bflag:$0x0] =	sbarrier.arrive $0xFFFF  }
0x11c: {  	s19 =	rddreg [dreg:$0xb]  }
0x11d: {  	s22 =	rddreg [dreg:$0x16]  }
0x11e: {  	s20 =	rddreg [dreg:$0x1a]  }
0x11f: {  	[hbm:s22], [sflag:s19] =	dma.local [spmem:s20], $0x2800  }
0x120: {  	_ =	swait.ge [sflag:s23], $0x2800  }
0x121: {  	s21 =	rddreg [dreg:$0x19]  }
0x122: {  	s22 =	rddreg [dreg:$0x17];
	s20 =	sadd.s32 $0x1, s21  }
0x123: {  	p0 =	sne.s32 s20, s22  }
.Ltmp1:
0x124: {  	_ = 	snop;
	(pc) =	sbr.rel @p0 .LBB2_1-.Ltmp1, $3  }
0x125: {  	_ =	sdelay $0x1  }
0x126: {  	[sflag:s23] =	ssyncset.done $0x0  }
0x127: {  	[sflag:s23] =	ssyncadd.s32 $0xFFFFD800  }
0x128: {  	_ =	sfence.sel $0x180000  }
0x129: {  	[bflag:$0x0] =	sbarrier.arrive $0xFFFF  }
0x12a: {  	_ =	strace $0x9000004D  }
0x12b: {  	s0 =	stileid.u32;
	[bflag:$0x2] =	sbarrier.arrive $0xFFFF  }
0x12c: {  	p0 =	sne.s32 s0, $0x0;
	s0 =	rddreg [dreg:$0x2]  }
0x12d: {  	s0 =	sadd.s32 @!p0 $0x100000, s0  }
0x12e: {  	[sflag:s0] =	ssyncadd.tile.s32 @!p0 $0x1;
	_ =	shalt  }
.Lfunc_end2:
_tile_overlayer_lowered:
.L_overlay_start_2:
0x12f: {  	(tag) =	ssettag $0x2  }
0x130: {  	s0 =	rddreg [dreg:$0x0];
	s2 =	stileid.u32  }
0x131: {  	s1 =	rddreg [dreg:$0x1];
	p0 =	sne.s32 s2, $0x0  }
0x132: {  	s3 =	rddreg [dreg:$0x2];
	[bflag:$0x3] =	sbarrier.arrive $0xFFFF;
	s2 =	simm.s32 @!p0 $0x1C09  }
0x133: {  	[timem:s3], [sflag:s2] =	dma.local @!p0 [hbm:s0], s1  }
0x134: {  	s0 =	simm.s32 @!p0 $0x9  }
0x135: {  	_ =	swait.ge @!p0 [sflag:s0], s1  }
0x136: {  	s1 =	ssub.s32 @!p0 $0x0, s1;
	[sflag:s0] =	ssyncset.done @!p0 $0x0  }
0x137: {  	[sflag:s0] =	ssyncadd.s32 @!p0 s1  }
0x138: {  	[bflag:$0x3] =	sbarrier.arrive $0xFFFF  }
0x139: {  	_ =	shalt  }

// kernel: kernel.8.cloned.1.call-start
scs
__scs_entry_jumppad:
0x0: {  	(pc) =	sbr.rel $0x88, $3  }
0x1: {  	(tag) =	ssettag $0x0;
	lr =	simm.s32 $0x1  }
0x2: {  	[smem:$0x3F9A] =	sst lr;
	_ =	strace $0xD0000000  }
0x3: {  	_ = 	snop  }
0x4: {  	_ = 	snop  }
0x5: {  	_ = 	snop  }
0x6: {  	_ = 	snop  }
0x7: {  	_ = 	snop  }
__scs_overlays_trampoline_lowered:
0x8: {  	[smem:$0x3FA9] =	sst s0  }
0x9: {  	[smem:$0x3FAA] =	sst s1  }
0xa: {  	[smem:$0x3FAB] =	sst s2  }
0xb: {  	[smem:$0x3FAC] =	sst s3  }
0xc: {  	[smem:$0x3FAD] =	sst s4  }
0xd: {  	[smem:$0x3FAE] =	sst s5  }
0xe: {  	[smem:$0x3FAF] =	sst s6  }
0xf: {  	[smem:$0x3FB0] =	sst s7  }
0x10: {  	[smem:$0x3FB1] =	sst s8  }
0x11: {  	[smem:$0x3FB2] =	sst s9;
	s0 =	simm.s32 @!p0 $0x0  }
0x12: {  	s1 =	sld [smem:$0x3F98];
	s0 =	simm.s32 @p0 $0x1  }
0x13: {  	[smem:$0x3FB3] =	sst s0;
	s0 =	simm.s32 @!p1 $0x0  }
0x14: {  	s2 =	sld [smem:$0x3F97];
	s0 =	simm.s32 @p1 $0x1  }
0x15: {  	[smem:$0x3FB4] =	sst s0;
	s0 =	simm.s32 @!p2 $0x0  }
0x16: {  	s3 =	sld [smem:$0x3FDB];
	s0 =	simm.s32 @p2 $0x1  }
0x17: {  	s4 =	simm.s32 $0x1BF5;
	[smem:$0x3FB6] =	sst s0  }
0x18: {  	s0 =	sld [smem:$0x3F99];
	_ =	swait.ge [sflag:s4], $0x0  }
0x19: {  	s7 =	sld [smem:$0x3F9A]  }
0x1a: {  	s8 =	sadd.s32 $0xFFFFE003, lr  }
0x1b: {  	s9 =	sadd.s32 $0xFFFFFEF7, lr;
	s5 =	simm.s32 $0xFFFFFFFF;
	p2 =	slt.u32 s8, $0xFFFFF086  }
0x1c: {  	p1 =	slt.u32 s9, $0xF7A;
	s5 =	simm.s32 @!p2 $0x0  }
0x1d: {  	s5 =	simm.s32 @p1 $0x1;
	p0 =	seq.s32 s7, s2  }
0x1e: {  	s7 =	smul.u32 @!p0 $0xF7A, s2;
	p2 =	seq.s32 @!p0 s5, $0x0  }
0x1f: {  	s9 =	smul.u32 $0xF7A, s1;
	s8 =	simm.s32 @!p0 $0x1BF5;
	p2 =	por !p2, p0  }
0x20: {  	[sflag:s8] =	ssyncset.s32 @!p0 $0xFFFFF086;
	s6 =	sadd.s32 @!p0 s3, s7;
	s7 =	simm.s32 @!p0 $0x108  }
0x21: {  	s3 =	sadd.s32 s3, s9;
	s6 =	sadd.s32 @!p0 $0x88, s6;
	s7 =	simm.s32 @p2 $0x1082  }
0x22: {  	[simem:s7], [sflag:s8] =	dma.local @!p0 [hbm:s6], $0xF7A  }
0x23: {  	s9 =	sor.u32 $0xD0000000, s2;
	s6 =	simm.s32 $0x108;
	_ =	swait.ge @!p0 [sflag:s8], $0x0  }
0x24: {  	s3 =	sadd.s32 $0x88, s3;
	s6 =	simm.s32 @!p1 $0x1082;
	[sflag:s4] =	ssyncset.s32 $0xFFFFF086  }
0x25: {  	[simem:s6], [sflag:s4] =	dma.local [hbm:s3], $0xF7A  }
0x26: {  	[smem:$0x3F9A] =	sst s1;
	(tag) =	ssettag s2;
	_ =	strace s9  }
0x27: {  	s1 =	sld [smem:$0x3FAA]  }
0x28: {  	s2 =	sld [smem:$0x3FAB]  }
0x29: {  	s4 =	sld [smem:$0x3FAD]  }
0x2a: {  	p0 =	seq.s32 s5, $0x0;
	s5 =	sld [smem:$0x3FAE]  }
0x2b: {  	s6 =	sld [smem:$0x3FAF]  }
0x2c: {  	s7 =	sld [smem:$0x3FB0]  }
0x2d: {  	s3 =	simm.s32 $0x108;
	s8 =	sld [smem:$0x3FB1]  }
0x2e: {  	s3 =	simm.s32 @!p0 $0x1082;
	s9 =	sld [smem:$0x3FB2]  }
0x2f: {  	lr =	sadd.s32 s0, s3;
	s0 =	sld [smem:$0x3FA9]  }
0x30: {  	s3 =	sld [smem:$0x3FAC]  }
0x31: {  	[smem:$0x3FB5] =	sst s10  }
0x32: {  	s10 =	sld [smem:$0x3FB3];
	_ =	sdelay $0x3  }
0x33: {  	p0 =	seq.s32 s10, $0x1;
	s10 =	sld [smem:$0x3FB5];
	_ =	sdelay $0x3  }
0x34: {  	[smem:$0x3FB5] =	sst s10  }
0x35: {  	s10 =	sld [smem:$0x3FB4];
	_ =	sdelay $0x3  }
0x36: {  	p1 =	seq.s32 s10, $0x1;
	s10 =	sld [smem:$0x3FB5];
	_ =	sdelay $0x3  }
0x37: {  	[smem:$0x3FB5] =	sst s10  }
0x38: {  	s10 =	sld [smem:$0x3FB6]  }
0x39: {  	_ = 	snop;
	(pc) =	sbr.ind lr, $3  }
0x3a: {  	_ = 	snop  }
0x3b: {  	_ = 	snop  }
0x3c: {  	p2 =	seq.s32 s10, $0x1;
	s10 =	sld [smem:$0x3FB5]  }
0x3d: {  	_ =	shalt  }
0x3e: {  	_ =	shalt  }
0x3f: {  	_ =	shalt  }
0x40: {  	_ =	shalt  }
0x41: {  	_ =	shalt  }
0x42: {  	_ =	shalt  }
0x43: {  	_ =	shalt  }
0x44: {  	_ =	shalt  }
0x45: {  	_ =	shalt  }
0x46: {  	_ =	shalt  }
0x47: {  	_ =	shalt  }
0x48: {  	_ =	shalt  }
0x49: {  	_ =	shalt  }
0x4a: {  	_ =	shalt  }
0x4b: {  	_ =	shalt  }
0x4c: {  	_ =	shalt  }
0x4d: {  	_ =	shalt  }
0x4e: {  	_ =	shalt  }
0x4f: {  	_ =	shalt  }
0x50: {  	_ =	shalt  }
0x51: {  	_ =	shalt  }
0x52: {  	_ =	shalt  }
0x53: {  	_ =	shalt  }
0x54: {  	_ =	shalt  }
0x55: {  	_ =	shalt  }
0x56: {  	_ =	shalt  }
0x57: {  	_ =	shalt  }
0x58: {  	_ =	shalt  }
0x59: {  	_ =	shalt  }
0x5a: {  	_ =	shalt  }
0x5b: {  	_ =	shalt  }
0x5c: {  	_ =	shalt  }
0x5d: {  	_ =	shalt  }
0x5e: {  	_ =	shalt  }
0x5f: {  	_ =	shalt  }
0x60: {  	_ =	shalt  }
0x61: {  	_ =	shalt  }
0x62: {  	_ =	shalt  }
0x63: {  	_ =	shalt  }
0x64: {  	_ =	shalt  }
0x65: {  	_ =	shalt  }
0x66: {  	_ =	shalt  }
0x67: {  	_ =	shalt  }
0x68: {  	_ =	shalt  }
0x69: {  	_ =	shalt  }
0x6a: {  	_ =	shalt  }
0x6b: {  	_ =	shalt  }
0x6c: {  	_ =	shalt  }
0x6d: {  	_ =	shalt  }
0x6e: {  	_ =	shalt  }
0x6f: {  	_ =	shalt  }
0x70: {  	_ =	shalt  }
0x71: {  	_ =	shalt  }
0x72: {  	_ =	shalt  }
0x73: {  	_ =	shalt  }
0x74: {  	_ =	shalt  }
0x75: {  	_ =	shalt  }
0x76: {  	_ =	shalt  }
0x77: {  	_ =	shalt  }
0x78: {  	_ =	shalt  }
0x79: {  	_ =	shalt  }
0x7a: {  	_ =	shalt  }
0x7b: {  	_ =	shalt  }
0x7c: {  	_ =	shalt  }
0x7d: {  	_ =	shalt  }
0x7e: {  	_ =	shalt  }
0x7f: {  	_ =	shalt  }
0x80: {  	_ =	shalt  }
0x81: {  	_ =	shalt  }
0x82: {  	_ =	shalt  }
0x83: {  	_ =	shalt  }
0x84: {  	_ =	shalt  }
0x85: {  	_ =	shalt  }
0x86: {  	_ =	shalt  }
0x87: {  	_ =	shalt  }
.Lfunc_end0:
.L_simem_size_0:
called_computation_lowered:
.L_overlay_start_0:
0x88: {  	s2 =	sld [smem:$0x3FD9]  }
0x89: {  	s3 =	sld [smem:$0x3FFE];
	_ =	sdelay $0x1  }
0x8a: {  	s1 =	srdreg.scid  }
0x8b: {  	s0 =	sand.u32 $0x1, s1  }
0x8c: {  	s16 =	sshll.u32 s0, $0xA;
	s2 =	sadd.s32 s3, s2  }
0x8d: {  	s2 =	sadd.s32 s2, s16  }
0x8e: {  	[smem:$0x3FC1] =	sst s2  }
0x8f: {  	_ = 	snop  }
0x90: {  	(tm) =	ssettm $0x1  }
0x91: {  	s17 =	sld [smem:$0x3FFB];
	_ =	sdelay $0x3  }
0x92: {  	_ =	strace s17  }
0x93: {  	s2 =	sld [smem:$0x3FFC];
	_ =	sdelay $0x3  }
0x94: {  	_ =	strace s2  }
0x95: {  	s2 =	sld [smem:$0x3FFD];
	_ =	sdelay $0x3  }
0x96: {  	_ =	strace s2  }
0x97: {  	_ =	strace $0x8FFFFFFF  }
0x98: {  	s18 =	sld [smem:$0x3FDB];
	_ =	sdelay $0x1  }
0x99: {  	s19 =	simm.s32 $_scs_section_size  }
0x9a: {  	s4 =	simm.s32 $_size__tile_overlayer_lowered;
	s5 =	simm.s32 $_tile_overlayer_lowered  }
0x9b: {  	s22 =	simm.s32 $0x1BFF;
	s21 =	sshll.u32 s5, $0x1;
	s2 =	sadd.s32 s19, s18  }
0x9c: {  	s6 =	simm.s32 $0x0;
	s20 =	sshll.u32 s4, $0x1;
	s4 =	sadd.s32 s21, s2  }
0x9d: {  	[timem:s6], [sflag:s22] =	dma.local [hbm:s4], s20  }
0x9e: {  	_ =	swait.ge [sflag:s22], s20  }
0x9f: {  	s3 =	ssub.s32 $0x0, s20;
	[sflag:s22] =	ssyncset.done $0x0  }
0xa0: {  	[sflag:s22] =	ssyncadd.s32 s3;
	_ =	sdelay $0x1  }
0xa1: {  	s23 =	simm.s32 $0x1B8B  }
0xa2: {  	_ =	swait.ge [sflag:s23], $0x1  }
0xa3: {  	[sflag:s23] =	ssyncset.done $0x0  }
0xa4: {  	s25 =	simm.s32 $0x1B8E;
	s24 =	sld [smem:$0x3FFE];
	[sflag:s23] =	ssyncadd.s32 $0xFFFFFFFF  }
0xa5: {  	s26 =	simm.s32 $execute0_lowered;
	[smem:$0x3FD2] =	sst s25  }
0xa6: {  	s4 =	sshll.u32 s26, $0x1;
	_ =	strace $0x80000046;
	[dreg:$0x1] =	wrdreg $0xFFFFFFFF  }
0xa7: {  	s28 =	simm.s32 $_size_execute0_lowered;
	s2 =	sadd.s32 s2, s4;
	[dreg:$0x0] =	wrdreg $0x0  }
0xa8: {  	s4 =	sshll.u32 s28, $0x1;
	[dreg:$0x2] =	wrdreg s2  }
0xa9: {  	[dreg:$0x3] =	wrdreg s4  }
0xaa: {  	[dreg:$0x4] =	wrdreg $0xC0  }
0xab: {  	_ =	task [dreg:s6], $0x5FFFF  }
0xac: {  	[dreg:$0x1] =	wrdreg $0xFFFFFFFF  }
0xad: {  	[dreg:$0x0] =	wrdreg $0x60  }
0xae: {  	[dreg:$0x2] =	wrdreg s24  }
0xaf: {  	[dreg:$0x3] =	wrdreg $0x29000  }
0xb0: {  	[dreg:$0x4] =	wrdreg $0x9  }
0xb1: {  	_ =	task.clear_ibuf [dreg:s6], $0x5FFFF;
	_ =	strace $0x90000046  }
0xb2: {  	s29 =	simm.s32 $0x9;
	_ =	strace $0x80000048  }
0xb3: {  	_ =	swait.ge [sflag:s29], $0x1  }
0xb4: {  	[sflag:s29] =	ssyncadd.s32 $0xFFFFFFFF  }
0xb5: {  	_ =	strace $0x90000048  }
0xb6: {  	_ =	sfence  }
0xb7: {  	s30 =	sld [smem:$0x0];
	_ =	sdelay $0x2  }
0xb8: {  	s31 =	sshll.u32 s1, $0xD;
	s1 =	sshrl.u32 s1, $0x2  }
0xb9: {  	s3 =	sand.u32 $0x4000, s31;
	s1 =	sadd.s32 s1, s30  }
0xba: {  	s0 =	sor.u32 s3, s0;
	s1 =	sshll.u32 s1, $0x11  }
0xbb: {  	s0 =	sor.u32 s1, s0  }
0xbc: {  	s0 =	sadd.s32 $0x8F2B, s0  }
0xbd: {  	[sflag:s0] =	ssyncadd.remote.s32 $0x1  }
0xbe: {  	_ =	sfence.sel $0xFFFF  }
0xbf: {  	[dreg:$0x0] =	wrdreg $0xFFFFFFFF;
	(pc) =	sbr.abs _section_cstart, $3  }
0xc0: {  	[dreg:$0x1] =	wrdreg $0xFFFFFFFF  }
0xc1: {  	_ =	task.clear_ibuf [dreg:s6], $0x2FFFF;
	_ =	strace $0x9FFFFFFF  }
0xc2: {  	(tm) =	ssettm $0x7FFFFFFF  }
0xc3: {  	_ =	shalt  }
tec
execute0_lowered:
.L_overlay_start_1:
0x0: {  	(tag) =	ssettag $0x1  }
0x1: {  	s6 =	rddreg [dreg:$0x0]  }
0x2: {  	s2 =	rddreg [dreg:$0x1]  }
0x3: {  	s0 =	rddreg [dreg:$0x2]  }
0x4: {  	s3 =	simm.s32 $0x0;
	s1 =	stileid.u32;
	s4 =	srdreg.scid  }
0x5: {  	s17 =	simm.s32 $0x100;
	s18 =	simm.s32 $0x80;
	s19 =	simm.s32 $0x1  }
0x6: {  	s20 =	simm.s32 $0x50;
	s21 =	simm.s32 $0x2;
	s22 =	simm.s32 $0x0  }
0x7: {  	[smem:$0x7FF] =	sst s3;
	s7 =	smul.u32 $0x14000, s1;
	s8 =	sand.u32 $0x1, s4  }
0x8: {  	s4 =	sadd.s32 $0xD400, s6;
	s5 =	sadd.s32 $0x3F200, s6;
	s23 =	smul.u32 $0x50000, s1  }
0x9: {  	s13 =	smul.u32 $0x2710, s1;
	s28 =	sshll.u32 s1, $0x6;
	_ =	strace $0x80000047  }
0xa: {  	s9 =	smul.u32 $0x140000, s8;
	s11 =	sshll.u32 s8, $0x4;
	s24 =	ssub.s32 $0x2, s8  }
0xb: {  	s25 =	smul.u32 $0x27100, s8;
	s10 =	sshrl.u32 s7, $0x3;
	s11 =	sor.u32 s1, s11  }
0xc: {  	s26 =	sshrl.u32 s24, $0x1;
	s7 =	sadd.s32 s7, s9;
	s10 =	sadd.s32 s10, s6  }
0xd: {  	s11 =	smul.u32 $0x2710, s11;
	s9 =	sshrl.u32 s23, $0x2;
	s14 =	ssub.s32 s24, s26  }
0xe: {  	s16 =	sadd.s32 s13, s25;
	s7 =	sshrl.u32 s7, $0x3;
	s15 =	sadd.s32 s9, s2  }
0xf: {  	s30 =	sadd.s32 $0xF0, s16;
	s12 =	sadd.s32 s7, s6;
	s6 =	sadd.s32 $0x17200, s10  }
0x10: {  	s29 =	sshrl.u32 s11, $0x3;
	s7 =	sor.u32 $0x1C03, s28;
	s31 =	sshrl.u32 s30, $0x3  }
0x11: {  	s11 =	smax.u32 s14, $0x1;
	s14 =	sadd.s32 $0xA0, s16;
	s15 =	sshrl.u32 s15, $0x3  }
0x12: {  	s16 =	simm.s32 $0x3;
	s8 =	sadd.s32 s4, s29;
	s10 =	sadd.s32 $0x3F800, s12  }
0x13: {  	s13 =	sadd.s32 s31, s4;
	s9 =	sadd.s32 $0xA, s8;
	s12 =	sadd.s32 $0x4D8, s8  }
.LBB2_1:
0x14: {  	[spmem:s15], [sflag:s7] =	dma.local [hbm:s6], $0x2800  }
0x15: {  	_ =	swait.ge [sflag:s16], $0x2800  }
0x16: {  	[sflag:s16] =	ssyncset.done $0x0  }
0x17: {  	[sflag:s16] =	ssyncadd.s32 $0xFFFFD800  }
0x18: {  	[tilespmem:s17], [sflag:$0x3] =	stream.linear.gather [hbm4b:s5+s3], $0x2800, $0x38;
	[tilespmem:$0x16900] =	vst v63  }
0x19: {  	_ =	swait.ge [sflag:s16], $0x2800  }
0x1a: {  	[sflag:s16] =	ssyncset.done $0x0  }
0x1b: {  	[sflag:s16] =	ssyncadd.s32 $0xFFFFD800  }
0x1c: {  	[bflag:$0x0] =	sbarrier.arrive $0xFFFF  }
0x1d: {  	[tilespmem:s3], [sflag:$0x1] =	stream.linear.gather [hbm4b:s8+s3], $0x50, $0x38;
	[tilespmem:$0x16900] =	vst v63  }
0x1e: {  	_ = 	snop  }
0x1f: {  	[tilespmem:s18], [sflag:$0x2] =	stream.linear.gather [hbm4b:s9+s3], $0x50, $0x38;
	[tilespmem:$0x16900] =	vst v63  }
0x20: {  	_ =	swait.ge [sflag:s19], $0x50  }
0x21: {  	[sflag:s19] =	ssyncset.done $0x0  }
0x22: {  	[sflag:s19] =	ssyncadd.s32 $0xFFFFFFB0  }
0x23: {  	[spmem:s2] =	stream.indirect.scatter.add.f32 [tilespmem:s17], [sflag:$0x3], $0x80, s3, s20, $0xb8;
	[tilespmem:$0x16900] =	vst v63  }
0x24: {  	_ =	swait.ge [sflag:s16], $0x2800  }
0x25: {  	s23 =	sshrl.u32 s14, $0x3;
	[sflag:s16] =	ssyncset.done $0x0  }
0x26: {  	s23 =	sadd.s32 s4, s23;
	[sflag:s16] =	ssyncadd.s32 $0xFFFFD800  }
0x27: {  	[tilespmem:s3], [sflag:$0x1] =	stream.linear.gather [hbm4b:s23+s3], $0x50, $0x38;
	[tilespmem:$0x16900] =	vst v63  }
0x28: {  	_ =	swait.ge [sflag:s21], $0x50  }
0x29: {  	[sflag:s21] =	ssyncset.done $0x0  }
0x2a: {  	[sflag:s21] =	ssyncadd.s32 $0xFFFFFFB0  }
0x2b: {  	[spmem:s2] =	stream.indirect.scatter.add.f32 [tilespmem:s17], [sflag:$0x3], $0x80, s18, s20, $0xb8;
	[tilespmem:$0x16900] =	vst v63  }
0x2c: {  	_ =	swait.ge [sflag:s16], $0x2800  }
0x2d: {  	s25 =	sadd.s32 $0x0, s13;
	[sflag:s16] =	ssyncset.done $0x0  }
0x2e: {  	s24 =	sadd.s32 $0xA0, s14;
	s23 =	simm.s32 $0x14;
	[sflag:s16] =	ssyncadd.s32 $0xFFFFD800  }
.LBB2_2:
0x2f: {  	[tilespmem:s18], [sflag:$0x2] =	stream.linear.gather [hbm4b:s25+s3], $0x50, $0x38;
	[tilespmem:$0x16900] =	vst v63  }
0x30: {  	s25 =	smov.u32 s23  }
0x31: {  	p0 =	sne.s32 s23, $0x4B0;
	s23 =	sadd.s32 $0x14, s23;
	_ =	swait.ge [sflag:s19], $0x50  }
0x32: {  	[sflag:s19] =	ssyncset.done $0x0  }
0x33: {  	[sflag:s19] =	ssyncadd.s32 $0xFFFFFFB0  }
0x34: {  	[spmem:s2] =	stream.indirect.scatter.add.f32 [tilespmem:s17], [sflag:$0x3], $0x80, s3, s20, $0xb8;
	[tilespmem:$0x16900] =	vst v63  }
0x35: {  	_ =	swait.ge [sflag:s16], $0x2800  }
0x36: {  	s26 =	sshrl.u32 s24, $0x3;
	[sflag:s16] =	ssyncset.done $0x0  }
0x37: {  	s26 =	sadd.s32 s4, s26;
	[sflag:s16] =	ssyncadd.s32 $0xFFFFD800  }
0x38: {  	[tilespmem:s3], [sflag:$0x1] =	stream.linear.gather [hbm4b:s26+s3], $0x50, $0x38;
	[tilespmem:$0x16900] =	vst v63  }
0x39: {  	_ =	swait.ge [sflag:s21], $0x50  }
0x3a: {  	[sflag:s21] =	ssyncset.done $0x0  }
.Ltmp0:
0x3b: {  	[sflag:s21] =	ssyncadd.s32 $0xFFFFFFB0;
	(pc) =	sbr.rel @p0 .LBB2_2-.Ltmp0, $4  }
0x3c: {  	[spmem:s2] =	stream.indirect.scatter.add.f32 [tilespmem:s17], [sflag:$0x3], $0x80, s18, s20, $0xb8;
	[tilespmem:$0x16900] =	vst v63  }
0x3d: {  	_ =	swait.ge [sflag:s16], $0x2800  }
0x3e: {  	[sflag:s16] =	ssyncset.done $0x0  }
0x3f: {  	s24 =	sadd.s32 $0xA0, s24;
	s25 =	sadd.s32 s25, s13;
	[sflag:s16] =	ssyncadd.s32 $0xFFFFD800  }
0x40: {  	[tilespmem:s18], [sflag:$0x2] =	stream.linear.gather [hbm4b:s25+s3], $0x50, $0x38;
	[tilespmem:$0x16900] =	vst v63  }
0x41: {  	_ =	swait.ge [sflag:s19], $0x50  }
0x42: {  	[sflag:s19] =	ssyncset.done $0x0  }
0x43: {  	[sflag:s19] =	ssyncadd.s32 $0xFFFFFFB0  }
0x44: {  	[spmem:s2] =	stream.indirect.scatter.add.f32 [tilespmem:s17], [sflag:$0x3], $0x80, s3, s20, $0xb8;
	[tilespmem:$0x16900] =	vst v63  }
0x45: {  	_ =	swait.ge [sflag:s16], $0x2800  }
0x46: {  	[sflag:s16] =	ssyncset.done $0x0  }
0x47: {  	[sflag:s16] =	ssyncadd.s32 $0xFFFFD800  }
0x48: {  	[tilespmem:s3], [sflag:$0x1] =	stream.linear.gather [hbm4b:s12+s3], $0x50, $0x38;
	[tilespmem:$0x16900] =	vst v63  }
0x49: {  	_ =	swait.ge [sflag:s21], $0x50  }
0x4a: {  	[sflag:s21] =	ssyncset.done $0x0  }
0x4b: {  	[sflag:s21] =	ssyncadd.s32 $0xFFFFFFB0  }
0x4c: {  	[spmem:s2] =	stream.indirect.scatter.add.f32 [tilespmem:s17], [sflag:$0x3], $0x80, s18, s20, $0xb8;
	[tilespmem:$0x16900] =	vst v63  }
0x4d: {  	_ =	swait.ge [sflag:s16], $0x2800  }
0x4e: {  	[sflag:s16] =	ssyncset.done $0x0  }
0x4f: {  	[sflag:s16] =	ssyncadd.s32 $0xFFFFD800  }
0x50: {  	_ =	swait.ge [sflag:s19], $0x50  }
0x51: {  	[sflag:s19] =	ssyncset.done $0x0  }
0x52: {  	[sflag:s19] =	ssyncadd.s32 $0xFFFFFFB0  }
0x53: {  	[spmem:s2] =	stream.indirect.scatter.add.f32 [tilespmem:s17], [sflag:$0x3], $0x80, s3, s20, $0xb8;
	[tilespmem:$0x16900] =	vst v63  }
0x54: {  	_ =	swait.ge [sflag:s16], $0x2800  }
0x55: {  	s22 =	sadd.s32 $0x1, s22;
	[sflag:s16] =	ssyncset.done $0x0  }
0x56: {  	p0 =	sne.s32 s22, s11;
	[sflag:s16] =	ssyncadd.s32 $0xFFFFD800  }
.Ltmp1:
0x57: {  	[bflag:$0x0] =	sbarrier.arrive $0xFFFF;
	(pc) =	sbr.rel @p0 .LBB2_1-.Ltmp1, $4  }
0x58: {  	[hbm:s10], [sflag:s7] =	dma.local [spmem:s15], $0x2800  }
0x59: {  	_ =	swait.ge [sflag:s16], $0x2800  }
0x5a: {  	[sflag:s16] =	ssyncset.done $0x0  }
0x5b: {  	[sflag:s16] =	ssyncadd.s32 $0xFFFFD800  }
0x5c: {  	_ =	sfence.sel $0x180000  }
0x5d: {  	[bflag:$0x0] =	sbarrier.arrive $0xFFFF  }
0x5e: {  	p0 =	sne.s32 s1, $0x0;
	_ =	strace $0x90000047  }
0x5f: {  	s0 =	sadd.s32 @!p0 $0x100000, s0;
	[bflag:$0x2] =	sbarrier.arrive $0xFFFF  }
0x60: {  	[sflag:s0] =	ssyncadd.tile.s32 @!p0 $0x1;
	_ =	shalt  }
.Lfunc_end2:
_tile_overlayer_lowered:
.L_overlay_start_2:
0x61: {  	(tag) =	ssettag $0x2  }
0x62: {  	s0 =	rddreg [dreg:$0x0];
	s2 =	stileid.u32  }
0x63: {  	s1 =	rddreg [dreg:$0x1];
	p0 =	sne.s32 s2, $0x0  }
0x64: {  	s3 =	rddreg [dreg:$0x2];
	[bflag:$0x3] =	sbarrier.arrive $0xFFFF;
	s2 =	simm.s32 @!p0 $0x1C03  }
0x65: {  	[timem:s3], [sflag:s2] =	dma.local @!p0 [hbm:s0], s1  }
0x66: {  	s0 =	simm.s32 @!p0 $0x3  }
0x67: {  	_ =	swait.ge @!p0 [sflag:s0], s1  }
0x68: {  	s1 =	ssub.s32 @!p0 $0x0, s1;
	[sflag:s0] =	ssyncset.done @!p0 $0x0  }
0x69: {  	[sflag:s0] =	ssyncadd.s32 @!p0 s1  }
0x6a: {  	[bflag:$0x3] =	sbarrier.arrive $0xFFFF  }
0x6b: {  	_ =	shalt  }

</sc_bundles>
